<compile_context>
chip_gen: v7x
topology: tpu7x:2x2x1
jax: 0.10.2.dev20260603
libtpu: 0.0.44.dev20260713+nightly
codegen_flags: <defaults>
</compile_context>

<pallas_src>
import jax
import jax.numpy as jnp
from jax import lax
from jax.experimental import pallas as pl
from jax.experimental.pallas import tpu as pltpu
from jax.experimental.pallas import tpu_sc as plsc

N_NODES = 10000
N_EDGES = 320000
D_FEAT = 128
EDGE_DIM = 16

NC = 2
NS = 16
NW = NC * NS
CHUNK = 512
SUB = CHUNK // 128
N_CHUNKS = N_EDGES // CHUNK
N_TCOLS = N_EDGES // 128
MAX_WCHUNKS = N_CHUNKS // NW + 1
NBUF = 2

ROWS_BLK = N_NODES


def _tables_body(x_ref, wb_ref, bb_ref, wr_ref, ws_ref, br_ref, ps_b_ref,
                 pr_ref, ps_ref):
    t = jnp.tanh(
        jnp.dot(x_ref[...], wb_ref[...], preferred_element_type=jnp.float32)
        + bb_ref[...]
    )
    t_r = t.reshape(ROWS_BLK // 8, 8 * D_FEAT)
    pr_ref[...] = (jnp.dot(t_r, wr_ref[...], preferred_element_type=jnp.float32)
                   + br_ref[...])
    ps_ref[...] = (jnp.dot(t_r, ws_ref[...], preferred_element_type=jnp.float32)
                   + ps_b_ref[...])


def _node_tables(x, W_base, b_base, W_edge, b_edge):
    eye8 = jnp.eye(8, dtype=jnp.float32)
    w_r = jnp.kron(eye8, 2.0 * W_edge[:D_FEAT])
    w_s = jnp.kron(eye8, 2.0 * W_edge[D_FEAT:])
    b_r = jnp.tile(2.0 * b_edge, 8).reshape(1, 128)
    b_s = jnp.zeros((1, 128), jnp.float32)
    grid = (N_NODES // ROWS_BLK,)
    return pl.pallas_call(
        _tables_body,
        grid=grid,
        in_specs=[
            pl.BlockSpec((ROWS_BLK, D_FEAT), lambda i: (i, 0)),
            pl.BlockSpec((D_FEAT, D_FEAT), lambda i: (0, 0)),
            pl.BlockSpec((1, D_FEAT), lambda i: (0, 0)),
            pl.BlockSpec((8 * D_FEAT, 128), lambda i: (0, 0)),
            pl.BlockSpec((8 * D_FEAT, 128), lambda i: (0, 0)),
            pl.BlockSpec((1, 128), lambda i: (0, 0)),
            pl.BlockSpec((1, 128), lambda i: (0, 0)),
        ],
        out_specs=[
            pl.BlockSpec((ROWS_BLK // 8, 128), lambda i: (i, 0)),
            pl.BlockSpec((ROWS_BLK // 8, 128), lambda i: (i, 0)),
        ],
        out_shape=[
            jax.ShapeDtypeStruct((N_NODES // 8, 128), jnp.float32),
            jax.ShapeDtypeStruct((N_NODES // 8, 128), jnp.float32),
        ],
    )(x, W_base, b_base.reshape(1, D_FEAT), w_r, w_s, b_r, b_s)


def _edge_body(pr_hbm, ps_hbm, ridx_hbm, sidx_hbm, out_hbm,
               ridx_v, sidx_v,
               rbuf0, rbuf1, sbuf0, sbuf1, obuf0, obuf1,
               pr_s, ps_s,
               sem_i0, sem_i1, sem_o0, sem_o1, sem_t):
    rbufs, sbufs, obufs = [rbuf0, rbuf1], [sbuf0, sbuf1], [obuf0, obuf1]
    sem_is, sem_os = [sem_i0, sem_i1], [sem_o0, sem_o1]
    sid = lax.axis_index("s")
    wid = sid * NC + lax.axis_index("c")

    @pl.when(sid == 0)
    def _():
        pltpu.async_copy(pr_hbm, pr_s, sem_t)
        pltpu.async_copy(ps_hbm, ps_s, sem_t)
    lo_c = lax.shift_right_logical(N_CHUNKS * wid, 5)
    hi_c = lax.shift_right_logical(N_CHUNKS * (wid + 1), 5)
    n_c = hi_c - lo_c
    e_lo = lo_c * CHUNK
    pltpu.sync_copy(ridx_hbm.at[pl.ds(e_lo, MAX_WCHUNKS * CHUNK)], ridx_v)
    pltpu.sync_copy(sidx_hbm.at[pl.ds(e_lo, MAX_WCHUNKS * CHUNK)], sidx_v)
    lanes = jnp.arange(EDGE_DIM, dtype=jnp.int32)

    @pl.when(sid == 0)
    def _():
        pltpu.make_async_copy(pr_hbm, pr_s, sem_t).wait()
        pltpu.make_async_copy(ps_hbm, ps_s, sem_t).wait()

    plsc.subcore_barrier()

    def start_in(k, b):
        idx_r = ridx_v.at[pl.ds(k * CHUNK, CHUNK)]
        idx_s = sidx_v.at[pl.ds(k * CHUNK, CHUNK)]
        pltpu.async_copy(pr_s.at[idx_r], rbufs[b], sem_is[b])
        pltpu.async_copy(ps_s.at[idx_s], sbufs[b], sem_is[b])

    def wait_in(k, b):
        idx_r = ridx_v.at[pl.ds(k * CHUNK, CHUNK)]
        pltpu.make_async_copy(pr_s.at[idx_r], rbufs[b], sem_is[b]).wait()
        pltpu.make_async_copy(pr_s.at[idx_r], sbufs[b], sem_is[b]).wait()

    def start_out(k, b):
        c0 = (lo_c + k) * SUB
        for fr in range(2):
            for sub in range(SUB):
                pltpu.async_copy(
                    obufs[b].at[pl.ds(fr * 8, 8), pl.ds(sub * 128, 128)],
                    out_hbm.at[fr, c0 + sub], sem_os[b])

    def wait_out(k, b):
        c0 = (lo_c + k) * SUB
        for fr in range(2):
            for sub in range(SUB):
                pltpu.make_async_copy(
                    obufs[b].at[pl.ds(fr * 8, 8), pl.ds(sub * 128, 128)],
                    out_hbm.at[fr, c0 + sub], sem_os[b]).wait()

    for b in range(NBUF):
        start_in(b, b)

    @pl.loop(0, MAX_WCHUNKS + (-MAX_WCHUNKS) % NBUF, step=NBUF)
    def outer(k0):
        for b in range(NBUF):
            k = k0 + b

            @pl.when(k < n_c)
            def _():
                wait_in(k, b)

                @pl.when(k >= NBUF)
                def _():
                    wait_out(k - NBUF, b)

                rb, sb, ob = rbufs[b], sbufs[b], obufs[b]

                @plsc.parallel_loop(0, CHUNK, unroll=8)
                def rows(i):
                    e = jnp.exp(rb[i] + sb[i])
                    v = 1.0 - 2.0 / (e + 1.0)
                    plsc.store_scatter(
                        ob, [lanes, jnp.full((EDGE_DIM,), i, jnp.int32)], v)

                start_out(k, b)

                @pl.when(k + NBUF < n_c)
                def _():
                    start_in(k + NBUF, b)

    for b in range(NBUF):
        k_last = n_c - 1 - ((n_c - 1 - b) % NBUF)
        wait_out(k_last, b)


def _edge_update(pr, ps, ridx, sidx):
    mesh = plsc.VectorSubcoreMesh(core_axis_name="c", subcore_axis_name="s")
    f = pl.kernel(
        _edge_body,
        out_type=jax.ShapeDtypeStruct((2, N_TCOLS, 8, 128), jnp.float32),
        mesh=mesh,
        scratch_types=[
            pltpu.VMEM((MAX_WCHUNKS * CHUNK,), jnp.int32),
            pltpu.VMEM((MAX_WCHUNKS * CHUNK,), jnp.int32),
        ] + [pltpu.VMEM((CHUNK, EDGE_DIM), jnp.float32)] * 4
          + [pltpu.VMEM((EDGE_DIM, CHUNK + 1), jnp.float32)] * 2
          + [pltpu.VMEM_SHARED((N_NODES, EDGE_DIM), jnp.float32)] * 2 + [
            pltpu.SemaphoreType.DMA,
            pltpu.SemaphoreType.DMA,
            pltpu.SemaphoreType.DMA,
            pltpu.SemaphoreType.DMA,
            pltpu.SemaphoreType.DMA,
        ],
        compiler_params=pltpu.CompilerParams(use_tc_tiling_on_sc=False,
                                             needs_layout_passes=False),
    )
    return f(pr, ps, ridx, sidx)


def kernel(x, senders, receivers, W_base, b_base, W_edge, b_edge):
    pr_c, ps_c = _node_tables(x, W_base, b_base, W_edge, b_edge)
    pr = pr_c.reshape(N_NODES, EDGE_DIM)
    ps = ps_c.reshape(N_NODES, EDGE_DIM)
    out4 = _edge_update(pr, ps, receivers, senders)
    return out4.transpose(1, 3, 0, 2).reshape(N_EDGES, EDGE_DIM)

# --- scband reference (transcript-rebuilt; emitter-appended) ---
"""Pipeline reference for scband-noise-net-6622839570536 (READ-ONLY COPY).

The authoritative reference and input builder live on the scoring server;
editing this copy changes nothing except your own understanding.
"""

import jax, jax.numpy as jnp
import numpy as np

N_NODES = 10000
N_EDGES = 320000
D_FEAT = 128
EDGE_DIM = 16


def setup_inputs(seed: int = 0) -> dict:
    key = jax.random.key(seed)
    k1, k2, k3, k4, k5 = jax.random.split(key, 5)
    x = jax.random.normal(k1, (N_NODES, D_FEAT), dtype=jnp.float32)
    senders = jax.random.randint(k2, (N_EDGES,), 0, N_NODES, dtype=jnp.int32)
    receivers = jax.random.randint(k3, (N_EDGES,), 0, N_NODES, dtype=jnp.int32)
    # base GNN (simple dense node encoder standing in for base_cls) params
    W_base = jax.random.normal(k4, (D_FEAT, D_FEAT), dtype=jnp.float32) * (1.0 / np.sqrt(D_FEAT))
    b_base = jnp.zeros((D_FEAT,), dtype=jnp.float32)
    # edge Dense(edge_dim) params; input is concat([recv, send]) -> 2*D_FEAT
    W_edge = jax.random.normal(k5, (2 * D_FEAT, EDGE_DIM), dtype=jnp.float32) * (1.0 / np.sqrt(2 * D_FEAT))
    b_edge = jnp.zeros((EDGE_DIM,), dtype=jnp.float32)
    return {"x": x, "senders": senders, "receivers": receivers,
            "W_base": W_base, "b_base": b_base, "W_edge": W_edge, "b_edge": b_edge}


def reference(x, senders, receivers, W_base, b_base, W_edge, b_edge):
    # base_cls()(obs): node feature encoder producing per-node embeddings
    h = jnp.tanh(x @ W_base + b_base)
    # safe_get(n, obs.senders) / safe_get(n, obs.receivers): gathers
    node_feats_send = jnp.take(h, senders, axis=0)
    node_feats_recv = jnp.take(h, receivers, axis=0)
    edge_feats = jnp.concatenate([node_feats_recv, node_feats_send], axis=-1)
    edge_feats = jnp.tanh(edge_feats @ W_edge + b_edge)
    return edge_feats

if __name__ == "__main__":
    import jax
    _d = setup_inputs()
    print(jax.jit(kernel)(*tuple(_d.values())))

</pallas_src>

<mosaic_0001>
#map = affine_map<(d0, d1) -> (0, 0)>
#map1 = affine_map<(d0, d1) -> (0)>
#map2 = affine_map<(d0, d1) -> (0, 0, 0, 0)>
module attributes {stable_mosaic.version = 14 : i64} {
  func.func @_edge_body(%arg0: i32, %arg1: i32, %arg2: memref<10000x16xf32, #tpu.memory_space<hbm>>, %arg3: memref<10000x16xf32, #tpu.memory_space<hbm>>, %arg4: memref<320000xi32, #tpu.memory_space<hbm>>, %arg5: memref<320000xi32, #tpu.memory_space<hbm>>, %arg6: memref<2x2500x8x128xf32, #tpu.memory_space<hbm>>, %arg7: memref<10240xi32, #tpu.memory_space<vmem>>, %arg8: memref<10240xi32, #tpu.memory_space<vmem>>, %arg9: memref<512x16xf32, #tpu.memory_space<vmem>>, %arg10: memref<512x16xf32, #tpu.memory_space<vmem>>, %arg11: memref<512x16xf32, #tpu.memory_space<vmem>>, %arg12: memref<512x16xf32, #tpu.memory_space<vmem>>, %arg13: memref<16x513xf32, #tpu.memory_space<vmem>>, %arg14: memref<16x513xf32, #tpu.memory_space<vmem>>, %arg15: memref<10000x16xf32, #tpu.memory_space<vmem_shared>>, %arg16: memref<10000x16xf32, #tpu.memory_space<vmem_shared>>, %arg17: memref<!tpu.dma_semaphore, #tpu.memory_space<semaphore_mem>>, %arg18: memref<!tpu.dma_semaphore, #tpu.memory_space<semaphore_mem>>, %arg19: memref<!tpu.dma_semaphore, #tpu.memory_space<semaphore_mem>>, %arg20: memref<!tpu.dma_semaphore, #tpu.memory_space<semaphore_mem>>, %arg21: memref<!tpu.dma_semaphore, #tpu.memory_space<semaphore_mem>>) attributes {dimension_semantics = [#tpu.dimension_semantics<core_parallel>, #tpu.dimension_semantics<subcore_parallel>], iteration_bounds = array<i64: 2, 16>, scalar_prefetch = 0 : i64, scratch_operands = 15 : i64, tpu.core_type = #tpu.core_type<sc_vector_subcore>, window_params = [{transform_indices = #map}, {transform_indices = #map}, {transform_indices = #map1}, {transform_indices = #map1}, {transform_indices = #map2}]} {
    %mul3A = arith.constant 2 : i32
    %mul3A_0 = arith.muli %arg1, %mul3A : i32
    %add3A = arith.addi %mul3A_0, %arg0 : i32
    %eq3A = arith.constant 0 : i32
    %eq3A_1 = arith.cmpi eq, %arg1, %eq3A : i32
    %convert_element_type3A = arith.extui %eq3A_1 : i1 to i32
    %cond3A = arith.constant 0 : i32
    %cond3A_2 = arith.cmpi ne, %convert_element_type3A, %cond3A : i32
    scf.if %cond3A_2 {
      tpu.enqueue_dma source(%arg2 : memref<10000x16xf32, #tpu.memory_space<hbm>>) target(%arg15 : memref<10000x16xf32, #tpu.memory_space<vmem_shared>>) target_semaphore(%arg21 : memref<!tpu.dma_semaphore, #tpu.memory_space<semaphore_mem>>)
      tpu.enqueue_dma source(%arg3 : memref<10000x16xf32, #tpu.memory_space<hbm>>) target(%arg16 : memref<10000x16xf32, #tpu.memory_space<vmem_shared>>) target_semaphore(%arg21 : memref<!tpu.dma_semaphore, #tpu.memory_space<semaphore_mem>>)
    } else {
    }
    %mul3A_3 = arith.constant 625 : i32
    %mul3A_4 = arith.muli %mul3A_3, %add3A : i32
    %shift_right_logical3A = arith.constant 5 : i32
    %shift_right_logical3A_5 = arith.shrui %mul3A_4, %shift_right_logical3A : i32
    %add3A_6 = arith.constant 1 : i32
    %add3A_7 = arith.addi %add3A, %add3A_6 : i32
    %mul3A_8 = arith.constant 625 : i32
    %mul3A_9 = arith.muli %mul3A_8, %add3A_7 : i32
    %shift_right_logical3A_10 = arith.constant 5 : i32
    %shift_right_logical3A_11 = arith.shrui %mul3A_9, %shift_right_logical3A_10 : i32
    %sub3A = arith.subi %shift_right_logical3A_11, %shift_right_logical3A_5 : i32
    %mul3A_12 = arith.constant 512 : i32
    %mul3A_13 = arith.muli %shift_right_logical3A_5, %mul3A_12 : i32
    "tpu.region"() ({
      %run_scoped3A = tpu.sem_alloc : memref<!tpu.dma_semaphore, #tpu.memory_space<semaphore_mem>>
      %dma_start3A_359 = tpu.memref_slice %arg4[%mul3A_13] : memref<320000xi32, #tpu.memory_space<hbm>> -> memref<10240xi32, #tpu.memory_space<hbm>>
      %dma_start3A_360 = tpu.memref_slice %arg4[%mul3A_13] : memref<320000xi32, #tpu.memory_space<hbm>> -> memref<10240xi32, #tpu.memory_space<hbm>>
      tpu.enqueue_dma source(%dma_start3A_360 : memref<10240xi32, #tpu.memory_space<hbm>>) target(%arg7 : memref<10240xi32, #tpu.memory_space<vmem>>) target_semaphore(%run_scoped3A : memref<!tpu.dma_semaphore, #tpu.memory_space<semaphore_mem>>)
      %dma_wait3A_361 = tpu.memref_slice %arg4[%mul3A_13] : memref<320000xi32, #tpu.memory_space<hbm>> -> memref<10240xi32, #tpu.memory_space<hbm>>
      %dma_wait3A_362 = tpu.memref_slice %arg4[%mul3A_13] : memref<320000xi32, #tpu.memory_space<hbm>> -> memref<10240xi32, #tpu.memory_space<hbm>>
      tpu.wait_dma2 semaphore(%run_scoped3A : memref<!tpu.dma_semaphore, #tpu.memory_space<semaphore_mem>>) src(%dma_wait3A_362 : memref<10240xi32, #tpu.memory_space<hbm>>) dst(%arg7 : memref<10240xi32, #tpu.memory_space<vmem>>)
      tpu.yield
    }) : () -> ()
    "tpu.region"() ({
      %run_scoped3A = tpu.sem_alloc : memref<!tpu.dma_semaphore, #tpu.memory_space<semaphore_mem>>
      %dma_start3A_359 = tpu.memref_slice %arg5[%mul3A_13] : memref<320000xi32, #tpu.memory_space<hbm>> -> memref<10240xi32, #tpu.memory_space<hbm>>
      %dma_start3A_360 = tpu.memref_slice %arg5[%mul3A_13] : memref<320000xi32, #tpu.memory_space<hbm>> -> memref<10240xi32, #tpu.memory_space<hbm>>
      tpu.enqueue_dma source(%dma_start3A_360 : memref<10240xi32, #tpu.memory_space<hbm>>) target(%arg8 : memref<10240xi32, #tpu.memory_space<vmem>>) target_semaphore(%run_scoped3A : memref<!tpu.dma_semaphore, #tpu.memory_space<semaphore_mem>>)
      %dma_wait3A_361 = tpu.memref_slice %arg5[%mul3A_13] : memref<320000xi32, #tpu.memory_space<hbm>> -> memref<10240xi32, #tpu.memory_space<hbm>>
      %dma_wait3A_362 = tpu.memref_slice %arg5[%mul3A_13] : memref<320000xi32, #tpu.memory_space<hbm>> -> memref<10240xi32, #tpu.memory_space<hbm>>
      tpu.wait_dma2 semaphore(%run_scoped3A : memref<!tpu.dma_semaphore, #tpu.memory_space<semaphore_mem>>) src(%dma_wait3A_362 : memref<10240xi32, #tpu.memory_space<hbm>>) dst(%arg8 : memref<10240xi32, #tpu.memory_space<vmem>>)
      tpu.yield
    }) : () -> ()
    %iota3A = tpu.iota {dimensions = array<i32: 0>} : vector<16xi32>
    %eq3A_14 = arith.constant 0 : i32
    %eq3A_15 = arith.cmpi eq, %arg1, %eq3A_14 : i32
    %convert_element_type3A_16 = arith.extui %eq3A_15 : i1 to i32
    %cond3A_17 = arith.constant 0 : i32
    %cond3A_18 = arith.cmpi ne, %convert_element_type3A_16, %cond3A_17 : i32
    scf.if %cond3A_18 {
      tpu.wait_dma2 semaphore(%arg21 : memref<!tpu.dma_semaphore, #tpu.memory_space<semaphore_mem>>) src(%arg2 : memref<10000x16xf32, #tpu.memory_space<hbm>>) dst(%arg15 : memref<10000x16xf32, #tpu.memory_space<vmem_shared>>)
      tpu.wait_dma2 semaphore(%arg21 : memref<!tpu.dma_semaphore, #tpu.memory_space<semaphore_mem>>) src(%arg3 : memref<10000x16xf32, #tpu.memory_space<hbm>>) dst(%arg16 : memref<10000x16xf32, #tpu.memory_space<vmem_shared>>)
    } else {
    }
    %barrier3A = arith.constant 0 : index
    tpu.barrier barrier_id(%barrier3A)
    %dma_start3A = arith.constant 0 : i32
    %dma_start3A_19 = tpu.memref_slice %arg7[%dma_start3A] : memref<10240xi32, #tpu.memory_space<vmem>> -> memref<512xi32, #tpu.memory_space<vmem>>
    %dma_start3A_20 = arith.constant 0 : i32
    %dma_start3A_21 = arith.constant 0 : i32
    %dma_start3A_22 = tpu.memref_slice %arg15[%dma_start3A_20, %dma_start3A_21] : memref<10000x16xf32, #tpu.memory_space<vmem_shared>> -> memref<10000x16xf32, #tpu.memory_space<vmem_shared>>
    tpu.enqueue_indirect_dma source(%dma_start3A_22 : memref<10000x16xf32, #tpu.memory_space<vmem_shared>>) target(%arg9 : memref<512x16xf32, #tpu.memory_space<vmem>>) offsets(%dma_start3A_19 : memref<512xi32, #tpu.memory_space<vmem>>) semaphore(%arg17 : memref<!tpu.dma_semaphore, #tpu.memory_space<semaphore_mem>>)
    %dma_start3A_23 = arith.constant 0 : i32
    %dma_start3A_24 = tpu.memref_slice %arg8[%dma_start3A_23] : memref<10240xi32, #tpu.memory_space<vmem>> -> memref<512xi32, #tpu.memory_space<vmem>>
    %dma_start3A_25 = arith.constant 0 : i32
    %dma_start3A_26 = arith.constant 0 : i32
    %dma_start3A_27 = tpu.memref_slice %arg16[%dma_start3A_25, %dma_start3A_26] : memref<10000x16xf32, #tpu.memory_space<vmem_shared>> -> memref<10000x16xf32, #tpu.memory_space<vmem_shared>>
    tpu.enqueue_indirect_dma source(%dma_start3A_27 : memref<10000x16xf32, #tpu.memory_space<vmem_shared>>) target(%arg11 : memref<512x16xf32, #tpu.memory_space<vmem>>) offsets(%dma_start3A_24 : memref<512xi32, #tpu.memory_space<vmem>>) semaphore(%arg17 : memref<!tpu.dma_semaphore, #tpu.memory_space<semaphore_mem>>)
    %dma_start3A_28 = arith.constant 512 : i32
    %dma_start3A_29 = tpu.memref_slice %arg7[%dma_start3A_28] : memref<10240xi32, #tpu.memory_space<vmem>> -> memref<512xi32, #tpu.memory_space<vmem>>
    %dma_start3A_30 = arith.constant 0 : i32
    %dma_start3A_31 = arith.constant 0 : i32
    %dma_start3A_32 = tpu.memref_slice %arg15[%dma_start3A_30, %dma_start3A_31] : memref<10000x16xf32, #tpu.memory_space<vmem_shared>> -> memref<10000x16xf32, #tpu.memory_space<vmem_shared>>
    tpu.enqueue_indirect_dma source(%dma_start3A_32 : memref<10000x16xf32, #tpu.memory_space<vmem_shared>>) target(%arg10 : memref<512x16xf32, #tpu.memory_space<vmem>>) offsets(%dma_start3A_29 : memref<512xi32, #tpu.memory_space<vmem>>) semaphore(%arg18 : memref<!tpu.dma_semaphore, #tpu.memory_space<semaphore_mem>>)
    %dma_start3A_33 = arith.constant 512 : i32
    %dma_start3A_34 = tpu.memref_slice %arg8[%dma_start3A_33] : memref<10240xi32, #tpu.memory_space<vmem>> -> memref<512xi32, #tpu.memory_space<vmem>>
    %dma_start3A_35 = arith.constant 0 : i32
    %dma_start3A_36 = arith.constant 0 : i32
    %dma_start3A_37 = tpu.memref_slice %arg16[%dma_start3A_35, %dma_start3A_36] : memref<10000x16xf32, #tpu.memory_space<vmem_shared>> -> memref<10000x16xf32, #tpu.memory_space<vmem_shared>>
    tpu.enqueue_indirect_dma source(%dma_start3A_37 : memref<10000x16xf32, #tpu.memory_space<vmem_shared>>) target(%arg12 : memref<512x16xf32, #tpu.memory_space<vmem>>) offsets(%dma_start3A_34 : memref<512xi32, #tpu.memory_space<vmem>>) semaphore(%arg18 : memref<!tpu.dma_semaphore, #tpu.memory_space<semaphore_mem>>)
    %scan3A = arith.constant 0 : i32
    %scan3A_38 = arith.constant 10 : i32
    %scan3A_39 = arith.addi %scan3A, %scan3A_38 : i32
    %scan3A_40 = arith.constant 1 : i32
    scf.for %scan3A_359 = %scan3A to %scan3A_39 step %scan3A_40  : i32 {
      %mul3A_360 = arith.constant 2 : i32
      %mul3A_361 = arith.muli %scan3A_359, %mul3A_360 : i32
      %add3A_362 = arith.constant 0 : i32
      %add3A_363 = arith.addi %add3A_362, %mul3A_361 : i32
      %add3A_364 = arith.constant 0 : i32
      %add3A_365 = arith.addi %add3A_363, %add3A_364 : i32
      %lt3A_366 = arith.cmpi slt, %add3A_365, %sub3A : i32
      %convert_element_type3A_367 = arith.extui %lt3A_366 : i1 to i32
      %cond3A_368 = arith.constant 0 : i32
      %cond3A_369 = arith.cmpi ne, %convert_element_type3A_367, %cond3A_368 : i32
      scf.if %cond3A_369 {
        %mul3A_376 = arith.constant 512 : i32
        %mul3A_377 = arith.muli %add3A_365, %mul3A_376 : i32
        %dma_wait3A_378 = tpu.memref_slice %arg7[%mul3A_377] : memref<10240xi32, #tpu.memory_space<vmem>> -> memref<512xi32, #tpu.memory_space<vmem>>
        %dma_wait3A_379 = arith.constant 0 : i32
        %dma_wait3A_380 = arith.constant 0 : i32
        %dma_wait3A_381 = tpu.memref_slice %arg15[%dma_wait3A_379, %dma_wait3A_380] : memref<10000x16xf32, #tpu.memory_space<vmem_shared>> -> memref<10000x16xf32, #tpu.memory_space<vmem_shared>>
        tpu.wait_indirect_dma semaphore(%arg17 : memref<!tpu.dma_semaphore, #tpu.memory_space<semaphore_mem>>) src(%dma_wait3A_381 : memref<10000x16xf32, #tpu.memory_space<vmem_shared>>) dst(%arg9 : memref<512x16xf32, #tpu.memory_space<vmem>>)
        %dma_wait3A_382 = tpu.memref_slice %arg7[%mul3A_377] : memref<10240xi32, #tpu.memory_space<vmem>> -> memref<512xi32, #tpu.memory_space<vmem>>
        %dma_wait3A_383 = arith.constant 0 : i32
        %dma_wait3A_384 = arith.constant 0 : i32
        %dma_wait3A_385 = tpu.memref_slice %arg15[%dma_wait3A_383, %dma_wait3A_384] : memref<10000x16xf32, #tpu.memory_space<vmem_shared>> -> memref<10000x16xf32, #tpu.memory_space<vmem_shared>>
        tpu.wait_indirect_dma semaphore(%arg17 : memref<!tpu.dma_semaphore, #tpu.memory_space<semaphore_mem>>) src(%dma_wait3A_385 : memref<10000x16xf32, #tpu.memory_space<vmem_shared>>) dst(%arg11 : memref<512x16xf32, #tpu.memory_space<vmem>>)
        %ge3A = arith.constant 2 : i32
        %ge3A_386 = arith.cmpi sge, %add3A_365, %ge3A : i32
        %convert_element_type3A_387 = arith.extui %ge3A_386 : i1 to i32
        %cond3A_388 = arith.constant 0 : i32
        %cond3A_389 = arith.cmpi ne, %convert_element_type3A_387, %cond3A_388 : i32
        scf.if %cond3A_389 {
          %sub3A_537 = arith.constant 2 : i32
          %sub3A_538 = arith.subi %add3A_365, %sub3A_537 : i32
          %add3A_539 = arith.addi %shift_right_logical3A_5, %sub3A_538 : i32
          %mul3A_540 = arith.constant 4 : i32
          %mul3A_541 = arith.muli %add3A_539, %mul3A_540 : i32
          %add3A_542 = arith.constant 0 : i32
          %add3A_543 = arith.addi %mul3A_541, %add3A_542 : i32
          %dma_wait3A_544 = arith.constant 0 : i32
          %dma_wait3A_545 = arith.constant 0 : i32
          %dma_wait3A_546 = arith.constant 0 : i32
          %dma_wait3A_547 = tpu.memref_slice %arg13[%dma_wait3A_545, %dma_wait3A_546] : memref<16x513xf32, #tpu.memory_space<vmem>> -> memref<8x128xf32, #tpu.memory_space<vmem>>
          %dma_wait3A_548 = arith.constant 0 : i32
          %dma_wait3A_549 = arith.constant 0 : i32
          %dma_wait3A_550 = tpu.memref_slice %arg6[%dma_wait3A_544, %add3A_543, %dma_wait3A_548, %dma_wait3A_549] : memref<2x2500x8x128xf32, #tpu.memory_space<hbm>> -> memref<1x1x8x128xf32, #tpu.memory_space<hbm>>
          %dma_wait3A_551 = tpu.memref_squeeze %dma_wait3A_550 : memref<1x1x8x128xf32, #tpu.memory_space<hbm>> -> memref<8x128xf32, #tpu.memory_space<hbm>>
          %dma_wait3A_552 = arith.constant 0 : i32
          %dma_wait3A_553 = arith.constant 0 : i32
          %dma_wait3A_554 = tpu.memref_slice %arg6[%dma_wait3A_544, %add3A_543, %dma_wait3A_552, %dma_wait3A_553] : memref<2x2500x8x128xf32, #tpu.memory_space<hbm>> -> memref<1x1x8x128xf32, #tpu.memory_space<hbm>>
          %dma_wait3A_555 = tpu.memref_squeeze %dma_wait3A_554 : memref<1x1x8x128xf32, #tpu.memory_space<hbm>> -> memref<8x128xf32, #tpu.memory_space<hbm>>
          %dma_wait3A_556 = arith.constant 0 : i32
          %dma_wait3A_557 = arith.constant 0 : i32
          %dma_wait3A_558 = tpu.memref_slice %arg13[%dma_wait3A_556, %dma_wait3A_557] : memref<16x513xf32, #tpu.memory_space<vmem>> -> memref<8x128xf32, #tpu.memory_space<vmem>>
          tpu.wait_dma2 semaphore(%arg19 : memref<!tpu.dma_semaphore, #tpu.memory_space<semaphore_mem>>) src(%dma_wait3A_558 : memref<8x128xf32, #tpu.memory_space<vmem>>) dst(%dma_wait3A_555 : memref<8x128xf32, #tpu.memory_space<hbm>>)
          %add3A_559 = arith.constant 1 : i32
          %add3A_560 = arith.addi %mul3A_541, %add3A_559 : i32
          %dma_wait3A_561 = arith.constant 0 : i32
          %dma_wait3A_562 = arith.constant 0 : i32
          %dma_wait3A_563 = arith.constant 128 : i32
          %dma_wait3A_564 = tpu.memref_slice %arg13[%dma_wait3A_562, %dma_wait3A_563] : memref<16x513xf32, #tpu.memory_space<vmem>> -> memref<8x128xf32, #tpu.memory_space<vmem>>
          %dma_wait3A_565 = arith.constant 0 : i32
          %dma_wait3A_566 = arith.constant 0 : i32
          %dma_wait3A_567 = tpu.memref_slice %arg6[%dma_wait3A_561, %add3A_560, %dma_wait3A_565, %dma_wait3A_566] : memref<2x2500x8x128xf32, #tpu.memory_space<hbm>> -> memref<1x1x8x128xf32, #tpu.memory_space<hbm>>
          %dma_wait3A_568 = tpu.memref_squeeze %dma_wait3A_567 : memref<1x1x8x128xf32, #tpu.memory_space<hbm>> -> memref<8x128xf32, #tpu.memory_space<hbm>>
          %dma_wait3A_569 = arith.constant 0 : i32
          %dma_wait3A_570 = arith.constant 0 : i32
          %dma_wait3A_571 = tpu.memref_slice %arg6[%dma_wait3A_561, %add3A_560, %dma_wait3A_569, %dma_wait3A_570] : memref<2x2500x8x128xf32, #tpu.memory_space<hbm>> -> memref<1x1x8x128xf32, #tpu.memory_space<hbm>>
          %dma_wait3A_572 = tpu.memref_squeeze %dma_wait3A_571 : memref<1x1x8x128xf32, #tpu.memory_space<hbm>> -> memref<8x128xf32, #tpu.memory_space<hbm>>
          %dma_wait3A_573 = arith.constant 0 : i32
          %dma_wait3A_574 = arith.constant 128 : i32
          %dma_wait3A_575 = tpu.memref_slice %arg13[%dma_wait3A_573, %dma_wait3A_574] : memref<16x513xf32, #tpu.memory_space<vmem>> -> memref<8x128xf32, #tpu.memory_space<vmem>>
          tpu.wait_dma2 semaphore(%arg19 : memref<!tpu.dma_semaphore, #tpu.memory_space<semaphore_mem>>) src(%dma_wait3A_575 : memref<8x128xf32, #tpu.memory_space<vmem>>) dst(%dma_wait3A_572 : memref<8x128xf32, #tpu.memory_space<hbm>>)
          %add3A_576 = arith.constant 2 : i32
          %add3A_577 = arith.addi %mul3A_541, %add3A_576 : i32
          %dma_wait3A_578 = arith.constant 0 : i32
          %dma_wait3A_579 = arith.constant 0 : i32
          %dma_wait3A_580 = arith.constant 256 : i32
          %dma_wait3A_581 = tpu.memref_slice %arg13[%dma_wait3A_579, %dma_wait3A_580] : memref<16x513xf32, #tpu.memory_space<vmem>> -> memref<8x128xf32, #tpu.memory_space<vmem>>
          %dma_wait3A_582 = arith.constant 0 : i32
          %dma_wait3A_583 = arith.constant 0 : i32
          %dma_wait3A_584 = tpu.memref_slice %arg6[%dma_wait3A_578, %add3A_577, %dma_wait3A_582, %dma_wait3A_583] : memref<2x2500x8x128xf32, #tpu.memory_space<hbm>> -> memref<1x1x8x128xf32, #tpu.memory_space<hbm>>
          %dma_wait3A_585 = tpu.memref_squeeze %dma_wait3A_584 : memref<1x1x8x128xf32, #tpu.memory_space<hbm>> -> memref<8x128xf32, #tpu.memory_space<hbm>>
          %dma_wait3A_586 = arith.constant 0 : i32
          %dma_wait3A_587 = arith.constant 0 : i32
          %dma_wait3A_588 = tpu.memref_slice %arg6[%dma_wait3A_578, %add3A_577, %dma_wait3A_586, %dma_wait3A_587] : memref<2x2500x8x128xf32, #tpu.memory_space<hbm>> -> memref<1x1x8x128xf32, #tpu.memory_space<hbm>>
          %dma_wait3A_589 = tpu.memref_squeeze %dma_wait3A_588 : memref<1x1x8x128xf32, #tpu.memory_space<hbm>> -> memref<8x128xf32, #tpu.memory_space<hbm>>
          %dma_wait3A_590 = arith.constant 0 : i32
          %dma_wait3A_591 = arith.constant 256 : i32
          %dma_wait3A_592 = tpu.memref_slice %arg13[%dma_wait3A_590, %dma_wait3A_591] : memref<16x513xf32, #tpu.memory_space<vmem>> -> memref<8x128xf32, #tpu.memory_space<vmem>>
          tpu.wait_dma2 semaphore(%arg19 : memref<!tpu.dma_semaphore, #tpu.memory_space<semaphore_mem>>) src(%dma_wait3A_592 : memref<8x128xf32, #tpu.memory_space<vmem>>) dst(%dma_wait3A_589 : memref<8x128xf32, #tpu.memory_space<hbm>>)
          %add3A_593 = arith.constant 3 : i32
          %add3A_594 = arith.addi %mul3A_541, %add3A_593 : i32
          %dma_wait3A_595 = arith.constant 0 : i32
          %dma_wait3A_596 = arith.constant 0 : i32
          %dma_wait3A_597 = arith.constant 384 : i32
          %dma_wait3A_598 = tpu.memref_slice %arg13[%dma_wait3A_596, %dma_wait3A_597] : memref<16x513xf32, #tpu.memory_space<vmem>> -> memref<8x128xf32, #tpu.memory_space<vmem>>
          %dma_wait3A_599 = arith.constant 0 : i32
          %dma_wait3A_600 = arith.constant 0 : i32
          %dma_wait3A_601 = tpu.memref_slice %arg6[%dma_wait3A_595, %add3A_594, %dma_wait3A_599, %dma_wait3A_600] : memref<2x2500x8x128xf32, #tpu.memory_space<hbm>> -> memref<1x1x8x128xf32, #tpu.memory_space<hbm>>
          %dma_wait3A_602 = tpu.memref_squeeze %dma_wait3A_601 : memref<1x1x8x128xf32, #tpu.memory_space<hbm>> -> memref<8x128xf32, #tpu.memory_space<hbm>>
          %dma_wait3A_603 = arith.constant 0 : i32
          %dma_wait3A_604 = arith.constant 0 : i32
          %dma_wait3A_605 = tpu.memref_slice %arg6[%dma_wait3A_595, %add3A_594, %dma_wait3A_603, %dma_wait3A_604] : memref<2x2500x8x128xf32, #tpu.memory_space<hbm>> -> memref<1x1x8x128xf32, #tpu.memory_space<hbm>>
          %dma_wait3A_606 = tpu.memref_squeeze %dma_wait3A_605 : memref<1x1x8x128xf32, #tpu.memory_space<hbm>> -> memref<8x128xf32, #tpu.memory_space<hbm>>
          %dma_wait3A_607 = arith.constant 0 : i32
          %dma_wait3A_608 = arith.constant 384 : i32
          %dma_wait3A_609 = tpu.memref_slice %arg13[%dma_wait3A_607, %dma_wait3A_608] : memref<16x513xf32, #tpu.memory_space<vmem>> -> memref<8x128xf32, #tpu.memory_space<vmem>>
          tpu.wait_dma2 semaphore(%arg19 : memref<!tpu.dma_semaphore, #tpu.memory_space<semaphore_mem>>) src(%dma_wait3A_609 : memref<8x128xf32, #tpu.memory_space<vmem>>) dst(%dma_wait3A_606 : memref<8x128xf32, #tpu.memory_space<hbm>>)
          %add3A_610 = arith.constant 0 : i32
          %add3A_611 = arith.addi %mul3A_541, %add3A_610 : i32
          %dma_wait3A_612 = arith.constant 1 : i32
          %dma_wait3A_613 = arith.constant 8 : i32
          %dma_wait3A_614 = arith.constant 0 : i32
          %dma_wait3A_615 = tpu.memref_slice %arg13[%dma_wait3A_613, %dma_wait3A_614] : memref<16x513xf32, #tpu.memory_space<vmem>> -> memref<8x128xf32, #tpu.memory_space<vmem>>
          %dma_wait3A_616 = arith.constant 0 : i32
          %dma_wait3A_617 = arith.constant 0 : i32
          %dma_wait3A_618 = tpu.memref_slice %arg6[%dma_wait3A_612, %add3A_611, %dma_wait3A_616, %dma_wait3A_617] : memref<2x2500x8x128xf32, #tpu.memory_space<hbm>> -> memref<1x1x8x128xf32, #tpu.memory_space<hbm>>
          %dma_wait3A_619 = tpu.memref_squeeze %dma_wait3A_618 : memref<1x1x8x128xf32, #tpu.memory_space<hbm>> -> memref<8x128xf32, #tpu.memory_space<hbm>>
          %dma_wait3A_620 = arith.constant 0 : i32
          %dma_wait3A_621 = arith.constant 0 : i32
          %dma_wait3A_622 = tpu.memref_slice %arg6[%dma_wait3A_612, %add3A_611, %dma_wait3A_620, %dma_wait3A_621] : memref<2x2500x8x128xf32, #tpu.memory_space<hbm>> -> memref<1x1x8x128xf32, #tpu.memory_space<hbm>>
          %dma_wait3A_623 = tpu.memref_squeeze %dma_wait3A_622 : memref<1x1x8x128xf32, #tpu.memory_space<hbm>> -> memref<8x128xf32, #tpu.memory_space<hbm>>
          %dma_wait3A_624 = arith.constant 8 : i32
          %dma_wait3A_625 = arith.constant 0 : i32
          %dma_wait3A_626 = tpu.memref_slice %arg13[%dma_wait3A_624, %dma_wait3A_625] : memref<16x513xf32, #tpu.memory_space<vmem>> -> memref<8x128xf32, #tpu.memory_space<vmem>>
          tpu.wait_dma2 semaphore(%arg19 : memref<!tpu.dma_semaphore, #tpu.memory_space<semaphore_mem>>) src(%dma_wait3A_626 : memref<8x128xf32, #tpu.memory_space<vmem>>) dst(%dma_wait3A_623 : memref<8x128xf32, #tpu.memory_space<hbm>>)
          %add3A_627 = arith.constant 1 : i32
          %add3A_628 = arith.addi %mul3A_541, %add3A_627 : i32
          %dma_wait3A_629 = arith.constant 1 : i32
          %dma_wait3A_630 = arith.constant 8 : i32
          %dma_wait3A_631 = arith.constant 128 : i32
          %dma_wait3A_632 = tpu.memref_slice %arg13[%dma_wait3A_630, %dma_wait3A_631] : memref<16x513xf32, #tpu.memory_space<vmem>> -> memref<8x128xf32, #tpu.memory_space<vmem>>
          %dma_wait3A_633 = arith.constant 0 : i32
          %dma_wait3A_634 = arith.constant 0 : i32
          %dma_wait3A_635 = tpu.memref_slice %arg6[%dma_wait3A_629, %add3A_628, %dma_wait3A_633, %dma_wait3A_634] : memref<2x2500x8x128xf32, #tpu.memory_space<hbm>> -> memref<1x1x8x128xf32, #tpu.memory_space<hbm>>
          %dma_wait3A_636 = tpu.memref_squeeze %dma_wait3A_635 : memref<1x1x8x128xf32, #tpu.memory_space<hbm>> -> memref<8x128xf32, #tpu.memory_space<hbm>>
          %dma_wait3A_637 = arith.constant 0 : i32
          %dma_wait3A_638 = arith.constant 0 : i32
          %dma_wait3A_639 = tpu.memref_slice %arg6[%dma_wait3A_629, %add3A_628, %dma_wait3A_637, %dma_wait3A_638] : memref<2x2500x8x128xf32, #tpu.memory_space<hbm>> -> memref<1x1x8x128xf32, #tpu.memory_space<hbm>>
          %dma_wait3A_640 = tpu.memref_squeeze %dma_wait3A_639 : memref<1x1x8x128xf32, #tpu.memory_space<hbm>> -> memref<8x128xf32, #tpu.memory_space<hbm>>
          %dma_wait3A_641 = arith.constant 8 : i32
          %dma_wait3A_642 = arith.constant 128 : i32
          %dma_wait3A_643 = tpu.memref_slice %arg13[%dma_wait3A_641, %dma_wait3A_642] : memref<16x513xf32, #tpu.memory_space<vmem>> -> memref<8x128xf32, #tpu.memory_space<vmem>>
          tpu.wait_dma2 semaphore(%arg19 : memref<!tpu.dma_semaphore, #tpu.memory_space<semaphore_mem>>) src(%dma_wait3A_643 : memref<8x128xf32, #tpu.memory_space<vmem>>) dst(%dma_wait3A_640 : memref<8x128xf32, #tpu.memory_space<hbm>>)
          %add3A_644 = arith.constant 2 : i32
          %add3A_645 = arith.addi %mul3A_541, %add3A_644 : i32
          %dma_wait3A_646 = arith.constant 1 : i32
          %dma_wait3A_647 = arith.constant 8 : i32
          %dma_wait3A_648 = arith.constant 256 : i32
          %dma_wait3A_649 = tpu.memref_slice %arg13[%dma_wait3A_647, %dma_wait3A_648] : memref<16x513xf32, #tpu.memory_space<vmem>> -> memref<8x128xf32, #tpu.memory_space<vmem>>
          %dma_wait3A_650 = arith.constant 0 : i32
          %dma_wait3A_651 = arith.constant 0 : i32
          %dma_wait3A_652 = tpu.memref_slice %arg6[%dma_wait3A_646, %add3A_645, %dma_wait3A_650, %dma_wait3A_651] : memref<2x2500x8x128xf32, #tpu.memory_space<hbm>> -> memref<1x1x8x128xf32, #tpu.memory_space<hbm>>
          %dma_wait3A_653 = tpu.memref_squeeze %dma_wait3A_652 : memref<1x1x8x128xf32, #tpu.memory_space<hbm>> -> memref<8x128xf32, #tpu.memory_space<hbm>>
          %dma_wait3A_654 = arith.constant 0 : i32
          %dma_wait3A_655 = arith.constant 0 : i32
          %dma_wait3A_656 = tpu.memref_slice %arg6[%dma_wait3A_646, %add3A_645, %dma_wait3A_654, %dma_wait3A_655] : memref<2x2500x8x128xf32, #tpu.memory_space<hbm>> -> memref<1x1x8x128xf32, #tpu.memory_space<hbm>>
          %dma_wait3A_657 = tpu.memref_squeeze %dma_wait3A_656 : memref<1x1x8x128xf32, #tpu.memory_space<hbm>> -> memref<8x128xf32, #tpu.memory_space<hbm>>
          %dma_wait3A_658 = arith.constant 8 : i32
          %dma_wait3A_659 = arith.constant 256 : i32
          %dma_wait3A_660 = tpu.memref_slice %arg13[%dma_wait3A_658, %dma_wait3A_659] : memref<16x513xf32, #tpu.memory_space<vmem>> -> memref<8x128xf32, #tpu.memory_space<vmem>>
          tpu.wait_dma2 semaphore(%arg19 : memref<!tpu.dma_semaphore, #tpu.memory_space<semaphore_mem>>) src(%dma_wait3A_660 : memref<8x128xf32, #tpu.memory_space<vmem>>) dst(%dma_wait3A_657 : memref<8x128xf32, #tpu.memory_space<hbm>>)
          %add3A_661 = arith.constant 3 : i32
          %add3A_662 = arith.addi %mul3A_541, %add3A_661 : i32
          %dma_wait3A_663 = arith.constant 1 : i32
          %dma_wait3A_664 = arith.constant 8 : i32
          %dma_wait3A_665 = arith.constant 384 : i32
          %dma_wait3A_666 = tpu.memref_slice %arg13[%dma_wait3A_664, %dma_wait3A_665] : memref<16x513xf32, #tpu.memory_space<vmem>> -> memref<8x128xf32, #tpu.memory_space<vmem>>
          %dma_wait3A_667 = arith.constant 0 : i32
          %dma_wait3A_668 = arith.constant 0 : i32
          %dma_wait3A_669 = tpu.memref_slice %arg6[%dma_wait3A_663, %add3A_662, %dma_wait3A_667, %dma_wait3A_668] : memref<2x2500x8x128xf32, #tpu.memory_space<hbm>> -> memref<1x1x8x128xf32, #tpu.memory_space<hbm>>
          %dma_wait3A_670 = tpu.memref_squeeze %dma_wait3A_669 : memref<1x1x8x128xf32, #tpu.memory_space<hbm>> -> memref<8x128xf32, #tpu.memory_space<hbm>>
          %dma_wait3A_671 = arith.constant 0 : i32
          %dma_wait3A_672 = arith.constant 0 : i32
          %dma_wait3A_673 = tpu.memref_slice %arg6[%dma_wait3A_663, %add3A_662, %dma_wait3A_671, %dma_wait3A_672] : memref<2x2500x8x128xf32, #tpu.memory_space<hbm>> -> memref<1x1x8x128xf32, #tpu.memory_space<hbm>>
          %dma_wait3A_674 = tpu.memref_squeeze %dma_wait3A_673 : memref<1x1x8x128xf32, #tpu.memory_space<hbm>> -> memref<8x128xf32, #tpu.memory_space<hbm>>
          %dma_wait3A_675 = arith.constant 8 : i32
          %dma_wait3A_676 = arith.constant 384 : i32
          %dma_wait3A_677 = tpu.memref_slice %arg13[%dma_wait3A_675, %dma_wait3A_676] : memref<16x513xf32, #tpu.memory_space<vmem>> -> memref<8x128xf32, #tpu.memory_space<vmem>>
          tpu.wait_dma2 semaphore(%arg19 : memref<!tpu.dma_semaphore, #tpu.memory_space<semaphore_mem>>) src(%dma_wait3A_677 : memref<8x128xf32, #tpu.memory_space<vmem>>) dst(%dma_wait3A_674 : memref<8x128xf32, #tpu.memory_space<hbm>>)
        } else {
        }
        %parallel_loop3A = arith.constant 0 : i32
        %parallel_loop3A_390 = arith.constant 512 : i32
        %parallel_loop3A_391 = arith.constant 1 : i32
        scf.for %parallel_loop3A_537 = %parallel_loop3A to %parallel_loop3A_390 step %parallel_loop3A_391  : i32 {
          %parallel_loop3A_538 = arith.index_cast %parallel_loop3A_537 : i32 to index
          %parallel_loop3A_539 = arith.constant 0 : index
          %parallel_loop3A_540 = tpu.vector_load %arg9[%parallel_loop3A_538, %parallel_loop3A_539] {strides = array<i32>} : memref<512x16xf32, #tpu.memory_space<vmem>>, vector<16xf32>,
          %parallel_loop3A_541 = arith.index_cast %parallel_loop3A_537 : i32 to index
          %parallel_loop3A_542 = arith.constant 0 : index
          %parallel_loop3A_543 = tpu.vector_load %arg11[%parallel_loop3A_541, %parallel_loop3A_542] {strides = array<i32>} : memref<512x16xf32, #tpu.memory_space<vmem>>, vector<16xf32>,
          %parallel_loop3A_544 = arith.addf %parallel_loop3A_540, %parallel_loop3A_543 : vector<16xf32>
          %parallel_loop3A_545 = math.exp %parallel_loop3A_544 : vector<16xf32>
          %parallel_loop3A_546 = arith.constant 1.000000e+00 : f32
          %parallel_loop3A_547 = vector.broadcast %parallel_loop3A_546 : f32 to vector<16xf32>
          %parallel_loop3A_548 = arith.addf %parallel_loop3A_545, %parallel_loop3A_547 : vector<16xf32>
          %parallel_loop3A_549 = arith.constant 2.000000e+00 : f32
          %parallel_loop3A_550 = vector.broadcast %parallel_loop3A_549 : f32 to vector<16xf32>
          %parallel_loop3A_551 = arith.divf %parallel_loop3A_550, %parallel_loop3A_548 : vector<16xf32>
          %parallel_loop3A_552 = arith.constant 1.000000e+00 : f32
          %parallel_loop3A_553 = vector.broadcast %parallel_loop3A_552 : f32 to vector<16xf32>
          %parallel_loop3A_554 = arith.subf %parallel_loop3A_553, %parallel_loop3A_551 : vector<16xf32>
          %parallel_loop3A_555 = vector.broadcast %parallel_loop3A_537 : i32 to vector<16xi32>
          tpu.vector_store_idx %arg13[%iota3A, %parallel_loop3A_555], %parallel_loop3A_554 : memref<16x513xf32, #tpu.memory_space<vmem>>[vector<16xi32>, vector<16xi32>], vector<16xf32>,
        } {sc.loop_unroll_factor = 8 : i64, sc.parallel_access}
        %add3A_392 = arith.addi %shift_right_logical3A_5, %add3A_365 : i32
        %mul3A_393 = arith.constant 4 : i32
        %mul3A_394 = arith.muli %add3A_392, %mul3A_393 : i32
        %add3A_395 = arith.constant 0 : i32
        %add3A_396 = arith.addi %mul3A_394, %add3A_395 : i32
        %dma_start3A_397 = arith.constant 0 : i32
        %dma_start3A_398 = arith.constant 0 : i32
        %dma_start3A_399 = arith.constant 0 : i32
        %dma_start3A_400 = tpu.memref_slice %arg13[%dma_start3A_398, %dma_start3A_399] : memref<16x513xf32, #tpu.memory_space<vmem>> -> memref<8x128xf32, #tpu.memory_space<vmem>>
        %dma_start3A_401 = arith.constant 0 : i32
        %dma_start3A_402 = arith.constant 0 : i32
        %dma_start3A_403 = tpu.memref_slice %arg6[%dma_start3A_397, %add3A_396, %dma_start3A_401, %dma_start3A_402] : memref<2x2500x8x128xf32, #tpu.memory_space<hbm>> -> memref<1x1x8x128xf32, #tpu.memory_space<hbm>>
        %dma_start3A_404 = tpu.memref_squeeze %dma_start3A_403 : memref<1x1x8x128xf32, #tpu.memory_space<hbm>> -> memref<8x128xf32, #tpu.memory_space<hbm>>
        %dma_start3A_405 = arith.constant 0 : i32
        %dma_start3A_406 = arith.constant 0 : i32
        %dma_start3A_407 = tpu.memref_slice %arg6[%dma_start3A_397, %add3A_396, %dma_start3A_405, %dma_start3A_406] : memref<2x2500x8x128xf32, #tpu.memory_space<hbm>> -> memref<1x1x8x128xf32, #tpu.memory_space<hbm>>
        %dma_start3A_408 = tpu.memref_squeeze %dma_start3A_407 : memref<1x1x8x128xf32, #tpu.memory_space<hbm>> -> memref<8x128xf32, #tpu.memory_space<hbm>>
        %dma_start3A_409 = arith.constant 0 : i32
        %dma_start3A_410 = arith.constant 0 : i32
        %dma_start3A_411 = tpu.memref_slice %arg13[%dma_start3A_409, %dma_start3A_410] : memref<16x513xf32, #tpu.memory_space<vmem>> -> memref<8x128xf32, #tpu.memory_space<vmem>>
        tpu.enqueue_dma source(%dma_start3A_411 : memref<8x128xf32, #tpu.memory_space<vmem>>) target(%dma_start3A_408 : memref<8x128xf32, #tpu.memory_space<hbm>>) target_semaphore(%arg19 : memref<!tpu.dma_semaphore, #tpu.memory_space<semaphore_mem>>)
        %add3A_412 = arith.constant 1 : i32
        %add3A_413 = arith.addi %mul3A_394, %add3A_412 : i32
        %dma_start3A_414 = arith.constant 0 : i32
        %dma_start3A_415 = arith.constant 0 : i32
        %dma_start3A_416 = arith.constant 128 : i32
        %dma_start3A_417 = tpu.memref_slice %arg13[%dma_start3A_415, %dma_start3A_416] : memref<16x513xf32, #tpu.memory_space<vmem>> -> memref<8x128xf32, #tpu.memory_space<vmem>>
        %dma_start3A_418 = arith.constant 0 : i32
        %dma_start3A_419 = arith.constant 0 : i32
        %dma_start3A_420 = tpu.memref_slice %arg6[%dma_start3A_414, %add3A_413, %dma_start3A_418, %dma_start3A_419] : memref<2x2500x8x128xf32, #tpu.memory_space<hbm>> -> memref<1x1x8x128xf32, #tpu.memory_space<hbm>>
        %dma_start3A_421 = tpu.memref_squeeze %dma_start3A_420 : memref<1x1x8x128xf32, #tpu.memory_space<hbm>> -> memref<8x128xf32, #tpu.memory_space<hbm>>
        %dma_start3A_422 = arith.constant 0 : i32
        %dma_start3A_423 = arith.constant 0 : i32
        %dma_start3A_424 = tpu.memref_slice %arg6[%dma_start3A_414, %add3A_413, %dma_start3A_422, %dma_start3A_423] : memref<2x2500x8x128xf32, #tpu.memory_space<hbm>> -> memref<1x1x8x128xf32, #tpu.memory_space<hbm>>
        %dma_start3A_425 = tpu.memref_squeeze %dma_start3A_424 : memref<1x1x8x128xf32, #tpu.memory_space<hbm>> -> memref<8x128xf32, #tpu.memory_space<hbm>>
        %dma_start3A_426 = arith.constant 0 : i32
        %dma_start3A_427 = arith.constant 128 : i32
        %dma_start3A_428 = tpu.memref_slice %arg13[%dma_start3A_426, %dma_start3A_427] : memref<16x513xf32, #tpu.memory_space<vmem>> -> memref<8x128xf32, #tpu.memory_space<vmem>>
        tpu.enqueue_dma source(%dma_start3A_428 : memref<8x128xf32, #tpu.memory_space<vmem>>) target(%dma_start3A_425 : memref<8x128xf32, #tpu.memory_space<hbm>>) target_semaphore(%arg19 : memref<!tpu.dma_semaphore, #tpu.memory_space<semaphore_mem>>)
        %add3A_429 = arith.constant 2 : i32
        %add3A_430 = arith.addi %mul3A_394, %add3A_429 : i32
        %dma_start3A_431 = arith.constant 0 : i32
        %dma_start3A_432 = arith.constant 0 : i32
        %dma_start3A_433 = arith.constant 256 : i32
        %dma_start3A_434 = tpu.memref_slice %arg13[%dma_start3A_432, %dma_start3A_433] : memref<16x513xf32, #tpu.memory_space<vmem>> -> memref<8x128xf32, #tpu.memory_space<vmem>>
        %dma_start3A_435 = arith.constant 0 : i32
        %dma_start3A_436 = arith.constant 0 : i32
        %dma_start3A_437 = tpu.memref_slice %arg6[%dma_start3A_431, %add3A_430, %dma_start3A_435, %dma_start3A_436] : memref<2x2500x8x128xf32, #tpu.memory_space<hbm>> -> memref<1x1x8x128xf32, #tpu.memory_space<hbm>>
        %dma_start3A_438 = tpu.memref_squeeze %dma_start3A_437 : memref<1x1x8x128xf32, #tpu.memory_space<hbm>> -> memref<8x128xf32, #tpu.memory_space<hbm>>
        %dma_start3A_439 = arith.constant 0 : i32
        %dma_start3A_440 = arith.constant 0 : i32
        %dma_start3A_441 = tpu.memref_slice %arg6[%dma_start3A_431, %add3A_430, %dma_start3A_439, %dma_start3A_440] : memref<2x2500x8x128xf32, #tpu.memory_space<hbm>> -> memref<1x1x8x128xf32, #tpu.memory_space<hbm>>
        %dma_start3A_442 = tpu.memref_squeeze %dma_start3A_441 : memref<1x1x8x128xf32, #tpu.memory_space<hbm>> -> memref<8x128xf32, #tpu.memory_space<hbm>>
        %dma_start3A_443 = arith.constant 0 : i32
        %dma_start3A_444 = arith.constant 256 : i32
        %dma_start3A_445 = tpu.memref_slice %arg13[%dma_start3A_443, %dma_start3A_444] : memref<16x513xf32, #tpu.memory_space<vmem>> -> memref<8x128xf32, #tpu.memory_space<vmem>>
        tpu.enqueue_dma source(%dma_start3A_445 : memref<8x128xf32, #tpu.memory_space<vmem>>) target(%dma_start3A_442 : memref<8x128xf32, #tpu.memory_space<hbm>>) target_semaphore(%arg19 : memref<!tpu.dma_semaphore, #tpu.memory_space<semaphore_mem>>)
        %add3A_446 = arith.constant 3 : i32
        %add3A_447 = arith.addi %mul3A_394, %add3A_446 : i32
        %dma_start3A_448 = arith.constant 0 : i32
        %dma_start3A_449 = arith.constant 0 : i32
        %dma_start3A_450 = arith.constant 384 : i32
        %dma_start3A_451 = tpu.memref_slice %arg13[%dma_start3A_449, %dma_start3A_450] : memref<16x513xf32, #tpu.memory_space<vmem>> -> memref<8x128xf32, #tpu.memory_space<vmem>>
        %dma_start3A_452 = arith.constant 0 : i32
        %dma_start3A_453 = arith.constant 0 : i32
        %dma_start3A_454 = tpu.memref_slice %arg6[%dma_start3A_448, %add3A_447, %dma_start3A_452, %dma_start3A_453] : memref<2x2500x8x128xf32, #tpu.memory_space<hbm>> -> memref<1x1x8x128xf32, #tpu.memory_space<hbm>>
        %dma_start3A_455 = tpu.memref_squeeze %dma_start3A_454 : memref<1x1x8x128xf32, #tpu.memory_space<hbm>> -> memref<8x128xf32, #tpu.memory_space<hbm>>
        %dma_start3A_456 = arith.constant 0 : i32
        %dma_start3A_457 = arith.constant 0 : i32
        %dma_start3A_458 = tpu.memref_slice %arg6[%dma_start3A_448, %add3A_447, %dma_start3A_456, %dma_start3A_457] : memref<2x2500x8x128xf32, #tpu.memory_space<hbm>> -> memref<1x1x8x128xf32, #tpu.memory_space<hbm>>
        %dma_start3A_459 = tpu.memref_squeeze %dma_start3A_458 : memref<1x1x8x128xf32, #tpu.memory_space<hbm>> -> memref<8x128xf32, #tpu.memory_space<hbm>>
        %dma_start3A_460 = arith.constant 0 : i32
        %dma_start3A_461 = arith.constant 384 : i32
        %dma_start3A_462 = tpu.memref_slice %arg13[%dma_start3A_460, %dma_start3A_461] : memref<16x513xf32, #tpu.memory_space<vmem>> -> memref<8x128xf32, #tpu.memory_space<vmem>>
        tpu.enqueue_dma source(%dma_start3A_462 : memref<8x128xf32, #tpu.memory_space<vmem>>) target(%dma_start3A_459 : memref<8x128xf32, #tpu.memory_space<hbm>>) target_semaphore(%arg19 : memref<!tpu.dma_semaphore, #tpu.memory_space<semaphore_mem>>)
        %add3A_463 = arith.constant 0 : i32
        %add3A_464 = arith.addi %mul3A_394, %add3A_463 : i32
        %dma_start3A_465 = arith.constant 1 : i32
        %dma_start3A_466 = arith.constant 8 : i32
        %dma_start3A_467 = arith.constant 0 : i32
        %dma_start3A_468 = tpu.memref_slice %arg13[%dma_start3A_466, %dma_start3A_467] : memref<16x513xf32, #tpu.memory_space<vmem>> -> memref<8x128xf32, #tpu.memory_space<vmem>>
        %dma_start3A_469 = arith.constant 0 : i32
        %dma_start3A_470 = arith.constant 0 : i32
        %dma_start3A_471 = tpu.memref_slice %arg6[%dma_start3A_465, %add3A_464, %dma_start3A_469, %dma_start3A_470] : memref<2x2500x8x128xf32, #tpu.memory_space<hbm>> -> memref<1x1x8x128xf32, #tpu.memory_space<hbm>>
        %dma_start3A_472 = tpu.memref_squeeze %dma_start3A_471 : memref<1x1x8x128xf32, #tpu.memory_space<hbm>> -> memref<8x128xf32, #tpu.memory_space<hbm>>
        %dma_start3A_473 = arith.constant 0 : i32
        %dma_start3A_474 = arith.constant 0 : i32
        %dma_start3A_475 = tpu.memref_slice %arg6[%dma_start3A_465, %add3A_464, %dma_start3A_473, %dma_start3A_474] : memref<2x2500x8x128xf32, #tpu.memory_space<hbm>> -> memref<1x1x8x128xf32, #tpu.memory_space<hbm>>
        %dma_start3A_476 = tpu.memref_squeeze %dma_start3A_475 : memref<1x1x8x128xf32, #tpu.memory_space<hbm>> -> memref<8x128xf32, #tpu.memory_space<hbm>>
        %dma_start3A_477 = arith.constant 8 : i32
        %dma_start3A_478 = arith.constant 0 : i32
        %dma_start3A_479 = tpu.memref_slice %arg13[%dma_start3A_477, %dma_start3A_478] : memref<16x513xf32, #tpu.memory_space<vmem>> -> memref<8x128xf32, #tpu.memory_space<vmem>>
        tpu.enqueue_dma source(%dma_start3A_479 : memref<8x128xf32, #tpu.memory_space<vmem>>) target(%dma_start3A_476 : memref<8x128xf32, #tpu.memory_space<hbm>>) target_semaphore(%arg19 : memref<!tpu.dma_semaphore, #tpu.memory_space<semaphore_mem>>)
        %add3A_480 = arith.constant 1 : i32
        %add3A_481 = arith.addi %mul3A_394, %add3A_480 : i32
        %dma_start3A_482 = arith.constant 1 : i32
        %dma_start3A_483 = arith.constant 8 : i32
        %dma_start3A_484 = arith.constant 128 : i32
        %dma_start3A_485 = tpu.memref_slice %arg13[%dma_start3A_483, %dma_start3A_484] : memref<16x513xf32, #tpu.memory_space<vmem>> -> memref<8x128xf32, #tpu.memory_space<vmem>>
        %dma_start3A_486 = arith.constant 0 : i32
        %dma_start3A_487 = arith.constant 0 : i32
        %dma_start3A_488 = tpu.memref_slice %arg6[%dma_start3A_482, %add3A_481, %dma_start3A_486, %dma_start3A_487] : memref<2x2500x8x128xf32, #tpu.memory_space<hbm>> -> memref<1x1x8x128xf32, #tpu.memory_space<hbm>>
        %dma_start3A_489 = tpu.memref_squeeze %dma_start3A_488 : memref<1x1x8x128xf32, #tpu.memory_space<hbm>> -> memref<8x128xf32, #tpu.memory_space<hbm>>
        %dma_start3A_490 = arith.constant 0 : i32
        %dma_start3A_491 = arith.constant 0 : i32
        %dma_start3A_492 = tpu.memref_slice %arg6[%dma_start3A_482, %add3A_481, %dma_start3A_490, %dma_start3A_491] : memref<2x2500x8x128xf32, #tpu.memory_space<hbm>> -> memref<1x1x8x128xf32, #tpu.memory_space<hbm>>
        %dma_start3A_493 = tpu.memref_squeeze %dma_start3A_492 : memref<1x1x8x128xf32, #tpu.memory_space<hbm>> -> memref<8x128xf32, #tpu.memory_space<hbm>>
        %dma_start3A_494 = arith.constant 8 : i32
        %dma_start3A_495 = arith.constant 128 : i32
        %dma_start3A_496 = tpu.memref_slice %arg13[%dma_start3A_494, %dma_start3A_495] : memref<16x513xf32, #tpu.memory_space<vmem>> -> memref<8x128xf32, #tpu.memory_space<vmem>>
        tpu.enqueue_dma source(%dma_start3A_496 : memref<8x128xf32, #tpu.memory_space<vmem>>) target(%dma_start3A_493 : memref<8x128xf32, #tpu.memory_space<hbm>>) target_semaphore(%arg19 : memref<!tpu.dma_semaphore, #tpu.memory_space<semaphore_mem>>)
        %add3A_497 = arith.constant 2 : i32
        %add3A_498 = arith.addi %mul3A_394, %add3A_497 : i32
        %dma_start3A_499 = arith.constant 1 : i32
        %dma_start3A_500 = arith.constant 8 : i32
        %dma_start3A_501 = arith.constant 256 : i32
        %dma_start3A_502 = tpu.memref_slice %arg13[%dma_start3A_500, %dma_start3A_501] : memref<16x513xf32, #tpu.memory_space<vmem>> -> memref<8x128xf32, #tpu.memory_space<vmem>>
        %dma_start3A_503 = arith.constant 0 : i32
        %dma_start3A_504 = arith.constant 0 : i32
        %dma_start3A_505 = tpu.memref_slice %arg6[%dma_start3A_499, %add3A_498, %dma_start3A_503, %dma_start3A_504] : memref<2x2500x8x128xf32, #tpu.memory_space<hbm>> -> memref<1x1x8x128xf32, #tpu.memory_space<hbm>>
        %dma_start3A_506 = tpu.memref_squeeze %dma_start3A_505 : memref<1x1x8x128xf32, #tpu.memory_space<hbm>> -> memref<8x128xf32, #tpu.memory_space<hbm>>
        %dma_start3A_507 = arith.constant 0 : i32
        %dma_start3A_508 = arith.constant 0 : i32
        %dma_start3A_509 = tpu.memref_slice %arg6[%dma_start3A_499, %add3A_498, %dma_start3A_507, %dma_start3A_508] : memref<2x2500x8x128xf32, #tpu.memory_space<hbm>> -> memref<1x1x8x128xf32, #tpu.memory_space<hbm>>
        %dma_start3A_510 = tpu.memref_squeeze %dma_start3A_509 : memref<1x1x8x128xf32, #tpu.memory_space<hbm>> -> memref<8x128xf32, #tpu.memory_space<hbm>>
        %dma_start3A_511 = arith.constant 8 : i32
        %dma_start3A_512 = arith.constant 256 : i32
        %dma_start3A_513 = tpu.memref_slice %arg13[%dma_start3A_511, %dma_start3A_512] : memref<16x513xf32, #tpu.memory_space<vmem>> -> memref<8x128xf32, #tpu.memory_space<vmem>>
        tpu.enqueue_dma source(%dma_start3A_513 : memref<8x128xf32, #tpu.memory_space<vmem>>) target(%dma_start3A_510 : memref<8x128xf32, #tpu.memory_space<hbm>>) target_semaphore(%arg19 : memref<!tpu.dma_semaphore, #tpu.memory_space<semaphore_mem>>)
        %add3A_514 = arith.constant 3 : i32
        %add3A_515 = arith.addi %mul3A_394, %add3A_514 : i32
        %dma_start3A_516 = arith.constant 1 : i32
        %dma_start3A_517 = arith.constant 8 : i32
        %dma_start3A_518 = arith.constant 384 : i32
        %dma_start3A_519 = tpu.memref_slice %arg13[%dma_start3A_517, %dma_start3A_518] : memref<16x513xf32, #tpu.memory_space<vmem>> -> memref<8x128xf32, #tpu.memory_space<vmem>>
        %dma_start3A_520 = arith.constant 0 : i32
        %dma_start3A_521 = arith.constant 0 : i32
        %dma_start3A_522 = tpu.memref_slice %arg6[%dma_start3A_516, %add3A_515, %dma_start3A_520, %dma_start3A_521] : memref<2x2500x8x128xf32, #tpu.memory_space<hbm>> -> memref<1x1x8x128xf32, #tpu.memory_space<hbm>>
        %dma_start3A_523 = tpu.memref_squeeze %dma_start3A_522 : memref<1x1x8x128xf32, #tpu.memory_space<hbm>> -> memref<8x128xf32, #tpu.memory_space<hbm>>
        %dma_start3A_524 = arith.constant 0 : i32
        %dma_start3A_525 = arith.constant 0 : i32
        %dma_start3A_526 = tpu.memref_slice %arg6[%dma_start3A_516, %add3A_515, %dma_start3A_524, %dma_start3A_525] : memref<2x2500x8x128xf32, #tpu.memory_space<hbm>> -> memref<1x1x8x128xf32, #tpu.memory_space<hbm>>
        %dma_start3A_527 = tpu.memref_squeeze %dma_start3A_526 : memref<1x1x8x128xf32, #tpu.memory_space<hbm>> -> memref<8x128xf32, #tpu.memory_space<hbm>>
        %dma_start3A_528 = arith.constant 8 : i32
        %dma_start3A_529 = arith.constant 384 : i32
        %dma_start3A_530 = tpu.memref_slice %arg13[%dma_start3A_528, %dma_start3A_529] : memref<16x513xf32, #tpu.memory_space<vmem>> -> memref<8x128xf32, #tpu.memory_space<vmem>>
        tpu.enqueue_dma source(%dma_start3A_530 : memref<8x128xf32, #tpu.memory_space<vmem>>) target(%dma_start3A_527 : memref<8x128xf32, #tpu.memory_space<hbm>>) target_semaphore(%arg19 : memref<!tpu.dma_semaphore, #tpu.memory_space<semaphore_mem>>)
        %add3A_531 = arith.constant 2 : i32
        %add3A_532 = arith.addi %add3A_365, %add3A_531 : i32
        %lt3A_533 = arith.cmpi slt, %add3A_532, %sub3A : i32
        %convert_element_type3A_534 = arith.extui %lt3A_533 : i1 to i32
        %cond3A_535 = arith.constant 0 : i32
        %cond3A_536 = arith.cmpi ne, %convert_element_type3A_534, %cond3A_535 : i32
        scf.if %cond3A_536 {
          %add3A_537 = arith.constant 2 : i32
          %add3A_538 = arith.addi %add3A_365, %add3A_537 : i32
          %mul3A_539 = arith.constant 512 : i32
          %mul3A_540 = arith.muli %add3A_538, %mul3A_539 : i32
          %mul3A_541 = arith.constant 512 : i32
          %mul3A_542 = arith.muli %add3A_538, %mul3A_541 : i32
          %dma_start3A_543 = tpu.memref_slice %arg7[%mul3A_540] : memref<10240xi32, #tpu.memory_space<vmem>> -> memref<512xi32, #tpu.memory_space<vmem>>
          %dma_start3A_544 = arith.constant 0 : i32
          %dma_start3A_545 = arith.constant 0 : i32
          %dma_start3A_546 = tpu.memref_slice %arg15[%dma_start3A_544, %dma_start3A_545] : memref<10000x16xf32, #tpu.memory_space<vmem_shared>> -> memref<10000x16xf32, #tpu.memory_space<vmem_shared>>
          tpu.enqueue_indirect_dma source(%dma_start3A_546 : memref<10000x16xf32, #tpu.memory_space<vmem_shared>>) target(%arg9 : memref<512x16xf32, #tpu.memory_space<vmem>>) offsets(%dma_start3A_543 : memref<512xi32, #tpu.memory_space<vmem>>) semaphore(%arg17 : memref<!tpu.dma_semaphore, #tpu.memory_space<semaphore_mem>>)
          %dma_start3A_547 = tpu.memref_slice %arg8[%mul3A_542] : memref<10240xi32, #tpu.memory_space<vmem>> -> memref<512xi32, #tpu.memory_space<vmem>>
          %dma_start3A_548 = arith.constant 0 : i32
          %dma_start3A_549 = arith.constant 0 : i32
          %dma_start3A_550 = tpu.memref_slice %arg16[%dma_start3A_548, %dma_start3A_549] : memref<10000x16xf32, #tpu.memory_space<vmem_shared>> -> memref<10000x16xf32, #tpu.memory_space<vmem_shared>>
          tpu.enqueue_indirect_dma source(%dma_start3A_550 : memref<10000x16xf32, #tpu.memory_space<vmem_shared>>) target(%arg11 : memref<512x16xf32, #tpu.memory_space<vmem>>) offsets(%dma_start3A_547 : memref<512xi32, #tpu.memory_space<vmem>>) semaphore(%arg17 : memref<!tpu.dma_semaphore, #tpu.memory_space<semaphore_mem>>)
        } else {
        }
      } else {
      }
      %add3A_370 = arith.constant 1 : i32
      %add3A_371 = arith.addi %add3A_363, %add3A_370 : i32
      %lt3A_372 = arith.cmpi slt, %add3A_371, %sub3A : i32
      %convert_element_type3A_373 = arith.extui %lt3A_372 : i1 to i32
      %cond3A_374 = arith.constant 0 : i32
      %cond3A_375 = arith.cmpi ne, %convert_element_type3A_373, %cond3A_374 : i32
      scf.if %cond3A_375 {
        %mul3A_376 = arith.constant 512 : i32
        %mul3A_377 = arith.muli %add3A_371, %mul3A_376 : i32
        %dma_wait3A_378 = tpu.memref_slice %arg7[%mul3A_377] : memref<10240xi32, #tpu.memory_space<vmem>> -> memref<512xi32, #tpu.memory_space<vmem>>
        %dma_wait3A_379 = arith.constant 0 : i32
        %dma_wait3A_380 = arith.constant 0 : i32
        %dma_wait3A_381 = tpu.memref_slice %arg15[%dma_wait3A_379, %dma_wait3A_380] : memref<10000x16xf32, #tpu.memory_space<vmem_shared>> -> memref<10000x16xf32, #tpu.memory_space<vmem_shared>>
        tpu.wait_indirect_dma semaphore(%arg18 : memref<!tpu.dma_semaphore, #tpu.memory_space<semaphore_mem>>) src(%dma_wait3A_381 : memref<10000x16xf32, #tpu.memory_space<vmem_shared>>) dst(%arg10 : memref<512x16xf32, #tpu.memory_space<vmem>>)
        %dma_wait3A_382 = tpu.memref_slice %arg7[%mul3A_377] : memref<10240xi32, #tpu.memory_space<vmem>> -> memref<512xi32, #tpu.memory_space<vmem>>
        %dma_wait3A_383 = arith.constant 0 : i32
        %dma_wait3A_384 = arith.constant 0 : i32
        %dma_wait3A_385 = tpu.memref_slice %arg15[%dma_wait3A_383, %dma_wait3A_384] : memref<10000x16xf32, #tpu.memory_space<vmem_shared>> -> memref<10000x16xf32, #tpu.memory_space<vmem_shared>>
        tpu.wait_indirect_dma semaphore(%arg18 : memref<!tpu.dma_semaphore, #tpu.memory_space<semaphore_mem>>) src(%dma_wait3A_385 : memref<10000x16xf32, #tpu.memory_space<vmem_shared>>) dst(%arg12 : memref<512x16xf32, #tpu.memory_space<vmem>>)
        %ge3A = arith.constant 2 : i32
        %ge3A_386 = arith.cmpi sge, %add3A_371, %ge3A : i32
        %convert_element_type3A_387 = arith.extui %ge3A_386 : i1 to i32
        %cond3A_388 = arith.constant 0 : i32
        %cond3A_389 = arith.cmpi ne, %convert_element_type3A_387, %cond3A_388 : i32
        scf.if %cond3A_389 {
          %sub3A_537 = arith.constant 2 : i32
          %sub3A_538 = arith.subi %add3A_371, %sub3A_537 : i32
          %add3A_539 = arith.addi %shift_right_logical3A_5, %sub3A_538 : i32
          %mul3A_540 = arith.constant 4 : i32
          %mul3A_541 = arith.muli %add3A_539, %mul3A_540 : i32
          %add3A_542 = arith.constant 0 : i32
          %add3A_543 = arith.addi %mul3A_541, %add3A_542 : i32
          %dma_wait3A_544 = arith.constant 0 : i32
          %dma_wait3A_545 = arith.constant 0 : i32
          %dma_wait3A_546 = arith.constant 0 : i32
          %dma_wait3A_547 = tpu.memref_slice %arg14[%dma_wait3A_545, %dma_wait3A_546] : memref<16x513xf32, #tpu.memory_space<vmem>> -> memref<8x128xf32, #tpu.memory_space<vmem>>
          %dma_wait3A_548 = arith.constant 0 : i32
          %dma_wait3A_549 = arith.constant 0 : i32
          %dma_wait3A_550 = tpu.memref_slice %arg6[%dma_wait3A_544, %add3A_543, %dma_wait3A_548, %dma_wait3A_549] : memref<2x2500x8x128xf32, #tpu.memory_space<hbm>> -> memref<1x1x8x128xf32, #tpu.memory_space<hbm>>
          %dma_wait3A_551 = tpu.memref_squeeze %dma_wait3A_550 : memref<1x1x8x128xf32, #tpu.memory_space<hbm>> -> memref<8x128xf32, #tpu.memory_space<hbm>>
          %dma_wait3A_552 = arith.constant 0 : i32
          %dma_wait3A_553 = arith.constant 0 : i32
          %dma_wait3A_554 = tpu.memref_slice %arg6[%dma_wait3A_544, %add3A_543, %dma_wait3A_552, %dma_wait3A_553] : memref<2x2500x8x128xf32, #tpu.memory_space<hbm>> -> memref<1x1x8x128xf32, #tpu.memory_space<hbm>>
          %dma_wait3A_555 = tpu.memref_squeeze %dma_wait3A_554 : memref<1x1x8x128xf32, #tpu.memory_space<hbm>> -> memref<8x128xf32, #tpu.memory_space<hbm>>
          %dma_wait3A_556 = arith.constant 0 : i32
          %dma_wait3A_557 = arith.constant 0 : i32
          %dma_wait3A_558 = tpu.memref_slice %arg14[%dma_wait3A_556, %dma_wait3A_557] : memref<16x513xf32, #tpu.memory_space<vmem>> -> memref<8x128xf32, #tpu.memory_space<vmem>>
          tpu.wait_dma2 semaphore(%arg20 : memref<!tpu.dma_semaphore, #tpu.memory_space<semaphore_mem>>) src(%dma_wait3A_558 : memref<8x128xf32, #tpu.memory_space<vmem>>) dst(%dma_wait3A_555 : memref<8x128xf32, #tpu.memory_space<hbm>>)
          %add3A_559 = arith.constant 1 : i32
          %add3A_560 = arith.addi %mul3A_541, %add3A_559 : i32
          %dma_wait3A_561 = arith.constant 0 : i32
          %dma_wait3A_562 = arith.constant 0 : i32
          %dma_wait3A_563 = arith.constant 128 : i32
          %dma_wait3A_564 = tpu.memref_slice %arg14[%dma_wait3A_562, %dma_wait3A_563] : memref<16x513xf32, #tpu.memory_space<vmem>> -> memref<8x128xf32, #tpu.memory_space<vmem>>
          %dma_wait3A_565 = arith.constant 0 : i32
          %dma_wait3A_566 = arith.constant 0 : i32
          %dma_wait3A_567 = tpu.memref_slice %arg6[%dma_wait3A_561, %add3A_560, %dma_wait3A_565, %dma_wait3A_566] : memref<2x2500x8x128xf32, #tpu.memory_space<hbm>> -> memref<1x1x8x128xf32, #tpu.memory_space<hbm>>
          %dma_wait3A_568 = tpu.memref_squeeze %dma_wait3A_567 : memref<1x1x8x128xf32, #tpu.memory_space<hbm>> -> memref<8x128xf32, #tpu.memory_space<hbm>>
          %dma_wait3A_569 = arith.constant 0 : i32
          %dma_wait3A_570 = arith.constant 0 : i32
          %dma_wait3A_571 = tpu.memref_slice %arg6[%dma_wait3A_561, %add3A_560, %dma_wait3A_569, %dma_wait3A_570] : memref<2x2500x8x128xf32, #tpu.memory_space<hbm>> -> memref<1x1x8x128xf32, #tpu.memory_space<hbm>>
          %dma_wait3A_572 = tpu.memref_squeeze %dma_wait3A_571 : memref<1x1x8x128xf32, #tpu.memory_space<hbm>> -> memref<8x128xf32, #tpu.memory_space<hbm>>
          %dma_wait3A_573 = arith.constant 0 : i32
          %dma_wait3A_574 = arith.constant 128 : i32
          %dma_wait3A_575 = tpu.memref_slice %arg14[%dma_wait3A_573, %dma_wait3A_574] : memref<16x513xf32, #tpu.memory_space<vmem>> -> memref<8x128xf32, #tpu.memory_space<vmem>>
          tpu.wait_dma2 semaphore(%arg20 : memref<!tpu.dma_semaphore, #tpu.memory_space<semaphore_mem>>) src(%dma_wait3A_575 : memref<8x128xf32, #tpu.memory_space<vmem>>) dst(%dma_wait3A_572 : memref<8x128xf32, #tpu.memory_space<hbm>>)
          %add3A_576 = arith.constant 2 : i32
          %add3A_577 = arith.addi %mul3A_541, %add3A_576 : i32
          %dma_wait3A_578 = arith.constant 0 : i32
          %dma_wait3A_579 = arith.constant 0 : i32
          %dma_wait3A_580 = arith.constant 256 : i32
          %dma_wait3A_581 = tpu.memref_slice %arg14[%dma_wait3A_579, %dma_wait3A_580] : memref<16x513xf32, #tpu.memory_space<vmem>> -> memref<8x128xf32, #tpu.memory_space<vmem>>
          %dma_wait3A_582 = arith.constant 0 : i32
          %dma_wait3A_583 = arith.constant 0 : i32
          %dma_wait3A_584 = tpu.memref_slice %arg6[%dma_wait3A_578, %add3A_577, %dma_wait3A_582, %dma_wait3A_583] : memref<2x2500x8x128xf32, #tpu.memory_space<hbm>> -> memref<1x1x8x128xf32, #tpu.memory_space<hbm>>
          %dma_wait3A_585 = tpu.memref_squeeze %dma_wait3A_584 : memref<1x1x8x128xf32, #tpu.memory_space<hbm>> -> memref<8x128xf32, #tpu.memory_space<hbm>>
          %dma_wait3A_586 = arith.constant 0 : i32
          %dma_wait3A_587 = arith.constant 0 : i32
          %dma_wait3A_588 = tpu.memref_slice %arg6[%dma_wait3A_578, %add3A_577, %dma_wait3A_586, %dma_wait3A_587] : memref<2x2500x8x128xf32, #tpu.memory_space<hbm>> -> memref<1x1x8x128xf32, #tpu.memory_space<hbm>>
          %dma_wait3A_589 = tpu.memref_squeeze %dma_wait3A_588 : memref<1x1x8x128xf32, #tpu.memory_space<hbm>> -> memref<8x128xf32, #tpu.memory_space<hbm>>
          %dma_wait3A_590 = arith.constant 0 : i32
          %dma_wait3A_591 = arith.constant 256 : i32
          %dma_wait3A_592 = tpu.memref_slice %arg14[%dma_wait3A_590, %dma_wait3A_591] : memref<16x513xf32, #tpu.memory_space<vmem>> -> memref<8x128xf32, #tpu.memory_space<vmem>>
          tpu.wait_dma2 semaphore(%arg20 : memref<!tpu.dma_semaphore, #tpu.memory_space<semaphore_mem>>) src(%dma_wait3A_592 : memref<8x128xf32, #tpu.memory_space<vmem>>) dst(%dma_wait3A_589 : memref<8x128xf32, #tpu.memory_space<hbm>>)
          %add3A_593 = arith.constant 3 : i32
          %add3A_594 = arith.addi %mul3A_541, %add3A_593 : i32
          %dma_wait3A_595 = arith.constant 0 : i32
          %dma_wait3A_596 = arith.constant 0 : i32
          %dma_wait3A_597 = arith.constant 384 : i32
          %dma_wait3A_598 = tpu.memref_slice %arg14[%dma_wait3A_596, %dma_wait3A_597] : memref<16x513xf32, #tpu.memory_space<vmem>> -> memref<8x128xf32, #tpu.memory_space<vmem>>
          %dma_wait3A_599 = arith.constant 0 : i32
          %dma_wait3A_600 = arith.constant 0 : i32
          %dma_wait3A_601 = tpu.memref_slice %arg6[%dma_wait3A_595, %add3A_594, %dma_wait3A_599, %dma_wait3A_600] : memref<2x2500x8x128xf32, #tpu.memory_space<hbm>> -> memref<1x1x8x128xf32, #tpu.memory_space<hbm>>
          %dma_wait3A_602 = tpu.memref_squeeze %dma_wait3A_601 : memref<1x1x8x128xf32, #tpu.memory_space<hbm>> -> memref<8x128xf32, #tpu.memory_space<hbm>>
          %dma_wait3A_603 = arith.constant 0 : i32
          %dma_wait3A_604 = arith.constant 0 : i32
          %dma_wait3A_605 = tpu.memref_slice %arg6[%dma_wait3A_595, %add3A_594, %dma_wait3A_603, %dma_wait3A_604] : memref<2x2500x8x128xf32, #tpu.memory_space<hbm>> -> memref<1x1x8x128xf32, #tpu.memory_space<hbm>>
          %dma_wait3A_606 = tpu.memref_squeeze %dma_wait3A_605 : memref<1x1x8x128xf32, #tpu.memory_space<hbm>> -> memref<8x128xf32, #tpu.memory_space<hbm>>
          %dma_wait3A_607 = arith.constant 0 : i32
          %dma_wait3A_608 = arith.constant 384 : i32
          %dma_wait3A_609 = tpu.memref_slice %arg14[%dma_wait3A_607, %dma_wait3A_608] : memref<16x513xf32, #tpu.memory_space<vmem>> -> memref<8x128xf32, #tpu.memory_space<vmem>>
          tpu.wait_dma2 semaphore(%arg20 : memref<!tpu.dma_semaphore, #tpu.memory_space<semaphore_mem>>) src(%dma_wait3A_609 : memref<8x128xf32, #tpu.memory_space<vmem>>) dst(%dma_wait3A_606 : memref<8x128xf32, #tpu.memory_space<hbm>>)
          %add3A_610 = arith.constant 0 : i32
          %add3A_611 = arith.addi %mul3A_541, %add3A_610 : i32
          %dma_wait3A_612 = arith.constant 1 : i32
          %dma_wait3A_613 = arith.constant 8 : i32
          %dma_wait3A_614 = arith.constant 0 : i32
          %dma_wait3A_615 = tpu.memref_slice %arg14[%dma_wait3A_613, %dma_wait3A_614] : memref<16x513xf32, #tpu.memory_space<vmem>> -> memref<8x128xf32, #tpu.memory_space<vmem>>
          %dma_wait3A_616 = arith.constant 0 : i32
          %dma_wait3A_617 = arith.constant 0 : i32
          %dma_wait3A_618 = tpu.memref_slice %arg6[%dma_wait3A_612, %add3A_611, %dma_wait3A_616, %dma_wait3A_617] : memref<2x2500x8x128xf32, #tpu.memory_space<hbm>> -> memref<1x1x8x128xf32, #tpu.memory_space<hbm>>
          %dma_wait3A_619 = tpu.memref_squeeze %dma_wait3A_618 : memref<1x1x8x128xf32, #tpu.memory_space<hbm>> -> memref<8x128xf32, #tpu.memory_space<hbm>>
          %dma_wait3A_620 = arith.constant 0 : i32
          %dma_wait3A_621 = arith.constant 0 : i32
          %dma_wait3A_622 = tpu.memref_slice %arg6[%dma_wait3A_612, %add3A_611, %dma_wait3A_620, %dma_wait3A_621] : memref<2x2500x8x128xf32, #tpu.memory_space<hbm>> -> memref<1x1x8x128xf32, #tpu.memory_space<hbm>>
          %dma_wait3A_623 = tpu.memref_squeeze %dma_wait3A_622 : memref<1x1x8x128xf32, #tpu.memory_space<hbm>> -> memref<8x128xf32, #tpu.memory_space<hbm>>
          %dma_wait3A_624 = arith.constant 8 : i32
          %dma_wait3A_625 = arith.constant 0 : i32
          %dma_wait3A_626 = tpu.memref_slice %arg14[%dma_wait3A_624, %dma_wait3A_625] : memref<16x513xf32, #tpu.memory_space<vmem>> -> memref<8x128xf32, #tpu.memory_space<vmem>>
          tpu.wait_dma2 semaphore(%arg20 : memref<!tpu.dma_semaphore, #tpu.memory_space<semaphore_mem>>) src(%dma_wait3A_626 : memref<8x128xf32, #tpu.memory_space<vmem>>) dst(%dma_wait3A_623 : memref<8x128xf32, #tpu.memory_space<hbm>>)
          %add3A_627 = arith.constant 1 : i32
          %add3A_628 = arith.addi %mul3A_541, %add3A_627 : i32
          %dma_wait3A_629 = arith.constant 1 : i32
          %dma_wait3A_630 = arith.constant 8 : i32
          %dma_wait3A_631 = arith.constant 128 : i32
          %dma_wait3A_632 = tpu.memref_slice %arg14[%dma_wait3A_630, %dma_wait3A_631] : memref<16x513xf32, #tpu.memory_space<vmem>> -> memref<8x128xf32, #tpu.memory_space<vmem>>
          %dma_wait3A_633 = arith.constant 0 : i32
          %dma_wait3A_634 = arith.constant 0 : i32
          %dma_wait3A_635 = tpu.memref_slice %arg6[%dma_wait3A_629, %add3A_628, %dma_wait3A_633, %dma_wait3A_634] : memref<2x2500x8x128xf32, #tpu.memory_space<hbm>> -> memref<1x1x8x128xf32, #tpu.memory_space<hbm>>
          %dma_wait3A_636 = tpu.memref_squeeze %dma_wait3A_635 : memref<1x1x8x128xf32, #tpu.memory_space<hbm>> -> memref<8x128xf32, #tpu.memory_space<hbm>>
          %dma_wait3A_637 = arith.constant 0 : i32
          %dma_wait3A_638 = arith.constant 0 : i32
          %dma_wait3A_639 = tpu.memref_slice %arg6[%dma_wait3A_629, %add3A_628, %dma_wait3A_637, %dma_wait3A_638] : memref<2x2500x8x128xf32, #tpu.memory_space<hbm>> -> memref<1x1x8x128xf32, #tpu.memory_space<hbm>>
          %dma_wait3A_640 = tpu.memref_squeeze %dma_wait3A_639 : memref<1x1x8x128xf32, #tpu.memory_space<hbm>> -> memref<8x128xf32, #tpu.memory_space<hbm>>
          %dma_wait3A_641 = arith.constant 8 : i32
          %dma_wait3A_642 = arith.constant 128 : i32
          %dma_wait3A_643 = tpu.memref_slice %arg14[%dma_wait3A_641, %dma_wait3A_642] : memref<16x513xf32, #tpu.memory_space<vmem>> -> memref<8x128xf32, #tpu.memory_space<vmem>>
          tpu.wait_dma2 semaphore(%arg20 : memref<!tpu.dma_semaphore, #tpu.memory_space<semaphore_mem>>) src(%dma_wait3A_643 : memref<8x128xf32, #tpu.memory_space<vmem>>) dst(%dma_wait3A_640 : memref<8x128xf32, #tpu.memory_space<hbm>>)
          %add3A_644 = arith.constant 2 : i32
          %add3A_645 = arith.addi %mul3A_541, %add3A_644 : i32
          %dma_wait3A_646 = arith.constant 1 : i32
          %dma_wait3A_647 = arith.constant 8 : i32
          %dma_wait3A_648 = arith.constant 256 : i32
          %dma_wait3A_649 = tpu.memref_slice %arg14[%dma_wait3A_647, %dma_wait3A_648] : memref<16x513xf32, #tpu.memory_space<vmem>> -> memref<8x128xf32, #tpu.memory_space<vmem>>
          %dma_wait3A_650 = arith.constant 0 : i32
          %dma_wait3A_651 = arith.constant 0 : i32
          %dma_wait3A_652 = tpu.memref_slice %arg6[%dma_wait3A_646, %add3A_645, %dma_wait3A_650, %dma_wait3A_651] : memref<2x2500x8x128xf32, #tpu.memory_space<hbm>> -> memref<1x1x8x128xf32, #tpu.memory_space<hbm>>
          %dma_wait3A_653 = tpu.memref_squeeze %dma_wait3A_652 : memref<1x1x8x128xf32, #tpu.memory_space<hbm>> -> memref<8x128xf32, #tpu.memory_space<hbm>>
          %dma_wait3A_654 = arith.constant 0 : i32
          %dma_wait3A_655 = arith.constant 0 : i32
          %dma_wait3A_656 = tpu.memref_slice %arg6[%dma_wait3A_646, %add3A_645, %dma_wait3A_654, %dma_wait3A_655] : memref<2x2500x8x128xf32, #tpu.memory_space<hbm>> -> memref<1x1x8x128xf32, #tpu.memory_space<hbm>>
          %dma_wait3A_657 = tpu.memref_squeeze %dma_wait3A_656 : memref<1x1x8x128xf32, #tpu.memory_space<hbm>> -> memref<8x128xf32, #tpu.memory_space<hbm>>
          %dma_wait3A_658 = arith.constant 8 : i32
          %dma_wait3A_659 = arith.constant 256 : i32
          %dma_wait3A_660 = tpu.memref_slice %arg14[%dma_wait3A_658, %dma_wait3A_659] : memref<16x513xf32, #tpu.memory_space<vmem>> -> memref<8x128xf32, #tpu.memory_space<vmem>>
          tpu.wait_dma2 semaphore(%arg20 : memref<!tpu.dma_semaphore, #tpu.memory_space<semaphore_mem>>) src(%dma_wait3A_660 : memref<8x128xf32, #tpu.memory_space<vmem>>) dst(%dma_wait3A_657 : memref<8x128xf32, #tpu.memory_space<hbm>>)
          %add3A_661 = arith.constant 3 : i32
          %add3A_662 = arith.addi %mul3A_541, %add3A_661 : i32
          %dma_wait3A_663 = arith.constant 1 : i32
          %dma_wait3A_664 = arith.constant 8 : i32
          %dma_wait3A_665 = arith.constant 384 : i32
          %dma_wait3A_666 = tpu.memref_slice %arg14[%dma_wait3A_664, %dma_wait3A_665] : memref<16x513xf32, #tpu.memory_space<vmem>> -> memref<8x128xf32, #tpu.memory_space<vmem>>
          %dma_wait3A_667 = arith.constant 0 : i32
          %dma_wait3A_668 = arith.constant 0 : i32
          %dma_wait3A_669 = tpu.memref_slice %arg6[%dma_wait3A_663, %add3A_662, %dma_wait3A_667, %dma_wait3A_668] : memref<2x2500x8x128xf32, #tpu.memory_space<hbm>> -> memref<1x1x8x128xf32, #tpu.memory_space<hbm>>
          %dma_wait3A_670 = tpu.memref_squeeze %dma_wait3A_669 : memref<1x1x8x128xf32, #tpu.memory_space<hbm>> -> memref<8x128xf32, #tpu.memory_space<hbm>>
          %dma_wait3A_671 = arith.constant 0 : i32
          %dma_wait3A_672 = arith.constant 0 : i32
          %dma_wait3A_673 = tpu.memref_slice %arg6[%dma_wait3A_663, %add3A_662, %dma_wait3A_671, %dma_wait3A_672] : memref<2x2500x8x128xf32, #tpu.memory_space<hbm>> -> memref<1x1x8x128xf32, #tpu.memory_space<hbm>>
          %dma_wait3A_674 = tpu.memref_squeeze %dma_wait3A_673 : memref<1x1x8x128xf32, #tpu.memory_space<hbm>> -> memref<8x128xf32, #tpu.memory_space<hbm>>
          %dma_wait3A_675 = arith.constant 8 : i32
          %dma_wait3A_676 = arith.constant 384 : i32
          %dma_wait3A_677 = tpu.memref_slice %arg14[%dma_wait3A_675, %dma_wait3A_676] : memref<16x513xf32, #tpu.memory_space<vmem>> -> memref<8x128xf32, #tpu.memory_space<vmem>>
          tpu.wait_dma2 semaphore(%arg20 : memref<!tpu.dma_semaphore, #tpu.memory_space<semaphore_mem>>) src(%dma_wait3A_677 : memref<8x128xf32, #tpu.memory_space<vmem>>) dst(%dma_wait3A_674 : memref<8x128xf32, #tpu.memory_space<hbm>>)
        } else {
        }
        %parallel_loop3A = arith.constant 0 : i32
        %parallel_loop3A_390 = arith.constant 512 : i32
        %parallel_loop3A_391 = arith.constant 1 : i32
        scf.for %parallel_loop3A_537 = %parallel_loop3A to %parallel_loop3A_390 step %parallel_loop3A_391  : i32 {
          %parallel_loop3A_538 = arith.index_cast %parallel_loop3A_537 : i32 to index
          %parallel_loop3A_539 = arith.constant 0 : index
          %parallel_loop3A_540 = tpu.vector_load %arg10[%parallel_loop3A_538, %parallel_loop3A_539] {strides = array<i32>} : memref<512x16xf32, #tpu.memory_space<vmem>>, vector<16xf32>,
          %parallel_loop3A_541 = arith.index_cast %parallel_loop3A_537 : i32 to index
          %parallel_loop3A_542 = arith.constant 0 : index
          %parallel_loop3A_543 = tpu.vector_load %arg12[%parallel_loop3A_541, %parallel_loop3A_542] {strides = array<i32>} : memref<512x16xf32, #tpu.memory_space<vmem>>, vector<16xf32>,
          %parallel_loop3A_544 = arith.addf %parallel_loop3A_540, %parallel_loop3A_543 : vector<16xf32>
          %parallel_loop3A_545 = math.exp %parallel_loop3A_544 : vector<16xf32>
          %parallel_loop3A_546 = arith.constant 1.000000e+00 : f32
          %parallel_loop3A_547 = vector.broadcast %parallel_loop3A_546 : f32 to vector<16xf32>
          %parallel_loop3A_548 = arith.addf %parallel_loop3A_545, %parallel_loop3A_547 : vector<16xf32>
          %parallel_loop3A_549 = arith.constant 2.000000e+00 : f32
          %parallel_loop3A_550 = vector.broadcast %parallel_loop3A_549 : f32 to vector<16xf32>
          %parallel_loop3A_551 = arith.divf %parallel_loop3A_550, %parallel_loop3A_548 : vector<16xf32>
          %parallel_loop3A_552 = arith.constant 1.000000e+00 : f32
          %parallel_loop3A_553 = vector.broadcast %parallel_loop3A_552 : f32 to vector<16xf32>
          %parallel_loop3A_554 = arith.subf %parallel_loop3A_553, %parallel_loop3A_551 : vector<16xf32>
          %parallel_loop3A_555 = vector.broadcast %parallel_loop3A_537 : i32 to vector<16xi32>
          tpu.vector_store_idx %arg14[%iota3A, %parallel_loop3A_555], %parallel_loop3A_554 : memref<16x513xf32, #tpu.memory_space<vmem>>[vector<16xi32>, vector<16xi32>], vector<16xf32>,
        } {sc.loop_unroll_factor = 8 : i64, sc.parallel_access}
        %add3A_392 = arith.addi %shift_right_logical3A_5, %add3A_371 : i32
        %mul3A_393 = arith.constant 4 : i32
        %mul3A_394 = arith.muli %add3A_392, %mul3A_393 : i32
        %add3A_395 = arith.constant 0 : i32
        %add3A_396 = arith.addi %mul3A_394, %add3A_395 : i32
        %dma_start3A_397 = arith.constant 0 : i32
        %dma_start3A_398 = arith.constant 0 : i32
        %dma_start3A_399 = arith.constant 0 : i32
        %dma_start3A_400 = tpu.memref_slice %arg14[%dma_start3A_398, %dma_start3A_399] : memref<16x513xf32, #tpu.memory_space<vmem>> -> memref<8x128xf32, #tpu.memory_space<vmem>>
        %dma_start3A_401 = arith.constant 0 : i32
        %dma_start3A_402 = arith.constant 0 : i32
        %dma_start3A_403 = tpu.memref_slice %arg6[%dma_start3A_397, %add3A_396, %dma_start3A_401, %dma_start3A_402] : memref<2x2500x8x128xf32, #tpu.memory_space<hbm>> -> memref<1x1x8x128xf32, #tpu.memory_space<hbm>>
        %dma_start3A_404 = tpu.memref_squeeze %dma_start3A_403 : memref<1x1x8x128xf32, #tpu.memory_space<hbm>> -> memref<8x128xf32, #tpu.memory_space<hbm>>
        %dma_start3A_405 = arith.constant 0 : i32
        %dma_start3A_406 = arith.constant 0 : i32
        %dma_start3A_407 = tpu.memref_slice %arg6[%dma_start3A_397, %add3A_396, %dma_start3A_405, %dma_start3A_406] : memref<2x2500x8x128xf32, #tpu.memory_space<hbm>> -> memref<1x1x8x128xf32, #tpu.memory_space<hbm>>
        %dma_start3A_408 = tpu.memref_squeeze %dma_start3A_407 : memref<1x1x8x128xf32, #tpu.memory_space<hbm>> -> memref<8x128xf32, #tpu.memory_space<hbm>>
        %dma_start3A_409 = arith.constant 0 : i32
        %dma_start3A_410 = arith.constant 0 : i32
        %dma_start3A_411 = tpu.memref_slice %arg14[%dma_start3A_409, %dma_start3A_410] : memref<16x513xf32, #tpu.memory_space<vmem>> -> memref<8x128xf32, #tpu.memory_space<vmem>>
        tpu.enqueue_dma source(%dma_start3A_411 : memref<8x128xf32, #tpu.memory_space<vmem>>) target(%dma_start3A_408 : memref<8x128xf32, #tpu.memory_space<hbm>>) target_semaphore(%arg20 : memref<!tpu.dma_semaphore, #tpu.memory_space<semaphore_mem>>)
        %add3A_412 = arith.constant 1 : i32
        %add3A_413 = arith.addi %mul3A_394, %add3A_412 : i32
        %dma_start3A_414 = arith.constant 0 : i32
        %dma_start3A_415 = arith.constant 0 : i32
        %dma_start3A_416 = arith.constant 128 : i32
        %dma_start3A_417 = tpu.memref_slice %arg14[%dma_start3A_415, %dma_start3A_416] : memref<16x513xf32, #tpu.memory_space<vmem>> -> memref<8x128xf32, #tpu.memory_space<vmem>>
        %dma_start3A_418 = arith.constant 0 : i32
        %dma_start3A_419 = arith.constant 0 : i32
        %dma_start3A_420 = tpu.memref_slice %arg6[%dma_start3A_414, %add3A_413, %dma_start3A_418, %dma_start3A_419] : memref<2x2500x8x128xf32, #tpu.memory_space<hbm>> -> memref<1x1x8x128xf32, #tpu.memory_space<hbm>>
        %dma_start3A_421 = tpu.memref_squeeze %dma_start3A_420 : memref<1x1x8x128xf32, #tpu.memory_space<hbm>> -> memref<8x128xf32, #tpu.memory_space<hbm>>
        %dma_start3A_422 = arith.constant 0 : i32
        %dma_start3A_423 = arith.constant 0 : i32
        %dma_start3A_424 = tpu.memref_slice %arg6[%dma_start3A_414, %add3A_413, %dma_start3A_422, %dma_start3A_423] : memref<2x2500x8x128xf32, #tpu.memory_space<hbm>> -> memref<1x1x8x128xf32, #tpu.memory_space<hbm>>
        %dma_start3A_425 = tpu.memref_squeeze %dma_start3A_424 : memref<1x1x8x128xf32, #tpu.memory_space<hbm>> -> memref<8x128xf32, #tpu.memory_space<hbm>>
        %dma_start3A_426 = arith.constant 0 : i32
        %dma_start3A_427 = arith.constant 128 : i32
        %dma_start3A_428 = tpu.memref_slice %arg14[%dma_start3A_426, %dma_start3A_427] : memref<16x513xf32, #tpu.memory_space<vmem>> -> memref<8x128xf32, #tpu.memory_space<vmem>>
        tpu.enqueue_dma source(%dma_start3A_428 : memref<8x128xf32, #tpu.memory_space<vmem>>) target(%dma_start3A_425 : memref<8x128xf32, #tpu.memory_space<hbm>>) target_semaphore(%arg20 : memref<!tpu.dma_semaphore, #tpu.memory_space<semaphore_mem>>)
        %add3A_429 = arith.constant 2 : i32
        %add3A_430 = arith.addi %mul3A_394, %add3A_429 : i32
        %dma_start3A_431 = arith.constant 0 : i32
        %dma_start3A_432 = arith.constant 0 : i32
        %dma_start3A_433 = arith.constant 256 : i32
        %dma_start3A_434 = tpu.memref_slice %arg14[%dma_start3A_432, %dma_start3A_433] : memref<16x513xf32, #tpu.memory_space<vmem>> -> memref<8x128xf32, #tpu.memory_space<vmem>>
        %dma_start3A_435 = arith.constant 0 : i32
        %dma_start3A_436 = arith.constant 0 : i32
        %dma_start3A_437 = tpu.memref_slice %arg6[%dma_start3A_431, %add3A_430, %dma_start3A_435, %dma_start3A_436] : memref<2x2500x8x128xf32, #tpu.memory_space<hbm>> -> memref<1x1x8x128xf32, #tpu.memory_space<hbm>>
        %dma_start3A_438 = tpu.memref_squeeze %dma_start3A_437 : memref<1x1x8x128xf32, #tpu.memory_space<hbm>> -> memref<8x128xf32, #tpu.memory_space<hbm>>
        %dma_start3A_439 = arith.constant 0 : i32
        %dma_start3A_440 = arith.constant 0 : i32
        %dma_start3A_441 = tpu.memref_slice %arg6[%dma_start3A_431, %add3A_430, %dma_start3A_439, %dma_start3A_440] : memref<2x2500x8x128xf32, #tpu.memory_space<hbm>> -> memref<1x1x8x128xf32, #tpu.memory_space<hbm>>
        %dma_start3A_442 = tpu.memref_squeeze %dma_start3A_441 : memref<1x1x8x128xf32, #tpu.memory_space<hbm>> -> memref<8x128xf32, #tpu.memory_space<hbm>>
        %dma_start3A_443 = arith.constant 0 : i32
        %dma_start3A_444 = arith.constant 256 : i32
        %dma_start3A_445 = tpu.memref_slice %arg14[%dma_start3A_443, %dma_start3A_444] : memref<16x513xf32, #tpu.memory_space<vmem>> -> memref<8x128xf32, #tpu.memory_space<vmem>>
        tpu.enqueue_dma source(%dma_start3A_445 : memref<8x128xf32, #tpu.memory_space<vmem>>) target(%dma_start3A_442 : memref<8x128xf32, #tpu.memory_space<hbm>>) target_semaphore(%arg20 : memref<!tpu.dma_semaphore, #tpu.memory_space<semaphore_mem>>)
        %add3A_446 = arith.constant 3 : i32
        %add3A_447 = arith.addi %mul3A_394, %add3A_446 : i32
        %dma_start3A_448 = arith.constant 0 : i32
        %dma_start3A_449 = arith.constant 0 : i32
        %dma_start3A_450 = arith.constant 384 : i32
        %dma_start3A_451 = tpu.memref_slice %arg14[%dma_start3A_449, %dma_start3A_450] : memref<16x513xf32, #tpu.memory_space<vmem>> -> memref<8x128xf32, #tpu.memory_space<vmem>>
        %dma_start3A_452 = arith.constant 0 : i32
        %dma_start3A_453 = arith.constant 0 : i32
        %dma_start3A_454 = tpu.memref_slice %arg6[%dma_start3A_448, %add3A_447, %dma_start3A_452, %dma_start3A_453] : memref<2x2500x8x128xf32, #tpu.memory_space<hbm>> -> memref<1x1x8x128xf32, #tpu.memory_space<hbm>>
        %dma_start3A_455 = tpu.memref_squeeze %dma_start3A_454 : memref<1x1x8x128xf32, #tpu.memory_space<hbm>> -> memref<8x128xf32, #tpu.memory_space<hbm>>
        %dma_start3A_456 = arith.constant 0 : i32
        %dma_start3A_457 = arith.constant 0 : i32
        %dma_start3A_458 = tpu.memref_slice %arg6[%dma_start3A_448, %add3A_447, %dma_start3A_456, %dma_start3A_457] : memref<2x2500x8x128xf32, #tpu.memory_space<hbm>> -> memref<1x1x8x128xf32, #tpu.memory_space<hbm>>
        %dma_start3A_459 = tpu.memref_squeeze %dma_start3A_458 : memref<1x1x8x128xf32, #tpu.memory_space<hbm>> -> memref<8x128xf32, #tpu.memory_space<hbm>>
        %dma_start3A_460 = arith.constant 0 : i32
        %dma_start3A_461 = arith.constant 384 : i32
        %dma_start3A_462 = tpu.memref_slice %arg14[%dma_start3A_460, %dma_start3A_461] : memref<16x513xf32, #tpu.memory_space<vmem>> -> memref<8x128xf32, #tpu.memory_space<vmem>>
        tpu.enqueue_dma source(%dma_start3A_462 : memref<8x128xf32, #tpu.memory_space<vmem>>) target(%dma_start3A_459 : memref<8x128xf32, #tpu.memory_space<hbm>>) target_semaphore(%arg20 : memref<!tpu.dma_semaphore, #tpu.memory_space<semaphore_mem>>)
        %add3A_463 = arith.constant 0 : i32
        %add3A_464 = arith.addi %mul3A_394, %add3A_463 : i32
        %dma_start3A_465 = arith.constant 1 : i32
        %dma_start3A_466 = arith.constant 8 : i32
        %dma_start3A_467 = arith.constant 0 : i32
        %dma_start3A_468 = tpu.memref_slice %arg14[%dma_start3A_466, %dma_start3A_467] : memref<16x513xf32, #tpu.memory_space<vmem>> -> memref<8x128xf32, #tpu.memory_space<vmem>>
        %dma_start3A_469 = arith.constant 0 : i32
        %dma_start3A_470 = arith.constant 0 : i32
        %dma_start3A_471 = tpu.memref_slice %arg6[%dma_start3A_465, %add3A_464, %dma_start3A_469, %dma_start3A_470] : memref<2x2500x8x128xf32, #tpu.memory_space<hbm>> -> memref<1x1x8x128xf32, #tpu.memory_space<hbm>>
        %dma_start3A_472 = tpu.memref_squeeze %dma_start3A_471 : memref<1x1x8x128xf32, #tpu.memory_space<hbm>> -> memref<8x128xf32, #tpu.memory_space<hbm>>
        %dma_start3A_473 = arith.constant 0 : i32
        %dma_start3A_474 = arith.constant 0 : i32
        %dma_start3A_475 = tpu.memref_slice %arg6[%dma_start3A_465, %add3A_464, %dma_start3A_473, %dma_start3A_474] : memref<2x2500x8x128xf32, #tpu.memory_space<hbm>> -> memref<1x1x8x128xf32, #tpu.memory_space<hbm>>
        %dma_start3A_476 = tpu.memref_squeeze %dma_start3A_475 : memref<1x1x8x128xf32, #tpu.memory_space<hbm>> -> memref<8x128xf32, #tpu.memory_space<hbm>>
        %dma_start3A_477 = arith.constant 8 : i32
        %dma_start3A_478 = arith.constant 0 : i32
        %dma_start3A_479 = tpu.memref_slice %arg14[%dma_start3A_477, %dma_start3A_478] : memref<16x513xf32, #tpu.memory_space<vmem>> -> memref<8x128xf32, #tpu.memory_space<vmem>>
        tpu.enqueue_dma source(%dma_start3A_479 : memref<8x128xf32, #tpu.memory_space<vmem>>) target(%dma_start3A_476 : memref<8x128xf32, #tpu.memory_space<hbm>>) target_semaphore(%arg20 : memref<!tpu.dma_semaphore, #tpu.memory_space<semaphore_mem>>)
        %add3A_480 = arith.constant 1 : i32
        %add3A_481 = arith.addi %mul3A_394, %add3A_480 : i32
        %dma_start3A_482 = arith.constant 1 : i32
        %dma_start3A_483 = arith.constant 8 : i32
        %dma_start3A_484 = arith.constant 128 : i32
        %dma_start3A_485 = tpu.memref_slice %arg14[%dma_start3A_483, %dma_start3A_484] : memref<16x513xf32, #tpu.memory_space<vmem>> -> memref<8x128xf32, #tpu.memory_space<vmem>>
        %dma_start3A_486 = arith.constant 0 : i32
        %dma_start3A_487 = arith.constant 0 : i32
        %dma_start3A_488 = tpu.memref_slice %arg6[%dma_start3A_482, %add3A_481, %dma_start3A_486, %dma_start3A_487] : memref<2x2500x8x128xf32, #tpu.memory_space<hbm>> -> memref<1x1x8x128xf32, #tpu.memory_space<hbm>>
        %dma_start3A_489 = tpu.memref_squeeze %dma_start3A_488 : memref<1x1x8x128xf32, #tpu.memory_space<hbm>> -> memref<8x128xf32, #tpu.memory_space<hbm>>
        %dma_start3A_490 = arith.constant 0 : i32
        %dma_start3A_491 = arith.constant 0 : i32
        %dma_start3A_492 = tpu.memref_slice %arg6[%dma_start3A_482, %add3A_481, %dma_start3A_490, %dma_start3A_491] : memref<2x2500x8x128xf32, #tpu.memory_space<hbm>> -> memref<1x1x8x128xf32, #tpu.memory_space<hbm>>
        %dma_start3A_493 = tpu.memref_squeeze %dma_start3A_492 : memref<1x1x8x128xf32, #tpu.memory_space<hbm>> -> memref<8x128xf32, #tpu.memory_space<hbm>>
        %dma_start3A_494 = arith.constant 8 : i32
        %dma_start3A_495 = arith.constant 128 : i32
        %dma_start3A_496 = tpu.memref_slice %arg14[%dma_start3A_494, %dma_start3A_495] : memref<16x513xf32, #tpu.memory_space<vmem>> -> memref<8x128xf32, #tpu.memory_space<vmem>>
        tpu.enqueue_dma source(%dma_start3A_496 : memref<8x128xf32, #tpu.memory_space<vmem>>) target(%dma_start3A_493 : memref<8x128xf32, #tpu.memory_space<hbm>>) target_semaphore(%arg20 : memref<!tpu.dma_semaphore, #tpu.memory_space<semaphore_mem>>)
        %add3A_497 = arith.constant 2 : i32
        %add3A_498 = arith.addi %mul3A_394, %add3A_497 : i32
        %dma_start3A_499 = arith.constant 1 : i32
        %dma_start3A_500 = arith.constant 8 : i32
        %dma_start3A_501 = arith.constant 256 : i32
        %dma_start3A_502 = tpu.memref_slice %arg14[%dma_start3A_500, %dma_start3A_501] : memref<16x513xf32, #tpu.memory_space<vmem>> -> memref<8x128xf32, #tpu.memory_space<vmem>>
        %dma_start3A_503 = arith.constant 0 : i32
        %dma_start3A_504 = arith.constant 0 : i32
        %dma_start3A_505 = tpu.memref_slice %arg6[%dma_start3A_499, %add3A_498, %dma_start3A_503, %dma_start3A_504] : memref<2x2500x8x128xf32, #tpu.memory_space<hbm>> -> memref<1x1x8x128xf32, #tpu.memory_space<hbm>>
        %dma_start3A_506 = tpu.memref_squeeze %dma_start3A_505 : memref<1x1x8x128xf32, #tpu.memory_space<hbm>> -> memref<8x128xf32, #tpu.memory_space<hbm>>
        %dma_start3A_507 = arith.constant 0 : i32
        %dma_start3A_508 = arith.constant 0 : i32
        %dma_start3A_509 = tpu.memref_slice %arg6[%dma_start3A_499, %add3A_498, %dma_start3A_507, %dma_start3A_508] : memref<2x2500x8x128xf32, #tpu.memory_space<hbm>> -> memref<1x1x8x128xf32, #tpu.memory_space<hbm>>
        %dma_start3A_510 = tpu.memref_squeeze %dma_start3A_509 : memref<1x1x8x128xf32, #tpu.memory_space<hbm>> -> memref<8x128xf32, #tpu.memory_space<hbm>>
        %dma_start3A_511 = arith.constant 8 : i32
        %dma_start3A_512 = arith.constant 256 : i32
        %dma_start3A_513 = tpu.memref_slice %arg14[%dma_start3A_511, %dma_start3A_512] : memref<16x513xf32, #tpu.memory_space<vmem>> -> memref<8x128xf32, #tpu.memory_space<vmem>>
        tpu.enqueue_dma source(%dma_start3A_513 : memref<8x128xf32, #tpu.memory_space<vmem>>) target(%dma_start3A_510 : memref<8x128xf32, #tpu.memory_space<hbm>>) target_semaphore(%arg20 : memref<!tpu.dma_semaphore, #tpu.memory_space<semaphore_mem>>)
        %add3A_514 = arith.constant 3 : i32
        %add3A_515 = arith.addi %mul3A_394, %add3A_514 : i32
        %dma_start3A_516 = arith.constant 1 : i32
        %dma_start3A_517 = arith.constant 8 : i32
        %dma_start3A_518 = arith.constant 384 : i32
        %dma_start3A_519 = tpu.memref_slice %arg14[%dma_start3A_517, %dma_start3A_518] : memref<16x513xf32, #tpu.memory_space<vmem>> -> memref<8x128xf32, #tpu.memory_space<vmem>>
        %dma_start3A_520 = arith.constant 0 : i32
        %dma_start3A_521 = arith.constant 0 : i32
        %dma_start3A_522 = tpu.memref_slice %arg6[%dma_start3A_516, %add3A_515, %dma_start3A_520, %dma_start3A_521] : memref<2x2500x8x128xf32, #tpu.memory_space<hbm>> -> memref<1x1x8x128xf32, #tpu.memory_space<hbm>>
        %dma_start3A_523 = tpu.memref_squeeze %dma_start3A_522 : memref<1x1x8x128xf32, #tpu.memory_space<hbm>> -> memref<8x128xf32, #tpu.memory_space<hbm>>
        %dma_start3A_524 = arith.constant 0 : i32
        %dma_start3A_525 = arith.constant 0 : i32
        %dma_start3A_526 = tpu.memref_slice %arg6[%dma_start3A_516, %add3A_515, %dma_start3A_524, %dma_start3A_525] : memref<2x2500x8x128xf32, #tpu.memory_space<hbm>> -> memref<1x1x8x128xf32, #tpu.memory_space<hbm>>
        %dma_start3A_527 = tpu.memref_squeeze %dma_start3A_526 : memref<1x1x8x128xf32, #tpu.memory_space<hbm>> -> memref<8x128xf32, #tpu.memory_space<hbm>>
        %dma_start3A_528 = arith.constant 8 : i32
        %dma_start3A_529 = arith.constant 384 : i32
        %dma_start3A_530 = tpu.memref_slice %arg14[%dma_start3A_528, %dma_start3A_529] : memref<16x513xf32, #tpu.memory_space<vmem>> -> memref<8x128xf32, #tpu.memory_space<vmem>>
        tpu.enqueue_dma source(%dma_start3A_530 : memref<8x128xf32, #tpu.memory_space<vmem>>) target(%dma_start3A_527 : memref<8x128xf32, #tpu.memory_space<hbm>>) target_semaphore(%arg20 : memref<!tpu.dma_semaphore, #tpu.memory_space<semaphore_mem>>)
        %add3A_531 = arith.constant 2 : i32
        %add3A_532 = arith.addi %add3A_371, %add3A_531 : i32
        %lt3A_533 = arith.cmpi slt, %add3A_532, %sub3A : i32
        %convert_element_type3A_534 = arith.extui %lt3A_533 : i1 to i32
        %cond3A_535 = arith.constant 0 : i32
        %cond3A_536 = arith.cmpi ne, %convert_element_type3A_534, %cond3A_535 : i32
        scf.if %cond3A_536 {
          %add3A_537 = arith.constant 2 : i32
          %add3A_538 = arith.addi %add3A_371, %add3A_537 : i32
          %mul3A_539 = arith.constant 512 : i32
          %mul3A_540 = arith.muli %add3A_538, %mul3A_539 : i32
          %mul3A_541 = arith.constant 512 : i32
          %mul3A_542 = arith.muli %add3A_538, %mul3A_541 : i32
          %dma_start3A_543 = tpu.memref_slice %arg7[%mul3A_540] : memref<10240xi32, #tpu.memory_space<vmem>> -> memref<512xi32, #tpu.memory_space<vmem>>
          %dma_start3A_544 = arith.constant 0 : i32
          %dma_start3A_545 = arith.constant 0 : i32
          %dma_start3A_546 = tpu.memref_slice %arg15[%dma_start3A_544, %dma_start3A_545] : memref<10000x16xf32, #tpu.memory_space<vmem_shared>> -> memref<10000x16xf32, #tpu.memory_space<vmem_shared>>
          tpu.enqueue_indirect_dma source(%dma_start3A_546 : memref<10000x16xf32, #tpu.memory_space<vmem_shared>>) target(%arg10 : memref<512x16xf32, #tpu.memory_space<vmem>>) offsets(%dma_start3A_543 : memref<512xi32, #tpu.memory_space<vmem>>) semaphore(%arg18 : memref<!tpu.dma_semaphore, #tpu.memory_space<semaphore_mem>>)
          %dma_start3A_547 = tpu.memref_slice %arg8[%mul3A_542] : memref<10240xi32, #tpu.memory_space<vmem>> -> memref<512xi32, #tpu.memory_space<vmem>>
          %dma_start3A_548 = arith.constant 0 : i32
          %dma_start3A_549 = arith.constant 0 : i32
          %dma_start3A_550 = tpu.memref_slice %arg16[%dma_start3A_548, %dma_start3A_549] : memref<10000x16xf32, #tpu.memory_space<vmem_shared>> -> memref<10000x16xf32, #tpu.memory_space<vmem_shared>>
          tpu.enqueue_indirect_dma source(%dma_start3A_550 : memref<10000x16xf32, #tpu.memory_space<vmem_shared>>) target(%arg12 : memref<512x16xf32, #tpu.memory_space<vmem>>) offsets(%dma_start3A_547 : memref<512xi32, #tpu.memory_space<vmem>>) semaphore(%arg18 : memref<!tpu.dma_semaphore, #tpu.memory_space<semaphore_mem>>)
        } else {
        }
      } else {
      }
    }
    %scan3A_41 = arith.constant 10 : i32
    %sub3A_42 = arith.constant 1 : i32
    %sub3A_43 = arith.subi %sub3A, %sub3A_42 : i32
    %sub3A_44 = arith.constant 1 : i32
    %sub3A_45 = arith.subi %sub3A, %sub3A_44 : i32
    %sub3A_46 = arith.constant 0 : i32
    %sub3A_47 = arith.subi %sub3A_45, %sub3A_46 : i32
    %jit3A = arith.constant 2 : i32
    %eq3A_48 = arith.constant 0 : i32
    %eq3A_49 = arith.cmpi eq, %jit3A, %eq3A_48 : i32
    %jit3A_50 = arith.constant 1 : i32
    %select_n3A = arith.select %eq3A_49, %jit3A_50, %jit3A : i32
    %rem3A = arith.remsi %sub3A_47, %select_n3A : i32
    %ne3A = arith.constant 0 : i32
    %ne3A_51 = arith.cmpi ne, %rem3A, %ne3A : i32
    %lt3A = arith.constant 0 : i32
    %lt3A_52 = arith.cmpi slt, %rem3A, %lt3A : i32
    %lt3A_53 = arith.constant 0 : i32
    %lt3A_54 = arith.cmpi slt, %select_n3A, %lt3A_53 : i32
    %ne3A_55 = arith.xori %lt3A_52, %lt3A_54 : i1
    %and3A = arith.andi %ne3A_55, %ne3A_51 : i1
    %add3A_56 = arith.addi %rem3A, %select_n3A : i32
    %select_n3A_57 = arith.select %and3A, %add3A_56, %rem3A : i32
    %sub3A_58 = arith.subi %sub3A_43, %select_n3A_57 : i32
    %add3A_59 = arith.addi %shift_right_logical3A_5, %sub3A_58 : i32
    %mul3A_60 = arith.constant 4 : i32
    %mul3A_61 = arith.muli %add3A_59, %mul3A_60 : i32
    %add3A_62 = arith.constant 0 : i32
    %add3A_63 = arith.addi %mul3A_61, %add3A_62 : i32
    %dma_wait3A = arith.constant 0 : i32
    %dma_wait3A_64 = arith.constant 0 : i32
    %dma_wait3A_65 = arith.constant 0 : i32
    %dma_wait3A_66 = tpu.memref_slice %arg13[%dma_wait3A_64, %dma_wait3A_65] : memref<16x513xf32, #tpu.memory_space<vmem>> -> memref<8x128xf32, #tpu.memory_space<vmem>>
    %dma_wait3A_67 = arith.constant 0 : i32
    %dma_wait3A_68 = arith.constant 0 : i32
    %dma_wait3A_69 = tpu.memref_slice %arg6[%dma_wait3A, %add3A_63, %dma_wait3A_67, %dma_wait3A_68] : memref<2x2500x8x128xf32, #tpu.memory_space<hbm>> -> memref<1x1x8x128xf32, #tpu.memory_space<hbm>>
    %dma_wait3A_70 = tpu.memref_squeeze %dma_wait3A_69 : memref<1x1x8x128xf32, #tpu.memory_space<hbm>> -> memref<8x128xf32, #tpu.memory_space<hbm>>
    %dma_wait3A_71 = arith.constant 0 : i32
    %dma_wait3A_72 = arith.constant 0 : i32
    %dma_wait3A_73 = tpu.memref_slice %arg6[%dma_wait3A, %add3A_63, %dma_wait3A_71, %dma_wait3A_72] : memref<2x2500x8x128xf32, #tpu.memory_space<hbm>> -> memref<1x1x8x128xf32, #tpu.memory_space<hbm>>
    %dma_wait3A_74 = tpu.memref_squeeze %dma_wait3A_73 : memref<1x1x8x128xf32, #tpu.memory_space<hbm>> -> memref<8x128xf32, #tpu.memory_space<hbm>>
    %dma_wait3A_75 = arith.constant 0 : i32
    %dma_wait3A_76 = arith.constant 0 : i32
    %dma_wait3A_77 = tpu.memref_slice %arg13[%dma_wait3A_75, %dma_wait3A_76] : memref<16x513xf32, #tpu.memory_space<vmem>> -> memref<8x128xf32, #tpu.memory_space<vmem>>
    tpu.wait_dma2 semaphore(%arg19 : memref<!tpu.dma_semaphore, #tpu.memory_space<semaphore_mem>>) src(%dma_wait3A_77 : memref<8x128xf32, #tpu.memory_space<vmem>>) dst(%dma_wait3A_74 : memref<8x128xf32, #tpu.memory_space<hbm>>)
    %add3A_78 = arith.constant 1 : i32
    %add3A_79 = arith.addi %mul3A_61, %add3A_78 : i32
    %dma_wait3A_80 = arith.constant 0 : i32
    %dma_wait3A_81 = arith.constant 0 : i32
    %dma_wait3A_82 = arith.constant 128 : i32
    %dma_wait3A_83 = tpu.memref_slice %arg13[%dma_wait3A_81, %dma_wait3A_82] : memref<16x513xf32, #tpu.memory_space<vmem>> -> memref<8x128xf32, #tpu.memory_space<vmem>>
    %dma_wait3A_84 = arith.constant 0 : i32
    %dma_wait3A_85 = arith.constant 0 : i32
    %dma_wait3A_86 = tpu.memref_slice %arg6[%dma_wait3A_80, %add3A_79, %dma_wait3A_84, %dma_wait3A_85] : memref<2x2500x8x128xf32, #tpu.memory_space<hbm>> -> memref<1x1x8x128xf32, #tpu.memory_space<hbm>>
    %dma_wait3A_87 = tpu.memref_squeeze %dma_wait3A_86 : memref<1x1x8x128xf32, #tpu.memory_space<hbm>> -> memref<8x128xf32, #tpu.memory_space<hbm>>
    %dma_wait3A_88 = arith.constant 0 : i32
    %dma_wait3A_89 = arith.constant 0 : i32
    %dma_wait3A_90 = tpu.memref_slice %arg6[%dma_wait3A_80, %add3A_79, %dma_wait3A_88, %dma_wait3A_89] : memref<2x2500x8x128xf32, #tpu.memory_space<hbm>> -> memref<1x1x8x128xf32, #tpu.memory_space<hbm>>
    %dma_wait3A_91 = tpu.memref_squeeze %dma_wait3A_90 : memref<1x1x8x128xf32, #tpu.memory_space<hbm>> -> memref<8x128xf32, #tpu.memory_space<hbm>>
    %dma_wait3A_92 = arith.constant 0 : i32
    %dma_wait3A_93 = arith.constant 128 : i32
    %dma_wait3A_94 = tpu.memref_slice %arg13[%dma_wait3A_92, %dma_wait3A_93] : memref<16x513xf32, #tpu.memory_space<vmem>> -> memref<8x128xf32, #tpu.memory_space<vmem>>
    tpu.wait_dma2 semaphore(%arg19 : memref<!tpu.dma_semaphore, #tpu.memory_space<semaphore_mem>>) src(%dma_wait3A_94 : memref<8x128xf32, #tpu.memory_space<vmem>>) dst(%dma_wait3A_91 : memref<8x128xf32, #tpu.memory_space<hbm>>)
    %add3A_95 = arith.constant 2 : i32
    %add3A_96 = arith.addi %mul3A_61, %add3A_95 : i32
    %dma_wait3A_97 = arith.constant 0 : i32
    %dma_wait3A_98 = arith.constant 0 : i32
    %dma_wait3A_99 = arith.constant 256 : i32
    %dma_wait3A_100 = tpu.memref_slice %arg13[%dma_wait3A_98, %dma_wait3A_99] : memref<16x513xf32, #tpu.memory_space<vmem>> -> memref<8x128xf32, #tpu.memory_space<vmem>>
    %dma_wait3A_101 = arith.constant 0 : i32
    %dma_wait3A_102 = arith.constant 0 : i32
    %dma_wait3A_103 = tpu.memref_slice %arg6[%dma_wait3A_97, %add3A_96, %dma_wait3A_101, %dma_wait3A_102] : memref<2x2500x8x128xf32, #tpu.memory_space<hbm>> -> memref<1x1x8x128xf32, #tpu.memory_space<hbm>>
    %dma_wait3A_104 = tpu.memref_squeeze %dma_wait3A_103 : memref<1x1x8x128xf32, #tpu.memory_space<hbm>> -> memref<8x128xf32, #tpu.memory_space<hbm>>
    %dma_wait3A_105 = arith.constant 0 : i32
    %dma_wait3A_106 = arith.constant 0 : i32
    %dma_wait3A_107 = tpu.memref_slice %arg6[%dma_wait3A_97, %add3A_96, %dma_wait3A_105, %dma_wait3A_106] : memref<2x2500x8x128xf32, #tpu.memory_space<hbm>> -> memref<1x1x8x128xf32, #tpu.memory_space<hbm>>
    %dma_wait3A_108 = tpu.memref_squeeze %dma_wait3A_107 : memref<1x1x8x128xf32, #tpu.memory_space<hbm>> -> memref<8x128xf32, #tpu.memory_space<hbm>>
    %dma_wait3A_109 = arith.constant 0 : i32
    %dma_wait3A_110 = arith.constant 256 : i32
    %dma_wait3A_111 = tpu.memref_slice %arg13[%dma_wait3A_109, %dma_wait3A_110] : memref<16x513xf32, #tpu.memory_space<vmem>> -> memref<8x128xf32, #tpu.memory_space<vmem>>
    tpu.wait_dma2 semaphore(%arg19 : memref<!tpu.dma_semaphore, #tpu.memory_space<semaphore_mem>>) src(%dma_wait3A_111 : memref<8x128xf32, #tpu.memory_space<vmem>>) dst(%dma_wait3A_108 : memref<8x128xf32, #tpu.memory_space<hbm>>)
    %add3A_112 = arith.constant 3 : i32
    %add3A_113 = arith.addi %mul3A_61, %add3A_112 : i32
    %dma_wait3A_114 = arith.constant 0 : i32
    %dma_wait3A_115 = arith.constant 0 : i32
    %dma_wait3A_116 = arith.constant 384 : i32
    %dma_wait3A_117 = tpu.memref_slice %arg13[%dma_wait3A_115, %dma_wait3A_116] : memref<16x513xf32, #tpu.memory_space<vmem>> -> memref<8x128xf32, #tpu.memory_space<vmem>>
    %dma_wait3A_118 = arith.constant 0 : i32
    %dma_wait3A_119 = arith.constant 0 : i32
    %dma_wait3A_120 = tpu.memref_slice %arg6[%dma_wait3A_114, %add3A_113, %dma_wait3A_118, %dma_wait3A_119] : memref<2x2500x8x128xf32, #tpu.memory_space<hbm>> -> memref<1x1x8x128xf32, #tpu.memory_space<hbm>>
    %dma_wait3A_121 = tpu.memref_squeeze %dma_wait3A_120 : memref<1x1x8x128xf32, #tpu.memory_space<hbm>> -> memref<8x128xf32, #tpu.memory_space<hbm>>
    %dma_wait3A_122 = arith.constant 0 : i32
    %dma_wait3A_123 = arith.constant 0 : i32
    %dma_wait3A_124 = tpu.memref_slice %arg6[%dma_wait3A_114, %add3A_113, %dma_wait3A_122, %dma_wait3A_123] : memref<2x2500x8x128xf32, #tpu.memory_space<hbm>> -> memref<1x1x8x128xf32, #tpu.memory_space<hbm>>
    %dma_wait3A_125 = tpu.memref_squeeze %dma_wait3A_124 : memref<1x1x8x128xf32, #tpu.memory_space<hbm>> -> memref<8x128xf32, #tpu.memory_space<hbm>>
    %dma_wait3A_126 = arith.constant 0 : i32
    %dma_wait3A_127 = arith.constant 384 : i32
    %dma_wait3A_128 = tpu.memref_slice %arg13[%dma_wait3A_126, %dma_wait3A_127] : memref<16x513xf32, #tpu.memory_space<vmem>> -> memref<8x128xf32, #tpu.memory_space<vmem>>
    tpu.wait_dma2 semaphore(%arg19 : memref<!tpu.dma_semaphore, #tpu.memory_space<semaphore_mem>>) src(%dma_wait3A_128 : memref<8x128xf32, #tpu.memory_space<vmem>>) dst(%dma_wait3A_125 : memref<8x128xf32, #tpu.memory_space<hbm>>)
    %add3A_129 = arith.constant 0 : i32
    %add3A_130 = arith.addi %mul3A_61, %add3A_129 : i32
    %dma_wait3A_131 = arith.constant 1 : i32
    %dma_wait3A_132 = arith.constant 8 : i32
    %dma_wait3A_133 = arith.constant 0 : i32
    %dma_wait3A_134 = tpu.memref_slice %arg13[%dma_wait3A_132, %dma_wait3A_133] : memref<16x513xf32, #tpu.memory_space<vmem>> -> memref<8x128xf32, #tpu.memory_space<vmem>>
    %dma_wait3A_135 = arith.constant 0 : i32
    %dma_wait3A_136 = arith.constant 0 : i32
    %dma_wait3A_137 = tpu.memref_slice %arg6[%dma_wait3A_131, %add3A_130, %dma_wait3A_135, %dma_wait3A_136] : memref<2x2500x8x128xf32, #tpu.memory_space<hbm>> -> memref<1x1x8x128xf32, #tpu.memory_space<hbm>>
    %dma_wait3A_138 = tpu.memref_squeeze %dma_wait3A_137 : memref<1x1x8x128xf32, #tpu.memory_space<hbm>> -> memref<8x128xf32, #tpu.memory_space<hbm>>
    %dma_wait3A_139 = arith.constant 0 : i32
    %dma_wait3A_140 = arith.constant 0 : i32
    %dma_wait3A_141 = tpu.memref_slice %arg6[%dma_wait3A_131, %add3A_130, %dma_wait3A_139, %dma_wait3A_140] : memref<2x2500x8x128xf32, #tpu.memory_space<hbm>> -> memref<1x1x8x128xf32, #tpu.memory_space<hbm>>
    %dma_wait3A_142 = tpu.memref_squeeze %dma_wait3A_141 : memref<1x1x8x128xf32, #tpu.memory_space<hbm>> -> memref<8x128xf32, #tpu.memory_space<hbm>>
    %dma_wait3A_143 = arith.constant 8 : i32
    %dma_wait3A_144 = arith.constant 0 : i32
    %dma_wait3A_145 = tpu.memref_slice %arg13[%dma_wait3A_143, %dma_wait3A_144] : memref<16x513xf32, #tpu.memory_space<vmem>> -> memref<8x128xf32, #tpu.memory_space<vmem>>
    tpu.wait_dma2 semaphore(%arg19 : memref<!tpu.dma_semaphore, #tpu.memory_space<semaphore_mem>>) src(%dma_wait3A_145 : memref<8x128xf32, #tpu.memory_space<vmem>>) dst(%dma_wait3A_142 : memref<8x128xf32, #tpu.memory_space<hbm>>)
    %add3A_146 = arith.constant 1 : i32
    %add3A_147 = arith.addi %mul3A_61, %add3A_146 : i32
    %dma_wait3A_148 = arith.constant 1 : i32
    %dma_wait3A_149 = arith.constant 8 : i32
    %dma_wait3A_150 = arith.constant 128 : i32
    %dma_wait3A_151 = tpu.memref_slice %arg13[%dma_wait3A_149, %dma_wait3A_150] : memref<16x513xf32, #tpu.memory_space<vmem>> -> memref<8x128xf32, #tpu.memory_space<vmem>>
    %dma_wait3A_152 = arith.constant 0 : i32
    %dma_wait3A_153 = arith.constant 0 : i32
    %dma_wait3A_154 = tpu.memref_slice %arg6[%dma_wait3A_148, %add3A_147, %dma_wait3A_152, %dma_wait3A_153] : memref<2x2500x8x128xf32, #tpu.memory_space<hbm>> -> memref<1x1x8x128xf32, #tpu.memory_space<hbm>>
    %dma_wait3A_155 = tpu.memref_squeeze %dma_wait3A_154 : memref<1x1x8x128xf32, #tpu.memory_space<hbm>> -> memref<8x128xf32, #tpu.memory_space<hbm>>
    %dma_wait3A_156 = arith.constant 0 : i32
    %dma_wait3A_157 = arith.constant 0 : i32
    %dma_wait3A_158 = tpu.memref_slice %arg6[%dma_wait3A_148, %add3A_147, %dma_wait3A_156, %dma_wait3A_157] : memref<2x2500x8x128xf32, #tpu.memory_space<hbm>> -> memref<1x1x8x128xf32, #tpu.memory_space<hbm>>
    %dma_wait3A_159 = tpu.memref_squeeze %dma_wait3A_158 : memref<1x1x8x128xf32, #tpu.memory_space<hbm>> -> memref<8x128xf32, #tpu.memory_space<hbm>>
    %dma_wait3A_160 = arith.constant 8 : i32
    %dma_wait3A_161 = arith.constant 128 : i32
    %dma_wait3A_162 = tpu.memref_slice %arg13[%dma_wait3A_160, %dma_wait3A_161] : memref<16x513xf32, #tpu.memory_space<vmem>> -> memref<8x128xf32, #tpu.memory_space<vmem>>
    tpu.wait_dma2 semaphore(%arg19 : memref<!tpu.dma_semaphore, #tpu.memory_space<semaphore_mem>>) src(%dma_wait3A_162 : memref<8x128xf32, #tpu.memory_space<vmem>>) dst(%dma_wait3A_159 : memref<8x128xf32, #tpu.memory_space<hbm>>)
    %add3A_163 = arith.constant 2 : i32
    %add3A_164 = arith.addi %mul3A_61, %add3A_163 : i32
    %dma_wait3A_165 = arith.constant 1 : i32
    %dma_wait3A_166 = arith.constant 8 : i32
    %dma_wait3A_167 = arith.constant 256 : i32
    %dma_wait3A_168 = tpu.memref_slice %arg13[%dma_wait3A_166, %dma_wait3A_167] : memref<16x513xf32, #tpu.memory_space<vmem>> -> memref<8x128xf32, #tpu.memory_space<vmem>>
    %dma_wait3A_169 = arith.constant 0 : i32
    %dma_wait3A_170 = arith.constant 0 : i32
    %dma_wait3A_171 = tpu.memref_slice %arg6[%dma_wait3A_165, %add3A_164, %dma_wait3A_169, %dma_wait3A_170] : memref<2x2500x8x128xf32, #tpu.memory_space<hbm>> -> memref<1x1x8x128xf32, #tpu.memory_space<hbm>>
    %dma_wait3A_172 = tpu.memref_squeeze %dma_wait3A_171 : memref<1x1x8x128xf32, #tpu.memory_space<hbm>> -> memref<8x128xf32, #tpu.memory_space<hbm>>
    %dma_wait3A_173 = arith.constant 0 : i32
    %dma_wait3A_174 = arith.constant 0 : i32
    %dma_wait3A_175 = tpu.memref_slice %arg6[%dma_wait3A_165, %add3A_164, %dma_wait3A_173, %dma_wait3A_174] : memref<2x2500x8x128xf32, #tpu.memory_space<hbm>> -> memref<1x1x8x128xf32, #tpu.memory_space<hbm>>
    %dma_wait3A_176 = tpu.memref_squeeze %dma_wait3A_175 : memref<1x1x8x128xf32, #tpu.memory_space<hbm>> -> memref<8x128xf32, #tpu.memory_space<hbm>>
    %dma_wait3A_177 = arith.constant 8 : i32
    %dma_wait3A_178 = arith.constant 256 : i32
    %dma_wait3A_179 = tpu.memref_slice %arg13[%dma_wait3A_177, %dma_wait3A_178] : memref<16x513xf32, #tpu.memory_space<vmem>> -> memref<8x128xf32, #tpu.memory_space<vmem>>
    tpu.wait_dma2 semaphore(%arg19 : memref<!tpu.dma_semaphore, #tpu.memory_space<semaphore_mem>>) src(%dma_wait3A_179 : memref<8x128xf32, #tpu.memory_space<vmem>>) dst(%dma_wait3A_176 : memref<8x128xf32, #tpu.memory_space<hbm>>)
    %add3A_180 = arith.constant 3 : i32
    %add3A_181 = arith.addi %mul3A_61, %add3A_180 : i32
    %dma_wait3A_182 = arith.constant 1 : i32
    %dma_wait3A_183 = arith.constant 8 : i32
    %dma_wait3A_184 = arith.constant 384 : i32
    %dma_wait3A_185 = tpu.memref_slice %arg13[%dma_wait3A_183, %dma_wait3A_184] : memref<16x513xf32, #tpu.memory_space<vmem>> -> memref<8x128xf32, #tpu.memory_space<vmem>>
    %dma_wait3A_186 = arith.constant 0 : i32
    %dma_wait3A_187 = arith.constant 0 : i32
    %dma_wait3A_188 = tpu.memref_slice %arg6[%dma_wait3A_182, %add3A_181, %dma_wait3A_186, %dma_wait3A_187] : memref<2x2500x8x128xf32, #tpu.memory_space<hbm>> -> memref<1x1x8x128xf32, #tpu.memory_space<hbm>>
    %dma_wait3A_189 = tpu.memref_squeeze %dma_wait3A_188 : memref<1x1x8x128xf32, #tpu.memory_space<hbm>> -> memref<8x128xf32, #tpu.memory_space<hbm>>
    %dma_wait3A_190 = arith.constant 0 : i32
    %dma_wait3A_191 = arith.constant 0 : i32
    %dma_wait3A_192 = tpu.memref_slice %arg6[%dma_wait3A_182, %add3A_181, %dma_wait3A_190, %dma_wait3A_191] : memref<2x2500x8x128xf32, #tpu.memory_space<hbm>> -> memref<1x1x8x128xf32, #tpu.memory_space<hbm>>
    %dma_wait3A_193 = tpu.memref_squeeze %dma_wait3A_192 : memref<1x1x8x128xf32, #tpu.memory_space<hbm>> -> memref<8x128xf32, #tpu.memory_space<hbm>>
    %dma_wait3A_194 = arith.constant 8 : i32
    %dma_wait3A_195 = arith.constant 384 : i32
    %dma_wait3A_196 = tpu.memref_slice %arg13[%dma_wait3A_194, %dma_wait3A_195] : memref<16x513xf32, #tpu.memory_space<vmem>> -> memref<8x128xf32, #tpu.memory_space<vmem>>
    tpu.wait_dma2 semaphore(%arg19 : memref<!tpu.dma_semaphore, #tpu.memory_space<semaphore_mem>>) src(%dma_wait3A_196 : memref<8x128xf32, #tpu.memory_space<vmem>>) dst(%dma_wait3A_193 : memref<8x128xf32, #tpu.memory_space<hbm>>)
    %sub3A_197 = arith.constant 1 : i32
    %sub3A_198 = arith.subi %sub3A, %sub3A_197 : i32
    %sub3A_199 = arith.constant 1 : i32
    %sub3A_200 = arith.subi %sub3A, %sub3A_199 : i32
    %sub3A_201 = arith.constant 1 : i32
    %sub3A_202 = arith.subi %sub3A_200, %sub3A_201 : i32
    %jit3A_203 = arith.constant 2 : i32
    %eq3A_204 = arith.constant 0 : i32
    %eq3A_205 = arith.cmpi eq, %jit3A_203, %eq3A_204 : i32
    %jit3A_206 = arith.constant 1 : i32
    %select_n3A_207 = arith.select %eq3A_205, %jit3A_206, %jit3A_203 : i32
    %rem3A_208 = arith.remsi %sub3A_202, %select_n3A_207 : i32
    %ne3A_209 = arith.constant 0 : i32
    %ne3A_210 = arith.cmpi ne, %rem3A_208, %ne3A_209 : i32
    %lt3A_211 = arith.constant 0 : i32
    %lt3A_212 = arith.cmpi slt, %rem3A_208, %lt3A_211 : i32
    %lt3A_213 = arith.constant 0 : i32
    %lt3A_214 = arith.cmpi slt, %select_n3A_207, %lt3A_213 : i32
    %ne3A_215 = arith.xori %lt3A_212, %lt3A_214 : i1
    %and3A_216 = arith.andi %ne3A_215, %ne3A_210 : i1
    %add3A_217 = arith.addi %rem3A_208, %select_n3A_207 : i32
    %select_n3A_218 = arith.select %and3A_216, %add3A_217, %rem3A_208 : i32
    %sub3A_219 = arith.subi %sub3A_198, %select_n3A_218 : i32
    %add3A_220 = arith.addi %shift_right_logical3A_5, %sub3A_219 : i32
    %mul3A_221 = arith.constant 4 : i32
    %mul3A_222 = arith.muli %add3A_220, %mul3A_221 : i32
    %add3A_223 = arith.constant 0 : i32
    %add3A_224 = arith.addi %mul3A_222, %add3A_223 : i32
    %dma_wait3A_225 = arith.constant 0 : i32
    %dma_wait3A_226 = arith.constant 0 : i32
    %dma_wait3A_227 = arith.constant 0 : i32
    %dma_wait3A_228 = tpu.memref_slice %arg14[%dma_wait3A_226, %dma_wait3A_227] : memref<16x513xf32, #tpu.memory_space<vmem>> -> memref<8x128xf32, #tpu.memory_space<vmem>>
    %dma_wait3A_229 = arith.constant 0 : i32
    %dma_wait3A_230 = arith.constant 0 : i32
    %dma_wait3A_231 = tpu.memref_slice %arg6[%dma_wait3A_225, %add3A_224, %dma_wait3A_229, %dma_wait3A_230] : memref<2x2500x8x128xf32, #tpu.memory_space<hbm>> -> memref<1x1x8x128xf32, #tpu.memory_space<hbm>>
    %dma_wait3A_232 = tpu.memref_squeeze %dma_wait3A_231 : memref<1x1x8x128xf32, #tpu.memory_space<hbm>> -> memref<8x128xf32, #tpu.memory_space<hbm>>
    %dma_wait3A_233 = arith.constant 0 : i32
    %dma_wait3A_234 = arith.constant 0 : i32
    %dma_wait3A_235 = tpu.memref_slice %arg6[%dma_wait3A_225, %add3A_224, %dma_wait3A_233, %dma_wait3A_234] : memref<2x2500x8x128xf32, #tpu.memory_space<hbm>> -> memref<1x1x8x128xf32, #tpu.memory_space<hbm>>
    %dma_wait3A_236 = tpu.memref_squeeze %dma_wait3A_235 : memref<1x1x8x128xf32, #tpu.memory_space<hbm>> -> memref<8x128xf32, #tpu.memory_space<hbm>>
    %dma_wait3A_237 = arith.constant 0 : i32
    %dma_wait3A_238 = arith.constant 0 : i32
    %dma_wait3A_239 = tpu.memref_slice %arg14[%dma_wait3A_237, %dma_wait3A_238] : memref<16x513xf32, #tpu.memory_space<vmem>> -> memref<8x128xf32, #tpu.memory_space<vmem>>
    tpu.wait_dma2 semaphore(%arg20 : memref<!tpu.dma_semaphore, #tpu.memory_space<semaphore_mem>>) src(%dma_wait3A_239 : memref<8x128xf32, #tpu.memory_space<vmem>>) dst(%dma_wait3A_236 : memref<8x128xf32, #tpu.memory_space<hbm>>)
    %add3A_240 = arith.constant 1 : i32
    %add3A_241 = arith.addi %mul3A_222, %add3A_240 : i32
    %dma_wait3A_242 = arith.constant 0 : i32
    %dma_wait3A_243 = arith.constant 0 : i32
    %dma_wait3A_244 = arith.constant 128 : i32
    %dma_wait3A_245 = tpu.memref_slice %arg14[%dma_wait3A_243, %dma_wait3A_244] : memref<16x513xf32, #tpu.memory_space<vmem>> -> memref<8x128xf32, #tpu.memory_space<vmem>>
    %dma_wait3A_246 = arith.constant 0 : i32
    %dma_wait3A_247 = arith.constant 0 : i32
    %dma_wait3A_248 = tpu.memref_slice %arg6[%dma_wait3A_242, %add3A_241, %dma_wait3A_246, %dma_wait3A_247] : memref<2x2500x8x128xf32, #tpu.memory_space<hbm>> -> memref<1x1x8x128xf32, #tpu.memory_space<hbm>>
    %dma_wait3A_249 = tpu.memref_squeeze %dma_wait3A_248 : memref<1x1x8x128xf32, #tpu.memory_space<hbm>> -> memref<8x128xf32, #tpu.memory_space<hbm>>
    %dma_wait3A_250 = arith.constant 0 : i32
    %dma_wait3A_251 = arith.constant 0 : i32
    %dma_wait3A_252 = tpu.memref_slice %arg6[%dma_wait3A_242, %add3A_241, %dma_wait3A_250, %dma_wait3A_251] : memref<2x2500x8x128xf32, #tpu.memory_space<hbm>> -> memref<1x1x8x128xf32, #tpu.memory_space<hbm>>
    %dma_wait3A_253 = tpu.memref_squeeze %dma_wait3A_252 : memref<1x1x8x128xf32, #tpu.memory_space<hbm>> -> memref<8x128xf32, #tpu.memory_space<hbm>>
    %dma_wait3A_254 = arith.constant 0 : i32
    %dma_wait3A_255 = arith.constant 128 : i32
    %dma_wait3A_256 = tpu.memref_slice %arg14[%dma_wait3A_254, %dma_wait3A_255] : memref<16x513xf32, #tpu.memory_space<vmem>> -> memref<8x128xf32, #tpu.memory_space<vmem>>
    tpu.wait_dma2 semaphore(%arg20 : memref<!tpu.dma_semaphore, #tpu.memory_space<semaphore_mem>>) src(%dma_wait3A_256 : memref<8x128xf32, #tpu.memory_space<vmem>>) dst(%dma_wait3A_253 : memref<8x128xf32, #tpu.memory_space<hbm>>)
    %add3A_257 = arith.constant 2 : i32
    %add3A_258 = arith.addi %mul3A_222, %add3A_257 : i32
    %dma_wait3A_259 = arith.constant 0 : i32
    %dma_wait3A_260 = arith.constant 0 : i32
    %dma_wait3A_261 = arith.constant 256 : i32
    %dma_wait3A_262 = tpu.memref_slice %arg14[%dma_wait3A_260, %dma_wait3A_261] : memref<16x513xf32, #tpu.memory_space<vmem>> -> memref<8x128xf32, #tpu.memory_space<vmem>>
    %dma_wait3A_263 = arith.constant 0 : i32
    %dma_wait3A_264 = arith.constant 0 : i32
    %dma_wait3A_265 = tpu.memref_slice %arg6[%dma_wait3A_259, %add3A_258, %dma_wait3A_263, %dma_wait3A_264] : memref<2x2500x8x128xf32, #tpu.memory_space<hbm>> -> memref<1x1x8x128xf32, #tpu.memory_space<hbm>>
    %dma_wait3A_266 = tpu.memref_squeeze %dma_wait3A_265 : memref<1x1x8x128xf32, #tpu.memory_space<hbm>> -> memref<8x128xf32, #tpu.memory_space<hbm>>
    %dma_wait3A_267 = arith.constant 0 : i32
    %dma_wait3A_268 = arith.constant 0 : i32
    %dma_wait3A_269 = tpu.memref_slice %arg6[%dma_wait3A_259, %add3A_258, %dma_wait3A_267, %dma_wait3A_268] : memref<2x2500x8x128xf32, #tpu.memory_space<hbm>> -> memref<1x1x8x128xf32, #tpu.memory_space<hbm>>
    %dma_wait3A_270 = tpu.memref_squeeze %dma_wait3A_269 : memref<1x1x8x128xf32, #tpu.memory_space<hbm>> -> memref<8x128xf32, #tpu.memory_space<hbm>>
    %dma_wait3A_271 = arith.constant 0 : i32
    %dma_wait3A_272 = arith.constant 256 : i32
    %dma_wait3A_273 = tpu.memref_slice %arg14[%dma_wait3A_271, %dma_wait3A_272] : memref<16x513xf32, #tpu.memory_space<vmem>> -> memref<8x128xf32, #tpu.memory_space<vmem>>
    tpu.wait_dma2 semaphore(%arg20 : memref<!tpu.dma_semaphore, #tpu.memory_space<semaphore_mem>>) src(%dma_wait3A_273 : memref<8x128xf32, #tpu.memory_space<vmem>>) dst(%dma_wait3A_270 : memref<8x128xf32, #tpu.memory_space<hbm>>)
    %add3A_274 = arith.constant 3 : i32
    %add3A_275 = arith.addi %mul3A_222, %add3A_274 : i32
    %dma_wait3A_276 = arith.constant 0 : i32
    %dma_wait3A_277 = arith.constant 0 : i32
    %dma_wait3A_278 = arith.constant 384 : i32
    %dma_wait3A_279 = tpu.memref_slice %arg14[%dma_wait3A_277, %dma_wait3A_278] : memref<16x513xf32, #tpu.memory_space<vmem>> -> memref<8x128xf32, #tpu.memory_space<vmem>>
    %dma_wait3A_280 = arith.constant 0 : i32
    %dma_wait3A_281 = arith.constant 0 : i32
    %dma_wait3A_282 = tpu.memref_slice %arg6[%dma_wait3A_276, %add3A_275, %dma_wait3A_280, %dma_wait3A_281] : memref<2x2500x8x128xf32, #tpu.memory_space<hbm>> -> memref<1x1x8x128xf32, #tpu.memory_space<hbm>>
    %dma_wait3A_283 = tpu.memref_squeeze %dma_wait3A_282 : memref<1x1x8x128xf32, #tpu.memory_space<hbm>> -> memref<8x128xf32, #tpu.memory_space<hbm>>
    %dma_wait3A_284 = arith.constant 0 : i32
    %dma_wait3A_285 = arith.constant 0 : i32
    %dma_wait3A_286 = tpu.memref_slice %arg6[%dma_wait3A_276, %add3A_275, %dma_wait3A_284, %dma_wait3A_285] : memref<2x2500x8x128xf32, #tpu.memory_space<hbm>> -> memref<1x1x8x128xf32, #tpu.memory_space<hbm>>
    %dma_wait3A_287 = tpu.memref_squeeze %dma_wait3A_286 : memref<1x1x8x128xf32, #tpu.memory_space<hbm>> -> memref<8x128xf32, #tpu.memory_space<hbm>>
    %dma_wait3A_288 = arith.constant 0 : i32
    %dma_wait3A_289 = arith.constant 384 : i32
    %dma_wait3A_290 = tpu.memref_slice %arg14[%dma_wait3A_288, %dma_wait3A_289] : memref<16x513xf32, #tpu.memory_space<vmem>> -> memref<8x128xf32, #tpu.memory_space<vmem>>
    tpu.wait_dma2 semaphore(%arg20 : memref<!tpu.dma_semaphore, #tpu.memory_space<semaphore_mem>>) src(%dma_wait3A_290 : memref<8x128xf32, #tpu.memory_space<vmem>>) dst(%dma_wait3A_287 : memref<8x128xf32, #tpu.memory_space<hbm>>)
    %add3A_291 = arith.constant 0 : i32
    %add3A_292 = arith.addi %mul3A_222, %add3A_291 : i32
    %dma_wait3A_293 = arith.constant 1 : i32
    %dma_wait3A_294 = arith.constant 8 : i32
    %dma_wait3A_295 = arith.constant 0 : i32
    %dma_wait3A_296 = tpu.memref_slice %arg14[%dma_wait3A_294, %dma_wait3A_295] : memref<16x513xf32, #tpu.memory_space<vmem>> -> memref<8x128xf32, #tpu.memory_space<vmem>>
    %dma_wait3A_297 = arith.constant 0 : i32
    %dma_wait3A_298 = arith.constant 0 : i32
    %dma_wait3A_299 = tpu.memref_slice %arg6[%dma_wait3A_293, %add3A_292, %dma_wait3A_297, %dma_wait3A_298] : memref<2x2500x8x128xf32, #tpu.memory_space<hbm>> -> memref<1x1x8x128xf32, #tpu.memory_space<hbm>>
    %dma_wait3A_300 = tpu.memref_squeeze %dma_wait3A_299 : memref<1x1x8x128xf32, #tpu.memory_space<hbm>> -> memref<8x128xf32, #tpu.memory_space<hbm>>
    %dma_wait3A_301 = arith.constant 0 : i32
    %dma_wait3A_302 = arith.constant 0 : i32
    %dma_wait3A_303 = tpu.memref_slice %arg6[%dma_wait3A_293, %add3A_292, %dma_wait3A_301, %dma_wait3A_302] : memref<2x2500x8x128xf32, #tpu.memory_space<hbm>> -> memref<1x1x8x128xf32, #tpu.memory_space<hbm>>
    %dma_wait3A_304 = tpu.memref_squeeze %dma_wait3A_303 : memref<1x1x8x128xf32, #tpu.memory_space<hbm>> -> memref<8x128xf32, #tpu.memory_space<hbm>>
    %dma_wait3A_305 = arith.constant 8 : i32
    %dma_wait3A_306 = arith.constant 0 : i32
    %dma_wait3A_307 = tpu.memref_slice %arg14[%dma_wait3A_305, %dma_wait3A_306] : memref<16x513xf32, #tpu.memory_space<vmem>> -> memref<8x128xf32, #tpu.memory_space<vmem>>
    tpu.wait_dma2 semaphore(%arg20 : memref<!tpu.dma_semaphore, #tpu.memory_space<semaphore_mem>>) src(%dma_wait3A_307 : memref<8x128xf32, #tpu.memory_space<vmem>>) dst(%dma_wait3A_304 : memref<8x128xf32, #tpu.memory_space<hbm>>)
    %add3A_308 = arith.constant 1 : i32
    %add3A_309 = arith.addi %mul3A_222, %add3A_308 : i32
    %dma_wait3A_310 = arith.constant 1 : i32
    %dma_wait3A_311 = arith.constant 8 : i32
    %dma_wait3A_312 = arith.constant 128 : i32
    %dma_wait3A_313 = tpu.memref_slice %arg14[%dma_wait3A_311, %dma_wait3A_312] : memref<16x513xf32, #tpu.memory_space<vmem>> -> memref<8x128xf32, #tpu.memory_space<vmem>>
    %dma_wait3A_314 = arith.constant 0 : i32
    %dma_wait3A_315 = arith.constant 0 : i32
    %dma_wait3A_316 = tpu.memref_slice %arg6[%dma_wait3A_310, %add3A_309, %dma_wait3A_314, %dma_wait3A_315] : memref<2x2500x8x128xf32, #tpu.memory_space<hbm>> -> memref<1x1x8x128xf32, #tpu.memory_space<hbm>>
    %dma_wait3A_317 = tpu.memref_squeeze %dma_wait3A_316 : memref<1x1x8x128xf32, #tpu.memory_space<hbm>> -> memref<8x128xf32, #tpu.memory_space<hbm>>
    %dma_wait3A_318 = arith.constant 0 : i32
    %dma_wait3A_319 = arith.constant 0 : i32
    %dma_wait3A_320 = tpu.memref_slice %arg6[%dma_wait3A_310, %add3A_309, %dma_wait3A_318, %dma_wait3A_319] : memref<2x2500x8x128xf32, #tpu.memory_space<hbm>> -> memref<1x1x8x128xf32, #tpu.memory_space<hbm>>
    %dma_wait3A_321 = tpu.memref_squeeze %dma_wait3A_320 : memref<1x1x8x128xf32, #tpu.memory_space<hbm>> -> memref<8x128xf32, #tpu.memory_space<hbm>>
    %dma_wait3A_322 = arith.constant 8 : i32
    %dma_wait3A_323 = arith.constant 128 : i32
    %dma_wait3A_324 = tpu.memref_slice %arg14[%dma_wait3A_322, %dma_wait3A_323] : memref<16x513xf32, #tpu.memory_space<vmem>> -> memref<8x128xf32, #tpu.memory_space<vmem>>
    tpu.wait_dma2 semaphore(%arg20 : memref<!tpu.dma_semaphore, #tpu.memory_space<semaphore_mem>>) src(%dma_wait3A_324 : memref<8x128xf32, #tpu.memory_space<vmem>>) dst(%dma_wait3A_321 : memref<8x128xf32, #tpu.memory_space<hbm>>)
    %add3A_325 = arith.constant 2 : i32
    %add3A_326 = arith.addi %mul3A_222, %add3A_325 : i32
    %dma_wait3A_327 = arith.constant 1 : i32
    %dma_wait3A_328 = arith.constant 8 : i32
    %dma_wait3A_329 = arith.constant 256 : i32
    %dma_wait3A_330 = tpu.memref_slice %arg14[%dma_wait3A_328, %dma_wait3A_329] : memref<16x513xf32, #tpu.memory_space<vmem>> -> memref<8x128xf32, #tpu.memory_space<vmem>>
    %dma_wait3A_331 = arith.constant 0 : i32
    %dma_wait3A_332 = arith.constant 0 : i32
    %dma_wait3A_333 = tpu.memref_slice %arg6[%dma_wait3A_327, %add3A_326, %dma_wait3A_331, %dma_wait3A_332] : memref<2x2500x8x128xf32, #tpu.memory_space<hbm>> -> memref<1x1x8x128xf32, #tpu.memory_space<hbm>>
    %dma_wait3A_334 = tpu.memref_squeeze %dma_wait3A_333 : memref<1x1x8x128xf32, #tpu.memory_space<hbm>> -> memref<8x128xf32, #tpu.memory_space<hbm>>
    %dma_wait3A_335 = arith.constant 0 : i32
    %dma_wait3A_336 = arith.constant 0 : i32
    %dma_wait3A_337 = tpu.memref_slice %arg6[%dma_wait3A_327, %add3A_326, %dma_wait3A_335, %dma_wait3A_336] : memref<2x2500x8x128xf32, #tpu.memory_space<hbm>> -> memref<1x1x8x128xf32, #tpu.memory_space<hbm>>
    %dma_wait3A_338 = tpu.memref_squeeze %dma_wait3A_337 : memref<1x1x8x128xf32, #tpu.memory_space<hbm>> -> memref<8x128xf32, #tpu.memory_space<hbm>>
    %dma_wait3A_339 = arith.constant 8 : i32
    %dma_wait3A_340 = arith.constant 256 : i32
    %dma_wait3A_341 = tpu.memref_slice %arg14[%dma_wait3A_339, %dma_wait3A_340] : memref<16x513xf32, #tpu.memory_space<vmem>> -> memref<8x128xf32, #tpu.memory_space<vmem>>
    tpu.wait_dma2 semaphore(%arg20 : memref<!tpu.dma_semaphore, #tpu.memory_space<semaphore_mem>>) src(%dma_wait3A_341 : memref<8x128xf32, #tpu.memory_space<vmem>>) dst(%dma_wait3A_338 : memref<8x128xf32, #tpu.memory_space<hbm>>)
    %add3A_342 = arith.constant 3 : i32
    %add3A_343 = arith.addi %mul3A_222, %add3A_342 : i32
    %dma_wait3A_344 = arith.constant 1 : i32
    %dma_wait3A_345 = arith.constant 8 : i32
    %dma_wait3A_346 = arith.constant 384 : i32
    %dma_wait3A_347 = tpu.memref_slice %arg14[%dma_wait3A_345, %dma_wait3A_346] : memref<16x513xf32, #tpu.memory_space<vmem>> -> memref<8x128xf32, #tpu.memory_space<vmem>>
    %dma_wait3A_348 = arith.constant 0 : i32
    %dma_wait3A_349 = arith.constant 0 : i32
    %dma_wait3A_350 = tpu.memref_slice %arg6[%dma_wait3A_344, %add3A_343, %dma_wait3A_348, %dma_wait3A_349] : memref<2x2500x8x128xf32, #tpu.memory_space<hbm>> -> memref<1x1x8x128xf32, #tpu.memory_space<hbm>>
    %dma_wait3A_351 = tpu.memref_squeeze %dma_wait3A_350 : memref<1x1x8x128xf32, #tpu.memory_space<hbm>> -> memref<8x128xf32, #tpu.memory_space<hbm>>
    %dma_wait3A_352 = arith.constant 0 : i32
    %dma_wait3A_353 = arith.constant 0 : i32
    %dma_wait3A_354 = tpu.memref_slice %arg6[%dma_wait3A_344, %add3A_343, %dma_wait3A_352, %dma_wait3A_353] : memref<2x2500x8x128xf32, #tpu.memory_space<hbm>> -> memref<1x1x8x128xf32, #tpu.memory_space<hbm>>
    %dma_wait3A_355 = tpu.memref_squeeze %dma_wait3A_354 : memref<1x1x8x128xf32, #tpu.memory_space<hbm>> -> memref<8x128xf32, #tpu.memory_space<hbm>>
    %dma_wait3A_356 = arith.constant 8 : i32
    %dma_wait3A_357 = arith.constant 384 : i32
    %dma_wait3A_358 = tpu.memref_slice %arg14[%dma_wait3A_356, %dma_wait3A_357] : memref<16x513xf32, #tpu.memory_space<vmem>> -> memref<8x128xf32, #tpu.memory_space<vmem>>
    tpu.wait_dma2 semaphore(%arg20 : memref<!tpu.dma_semaphore, #tpu.memory_space<semaphore_mem>>) src(%dma_wait3A_358 : memref<8x128xf32, #tpu.memory_space<vmem>>) dst(%dma_wait3A_355 : memref<8x128xf32, #tpu.memory_space<hbm>>)
    return
  }
}

module attributes {stable_mosaic.version = 14 : i64} {
  func.func @_tables_body(%arg0: i32, %arg1: memref<10000x128xf32, #tpu.memory_space<vmem>>, %arg2: memref<128x128xf32, #tpu.memory_space<vmem>>, %arg3: memref<1x128xf32, #tpu.memory_space<vmem>>, %arg4: memref<1024x128xf32, #tpu.memory_space<vmem>>, %arg5: memref<1024x128xf32, #tpu.memory_space<vmem>>, %arg6: memref<1x128xf32, #tpu.memory_space<vmem>>, %arg7: memref<1x128xf32, #tpu.memory_space<vmem>>, %arg8: memref<1250x128xf32, #tpu.memory_space<vmem>>, %arg9: memref<1250x128xf32, #tpu.memory_space<vmem>>) attributes {dimension_semantics = [#tpu.dimension_semantics<arbitrary>], iteration_bounds = array<i64: 1>, scalar_prefetch = 0 : i64, scratch_operands = 0 : i64, tpu.core_type = #tpu.core_type<tc>, window_params = [{transform_indices = @transform_0, window_bounds = array<i64: 10000, 128>}, {pipeline_mode = #tpu.pipeline_mode<synchronous>, transform_indices = @transform_1, window_bounds = array<i64: 128, 128>}, {pipeline_mode = #tpu.pipeline_mode<synchronous>, transform_indices = @transform_2, window_bounds = array<i64: 1, 128>}, {pipeline_mode = #tpu.pipeline_mode<synchronous>, transform_indices = @transform_3, window_bounds = array<i64: 1024, 128>}, {pipeline_mode = #tpu.pipeline_mode<synchronous>, transform_indices = @transform_4, window_bounds = array<i64: 1024, 128>}, {pipeline_mode = #tpu.pipeline_mode<synchronous>, transform_indices = @transform_5, window_bounds = array<i64: 1, 128>}, {pipeline_mode = #tpu.pipeline_mode<synchronous>, transform_indices = @transform_6, window_bounds = array<i64: 1, 128>}, {transform_indices = @transform_7, window_bounds = array<i64: 1250, 128>}, {transform_indices = @transform_8, window_bounds = array<i64: 1250, 128>}]} {
    %get3A = arith.constant 0 : index
    %get3A_0 = arith.constant 0 : index
    %get3A_1 = vector.load %arg1[%get3A, %get3A_0] : memref<10000x128xf32, #tpu.memory_space<vmem>>, vector<10000x128xf32>
    %get3A_2 = arith.constant 0 : index
    %get3A_3 = arith.constant 0 : index
    %get3A_4 = vector.load %arg2[%get3A_2, %get3A_3] : memref<128x128xf32, #tpu.memory_space<vmem>>, vector<128x128xf32>
    %dot_general3A = arith.constant dense<0.000000e+00> : vector<10000x128xf32>
    %dot_general3A_5 = tpu.matmul %get3A_1, %get3A_4, %dot_general3A {dimension_numbers = #tpu.dot_dimension_numbers<[1], [0], [0], [1], [0, 0, 1, 1], [], []>, transpose_lhs_hint = false} : vector<10000x128xf32>, vector<128x128xf32>, vector<10000x128xf32> -> vector<10000x128xf32>
    %get3A_6 = arith.constant 0 : index
    %get3A_7 = arith.constant 0 : index
    %get3A_8 = vector.load %arg3[%get3A_6, %get3A_7] : memref<1x128xf32, #tpu.memory_space<vmem>>, vector<1x128xf32>
    %add3A = vector.broadcast %get3A_8 : vector<1x128xf32> to vector<10000x128xf32>
    %add3A_9 = arith.addf %dot_general3A_5, %add3A : vector<10000x128xf32>
    %tanh3A = math.tanh %add3A_9 : vector<10000x128xf32>
    %reshape3A = vector.shape_cast %tanh3A : vector<10000x128xf32> to vector<1250x1024xf32>
    %get3A_10 = arith.constant 0 : index
    %get3A_11 = arith.constant 0 : index
    %get3A_12 = vector.load %arg4[%get3A_10, %get3A_11] : memref<1024x128xf32, #tpu.memory_space<vmem>>, vector<1024x128xf32>
    %dot_general3A_13 = arith.constant dense<0.000000e+00> : vector<1250x128xf32>
    %dot_general3A_14 = tpu.matmul %reshape3A, %get3A_12, %dot_general3A_13 {dimension_numbers = #tpu.dot_dimension_numbers<[1], [0], [0], [1], [0, 0, 1, 1], [], []>, transpose_lhs_hint = false} : vector<1250x1024xf32>, vector<1024x128xf32>, vector<1250x128xf32> -> vector<1250x128xf32>
    %get3A_15 = arith.constant 0 : index
    %get3A_16 = arith.constant 0 : index
    %get3A_17 = vector.load %arg6[%get3A_15, %get3A_16] : memref<1x128xf32, #tpu.memory_space<vmem>>, vector<1x128xf32>
    %add3A_18 = vector.broadcast %get3A_17 : vector<1x128xf32> to vector<1250x128xf32>
    %add3A_19 = arith.addf %dot_general3A_14, %add3A_18 : vector<1250x128xf32>
    %swap3A = arith.constant 0 : index
    %swap3A_20 = arith.constant 0 : index
    %swap3A_21 = vector.load %arg8[%swap3A, %swap3A_20] : memref<1250x128xf32, #tpu.memory_space<vmem>>, vector<1250x128xf32>
    tpu.vector_store %arg8[%swap3A, %swap3A_20], %add3A_19 {strides = array<i32>} : memref<1250x128xf32, #tpu.memory_space<vmem>>, vector<1250x128xf32>,
    %get3A_22 = arith.constant 0 : index
    %get3A_23 = arith.constant 0 : index
    %get3A_24 = vector.load %arg5[%get3A_22, %get3A_23] : memref<1024x128xf32, #tpu.memory_space<vmem>>, vector<1024x128xf32>
    %dot_general3A_25 = arith.constant dense<0.000000e+00> : vector<1250x128xf32>
    %dot_general3A_26 = tpu.matmul %reshape3A, %get3A_24, %dot_general3A_25 {dimension_numbers = #tpu.dot_dimension_numbers<[1], [0], [0], [1], [0, 0, 1, 1], [], []>, transpose_lhs_hint = false} : vector<1250x1024xf32>, vector<1024x128xf32>, vector<1250x128xf32> -> vector<1250x128xf32>
    %get3A_27 = arith.constant 0 : index
    %get3A_28 = arith.constant 0 : index
    %get3A_29 = vector.load %arg7[%get3A_27, %get3A_28] : memref<1x128xf32, #tpu.memory_space<vmem>>, vector<1x128xf32>
    %add3A_30 = vector.broadcast %get3A_29 : vector<1x128xf32> to vector<1250x128xf32>
    %add3A_31 = arith.addf %dot_general3A_26, %add3A_30 : vector<1250x128xf32>
    %swap3A_32 = arith.constant 0 : index
    %swap3A_33 = arith.constant 0 : index
    %swap3A_34 = vector.load %arg9[%swap3A_32, %swap3A_33] : memref<1250x128xf32, #tpu.memory_space<vmem>>, vector<1250x128xf32>
    tpu.vector_store %arg9[%swap3A_32, %swap3A_33], %add3A_31 {strides = array<i32>} : memref<1250x128xf32, #tpu.memory_space<vmem>>, vector<1250x128xf32>,
    return
  }
  func.func @transform_0(%arg0: i32) -> (i32, i32) {
    %c0_i32 = arith.constant 0 : i32
    %c0_i32_0 = arith.constant 0 : i32
    return %arg0, %c0_i32 : i32, i32
  }
  func.func @transform_1(%arg0: i32) -> (i32, i32) {
    %c0_i32 = arith.constant 0 : i32
    %c0_i32_0 = arith.constant 0 : i32
    %c0_i32_1 = arith.constant 0 : i32
    return %c0_i32, %c0_i32_0 : i32, i32
  }
  func.func @transform_2(%arg0: i32) -> (i32, i32) {
    %c0_i32 = arith.constant 0 : i32
    %c0_i32_0 = arith.constant 0 : i32
    %c0_i32_1 = arith.constant 0 : i32
    return %c0_i32, %c0_i32_0 : i32, i32
  }
  func.func @transform_3(%arg0: i32) -> (i32, i32) {
    %c0_i32 = arith.constant 0 : i32
    %c0_i32_0 = arith.constant 0 : i32
    %c0_i32_1 = arith.constant 0 : i32
    return %c0_i32, %c0_i32_0 : i32, i32
  }
  func.func @transform_4(%arg0: i32) -> (i32, i32) {
    %c0_i32 = arith.constant 0 : i32
    %c0_i32_0 = arith.constant 0 : i32
    %c0_i32_1 = arith.constant 0 : i32
    return %c0_i32, %c0_i32_0 : i32, i32
  }
  func.func @transform_5(%arg0: i32) -> (i32, i32) {
    %c0_i32 = arith.constant 0 : i32
    %c0_i32_0 = arith.constant 0 : i32
    %c0_i32_1 = arith.constant 0 : i32
    return %c0_i32, %c0_i32_0 : i32, i32
  }
  func.func @transform_6(%arg0: i32) -> (i32, i32) {
    %c0_i32 = arith.constant 0 : i32
    %c0_i32_0 = arith.constant 0 : i32
    %c0_i32_1 = arith.constant 0 : i32
    return %c0_i32, %c0_i32_0 : i32, i32
  }
  func.func @transform_7(%arg0: i32) -> (i32, i32) {
    %c0_i32 = arith.constant 0 : i32
    %c0_i32_0 = arith.constant 0 : i32
    return %arg0, %c0_i32 : i32, i32
  }
  func.func @transform_8(%arg0: i32) -> (i32, i32) {
    %c0_i32 = arith.constant 0 : i32
    %c0_i32_0 = arith.constant 0 : i32
    return %arg0, %c0_i32 : i32, i32
  }
}

</mosaic_0001>

<sc_bundles>
// kernel: kernel.4.cloned.1.call-start
scs
__scs_entry_jumppad:
0x0: {  	(pc) =	sbr.rel $0x88, $3  }
0x1: {  	(tag) =	ssettag $0x0;
	lr =	simm.s32 $0x1  }
0x2: {  	[smem:$0x3F9A] =	sst lr;
	_ =	strace $0xD0000000  }
0x3: {  	_ = 	snop  }
0x4: {  	_ = 	snop  }
0x5: {  	_ = 	snop  }
0x6: {  	_ = 	snop  }
0x7: {  	_ = 	snop  }
__scs_overlays_trampoline_lowered:
0x8: {  	[smem:$0x3FA9] =	sst s0  }
0x9: {  	[smem:$0x3FAA] =	sst s1  }
0xa: {  	[smem:$0x3FAB] =	sst s2  }
0xb: {  	[smem:$0x3FAC] =	sst s3  }
0xc: {  	[smem:$0x3FAD] =	sst s4  }
0xd: {  	[smem:$0x3FAE] =	sst s5  }
0xe: {  	[smem:$0x3FAF] =	sst s6  }
0xf: {  	[smem:$0x3FB0] =	sst s7  }
0x10: {  	[smem:$0x3FB1] =	sst s8  }
0x11: {  	[smem:$0x3FB2] =	sst s9;
	s0 =	simm.s32 @!p0 $0x0  }
0x12: {  	s1 =	sld [smem:$0x3F98];
	s0 =	simm.s32 @p0 $0x1  }
0x13: {  	[smem:$0x3FB3] =	sst s0;
	s0 =	simm.s32 @!p1 $0x0  }
0x14: {  	s2 =	sld [smem:$0x3F97];
	s0 =	simm.s32 @p1 $0x1  }
0x15: {  	[smem:$0x3FB4] =	sst s0;
	s0 =	simm.s32 @!p2 $0x0  }
0x16: {  	s3 =	sld [smem:$0x3FDB];
	s0 =	simm.s32 @p2 $0x1  }
0x17: {  	s4 =	simm.s32 $0x1BF5;
	[smem:$0x3FB6] =	sst s0  }
0x18: {  	s0 =	sld [smem:$0x3F99];
	_ =	swait.ge [sflag:s4], $0x0  }
0x19: {  	s7 =	sld [smem:$0x3F9A]  }
0x1a: {  	s8 =	sadd.s32 $0xFFFFE003, lr  }
0x1b: {  	s9 =	sadd.s32 $0xFFFFFEF7, lr;
	s5 =	simm.s32 $0xFFFFFFFF;
	p2 =	slt.u32 s8, $0xFFFFF086  }
0x1c: {  	p1 =	slt.u32 s9, $0xF7A;
	s5 =	simm.s32 @!p2 $0x0  }
0x1d: {  	s5 =	simm.s32 @p1 $0x1;
	p0 =	seq.s32 s7, s2  }
0x1e: {  	s7 =	smul.u32 @!p0 $0xF7A, s2;
	p2 =	seq.s32 @!p0 s5, $0x0  }
0x1f: {  	s9 =	smul.u32 $0xF7A, s1;
	s8 =	simm.s32 @!p0 $0x1BF5;
	p2 =	por !p2, p0  }
0x20: {  	[sflag:s8] =	ssyncset.s32 @!p0 $0xFFFFF086;
	s6 =	sadd.s32 @!p0 s3, s7;
	s7 =	simm.s32 @!p0 $0x108  }
0x21: {  	s3 =	sadd.s32 s3, s9;
	s6 =	sadd.s32 @!p0 $0x88, s6;
	s7 =	simm.s32 @p2 $0x1082  }
0x22: {  	[simem:s7], [sflag:s8] =	dma.local @!p0 [hbm:s6], $0xF7A  }
0x23: {  	s9 =	sor.u32 $0xD0000000, s2;
	s6 =	simm.s32 $0x108;
	_ =	swait.ge @!p0 [sflag:s8], $0x0  }
0x24: {  	s3 =	sadd.s32 $0x88, s3;
	s6 =	simm.s32 @!p1 $0x1082;
	[sflag:s4] =	ssyncset.s32 $0xFFFFF086  }
0x25: {  	[simem:s6], [sflag:s4] =	dma.local [hbm:s3], $0xF7A  }
0x26: {  	[smem:$0x3F9A] =	sst s1;
	(tag) =	ssettag s2;
	_ =	strace s9  }
0x27: {  	s1 =	sld [smem:$0x3FAA]  }
0x28: {  	s2 =	sld [smem:$0x3FAB]  }
0x29: {  	s4 =	sld [smem:$0x3FAD]  }
0x2a: {  	p0 =	seq.s32 s5, $0x0;
	s5 =	sld [smem:$0x3FAE]  }
0x2b: {  	s6 =	sld [smem:$0x3FAF]  }
0x2c: {  	s7 =	sld [smem:$0x3FB0]  }
0x2d: {  	s3 =	simm.s32 $0x108;
	s8 =	sld [smem:$0x3FB1]  }
0x2e: {  	s3 =	simm.s32 @!p0 $0x1082;
	s9 =	sld [smem:$0x3FB2]  }
0x2f: {  	lr =	sadd.s32 s0, s3;
	s0 =	sld [smem:$0x3FA9]  }
0x30: {  	s3 =	sld [smem:$0x3FAC]  }
0x31: {  	[smem:$0x3FB5] =	sst s10  }
0x32: {  	s10 =	sld [smem:$0x3FB3];
	_ =	sdelay $0x3  }
0x33: {  	p0 =	seq.s32 s10, $0x1;
	s10 =	sld [smem:$0x3FB5];
	_ =	sdelay $0x3  }
0x34: {  	[smem:$0x3FB5] =	sst s10  }
0x35: {  	s10 =	sld [smem:$0x3FB4];
	_ =	sdelay $0x3  }
0x36: {  	p1 =	seq.s32 s10, $0x1;
	s10 =	sld [smem:$0x3FB5];
	_ =	sdelay $0x3  }
0x37: {  	[smem:$0x3FB5] =	sst s10  }
0x38: {  	s10 =	sld [smem:$0x3FB6]  }
0x39: {  	_ = 	snop;
	(pc) =	sbr.ind lr, $3  }
0x3a: {  	_ = 	snop  }
0x3b: {  	_ = 	snop  }
0x3c: {  	p2 =	seq.s32 s10, $0x1;
	s10 =	sld [smem:$0x3FB5]  }
0x3d: {  	_ =	shalt  }
0x3e: {  	_ =	shalt  }
0x3f: {  	_ =	shalt  }
0x40: {  	_ =	shalt  }
0x41: {  	_ =	shalt  }
0x42: {  	_ =	shalt  }
0x43: {  	_ =	shalt  }
0x44: {  	_ =	shalt  }
0x45: {  	_ =	shalt  }
0x46: {  	_ =	shalt  }
0x47: {  	_ =	shalt  }
0x48: {  	_ =	shalt  }
0x49: {  	_ =	shalt  }
0x4a: {  	_ =	shalt  }
0x4b: {  	_ =	shalt  }
0x4c: {  	_ =	shalt  }
0x4d: {  	_ =	shalt  }
0x4e: {  	_ =	shalt  }
0x4f: {  	_ =	shalt  }
0x50: {  	_ =	shalt  }
0x51: {  	_ =	shalt  }
0x52: {  	_ =	shalt  }
0x53: {  	_ =	shalt  }
0x54: {  	_ =	shalt  }
0x55: {  	_ =	shalt  }
0x56: {  	_ =	shalt  }
0x57: {  	_ =	shalt  }
0x58: {  	_ =	shalt  }
0x59: {  	_ =	shalt  }
0x5a: {  	_ =	shalt  }
0x5b: {  	_ =	shalt  }
0x5c: {  	_ =	shalt  }
0x5d: {  	_ =	shalt  }
0x5e: {  	_ =	shalt  }
0x5f: {  	_ =	shalt  }
0x60: {  	_ =	shalt  }
0x61: {  	_ =	shalt  }
0x62: {  	_ =	shalt  }
0x63: {  	_ =	shalt  }
0x64: {  	_ =	shalt  }
0x65: {  	_ =	shalt  }
0x66: {  	_ =	shalt  }
0x67: {  	_ =	shalt  }
0x68: {  	_ =	shalt  }
0x69: {  	_ =	shalt  }
0x6a: {  	_ =	shalt  }
0x6b: {  	_ =	shalt  }
0x6c: {  	_ =	shalt  }
0x6d: {  	_ =	shalt  }
0x6e: {  	_ =	shalt  }
0x6f: {  	_ =	shalt  }
0x70: {  	_ =	shalt  }
0x71: {  	_ =	shalt  }
0x72: {  	_ =	shalt  }
0x73: {  	_ =	shalt  }
0x74: {  	_ =	shalt  }
0x75: {  	_ =	shalt  }
0x76: {  	_ =	shalt  }
0x77: {  	_ =	shalt  }
0x78: {  	_ =	shalt  }
0x79: {  	_ =	shalt  }
0x7a: {  	_ =	shalt  }
0x7b: {  	_ =	shalt  }
0x7c: {  	_ =	shalt  }
0x7d: {  	_ =	shalt  }
0x7e: {  	_ =	shalt  }
0x7f: {  	_ =	shalt  }
0x80: {  	_ =	shalt  }
0x81: {  	_ =	shalt  }
0x82: {  	_ =	shalt  }
0x83: {  	_ =	shalt  }
0x84: {  	_ =	shalt  }
0x85: {  	_ =	shalt  }
0x86: {  	_ =	shalt  }
0x87: {  	_ =	shalt  }
.Lfunc_end0:
.L_simem_size_0:
called_computation_lowered:
.L_overlay_start_0:
0x88: {  	s2 =	sld [smem:$0x3FD9]  }
0x89: {  	s3 =	sld [smem:$0x3FFE];
	_ =	sdelay $0x1  }
0x8a: {  	s1 =	srdreg.scid  }
0x8b: {  	s0 =	sand.u32 $0x1, s1  }
0x8c: {  	s17 =	sshll.u32 s0, $0xA;
	s2 =	sadd.s32 s3, s2  }
0x8d: {  	s2 =	sadd.s32 s2, s17  }
0x8e: {  	[smem:$0x3FC1] =	sst s2  }
0x8f: {  	_ = 	snop  }
0x90: {  	s2 =	sld [smem:$0x3FC8]  }
0x91: {  	s18 =	sld [smem:$0x3FC7]  }
0x92: {  	s4 =	sld [smem:$0x3FD0];
	(tm) =	ssettm $0x1  }
0x93: {  	s5 =	sld [smem:$0x3FFB];
	_ =	sdelay $0x3  }
0x94: {  	_ =	strace s5  }
0x95: {  	s5 =	sld [smem:$0x3FFC];
	_ =	sdelay $0x3  }
0x96: {  	_ =	strace s5  }
0x97: {  	s5 =	sld [smem:$0x3FFD];
	_ =	sdelay $0x3  }
0x98: {  	_ =	strace s5  }
0x99: {  	_ =	strace $0x8FFFFFFF  }
0x9a: {  	s19 =	sld [smem:$0x3FDB];
	_ =	sdelay $0x1  }
0x9b: {  	s6 =	simm.s32 $_scs_section_size  }
0x9c: {  	s7 =	simm.s32 $_size__tile_overlayer_lowered;
	s8 =	simm.s32 $_tile_overlayer_lowered  }
0x9d: {  	s22 =	simm.s32 $0x1BFF;
	s21 =	sshll.u32 s8, $0x1;
	s5 =	sadd.s32 s6, s19  }
0x9e: {  	s9 =	simm.s32 $0x0;
	s20 =	sshll.u32 s7, $0x1;
	s7 =	sadd.s32 s21, s5  }
0x9f: {  	[timem:s9], [sflag:s22] =	dma.local [hbm:s7], s20  }
0xa0: {  	_ =	swait.ge [sflag:s22], s20  }
0xa1: {  	s6 =	ssub.s32 $0x0, s20;
	[sflag:s22] =	ssyncset.done $0x0  }
0xa2: {  	[sflag:s22] =	ssyncadd.s32 s6;
	_ =	sdelay $0x1  }
0xa3: {  	s23 =	simm.s32 $0x1B8B  }
0xa4: {  	_ =	swait.ge [sflag:s23], $0x1  }
0xa5: {  	[sflag:s23] =	ssyncset.done $0x0  }
0xa6: {  	s25 =	simm.s32 $0x1B8E;
	s24 =	sld [smem:$0x3FFE];
	[sflag:s23] =	ssyncadd.s32 $0xFFFFFFFF  }
0xa7: {  	s26 =	simm.s32 $execute0_lowered;
	[smem:$0x3FD2] =	sst s25  }
0xa8: {  	s7 =	sshll.u32 s26, $0x1;
	_ =	strace $0x80000046;
	[dreg:$0x1] =	wrdreg $0xFFFFFFFF  }
0xa9: {  	s28 =	simm.s32 $_size_execute0_lowered;
	s5 =	sadd.s32 s5, s7;
	[dreg:$0x0] =	wrdreg $0x0  }
0xaa: {  	s7 =	sshll.u32 s28, $0x1;
	[dreg:$0x2] =	wrdreg s5  }
0xab: {  	[dreg:$0x3] =	wrdreg s7  }
0xac: {  	[dreg:$0x4] =	wrdreg $0xC0  }
0xad: {  	_ =	task [dreg:s9], $0x5FFFF  }
0xae: {  	[dreg:$0x1] =	wrdreg $0xFFFFFFFF  }
0xaf: {  	[dreg:$0x0] =	wrdreg $0x60  }
0xb0: {  	[dreg:$0x2] =	wrdreg s24  }
0xb1: {  	[dreg:$0x3] =	wrdreg s18  }
0xb2: {  	[dreg:$0x4] =	wrdreg s2  }
0xb3: {  	[dreg:$0x5] =	wrdreg s4  }
0xb4: {  	[dreg:$0x6] =	wrdreg $0x111000  }
0xb5: {  	[dreg:$0x7] =	wrdreg $0x138100  }
0xb6: {  	[dreg:$0x8] =	wrdreg $0x9  }
0xb7: {  	_ =	task.clear_ibuf [dreg:s9], $0x9FFFF;
	_ =	strace $0x90000046  }
0xb8: {  	s29 =	simm.s32 $0x9;
	_ =	strace $0x80000048  }
0xb9: {  	_ =	swait.ge [sflag:s29], $0x1  }
0xba: {  	[sflag:s29] =	ssyncadd.s32 $0xFFFFFFFF  }
0xbb: {  	_ =	strace $0x90000048  }
0xbc: {  	_ =	sfence  }
0xbd: {  	s30 =	sld [smem:$0x0];
	_ =	sdelay $0x2  }
0xbe: {  	s31 =	sshll.u32 s1, $0xD;
	s1 =	sshrl.u32 s1, $0x2  }
0xbf: {  	s3 =	sand.u32 $0x4000, s31;
	s1 =	sadd.s32 s1, s30  }
0xc0: {  	s0 =	sor.u32 s3, s0;
	s1 =	sshll.u32 s1, $0x11  }
0xc1: {  	s0 =	sor.u32 s1, s0  }
0xc2: {  	s0 =	sadd.s32 $0x8F2B, s0  }
0xc3: {  	[sflag:s0] =	ssyncadd.remote.s32 $0x1  }
0xc4: {  	_ =	sfence.sel $0xFFFF  }
0xc5: {  	[dreg:$0x0] =	wrdreg $0xFFFFFFFF;
	(pc) =	sbr.abs _section_cstart, $3  }
0xc6: {  	[dreg:$0x1] =	wrdreg $0xFFFFFFFF  }
0xc7: {  	_ =	task.clear_ibuf [dreg:s9], $0x2FFFF;
	_ =	strace $0x9FFFFFFF  }
0xc8: {  	(tm) =	ssettm $0x7FFFFFFF  }
0xc9: {  	_ =	shalt  }
tec
execute0_lowered:
.L_overlay_start_1:
0x0: {  	(tag) =	ssettag $0x1  }
0x1: {  	s0 =	rddreg [dreg:$0x0]  }
0x2: {  	s5 =	rddreg [dreg:$0x1]  }
0x3: {  	s6 =	rddreg [dreg:$0x2]  }
0x4: {  	s1 =	rddreg [dreg:$0x3]  }
0x5: {  	s2 =	rddreg [dreg:$0x4]  }
0x6: {  	s3 =	rddreg [dreg:$0x5]  }
0x7: {  	s7 =	srdreg.scid;
	s9 =	stileid.u32;
	s4 =	simm.s32 $0x0  }
0x8: {  	s30 =	simm.s32 $0x1;
	s31 =	simm.s32 $0xD000;
	s21 =	simm.s32 $0x2  }
0x9: {  	s29 =	simm.s32 $0x10C68;
	s22 =	simm.s32 $0x11078;
	s18 =	simm.s32 $0x0  }
0xa: {  	s7 =	sand.u32 $0x1, s7;
	s8 =	sshll.u32 s9, $0x1;
	[smem:$0x7FF] =	sst s4  }
0xb: {  	s10 =	sadd.s32 $0x1400, s0;
	s0 =	sadd.s32 $0x6400, s0;
	s13 =	sadd.s32 $0x180, s1  }
0xc: {  	s14 =	sadd.s32 $0x4E200, s1;
	s15 =	sadd.s32 $0x4E280, s1;
	s16 =	sadd.s32 $0x4E300, s1  }
0xd: {  	s17 =	sadd.s32 $0x4E380, s1;
	p0 =	sne.s32 s9, $0x0;
	s8 =	sor.u32 s7, s8  }
0xe: {  	s9 =	simm.s32 $0x4;
	s23 =	ssub.s32 $0x2, s7;
	s8 =	smul.u32 $0x271, s8  }
0xf: {  	_ =	strace $0x80000047;
	[dreg:$0x7] =	wrdreg s10;
	s24 =	sshrl.u32 s23, $0x1  }
0x10: {  	[dreg:$0x8] =	wrdreg s0;
	s0 =	ssub.s32 s23, s24;
	s11 =	sadd.s32 $0x271, s8  }
0x11: {  	s12 =	sshll.u32 s8, $0x1;
	s7 =	sshrl.u32 s8, $0x5;
	s0 =	smax.u32 s0, $0x1  }
0x12: {  	v0 =	vlaneseq.u32;
	s25 =	sshrl.u32 s11, $0x5;
	s26 =	sand.u32 $0xFFC0, s12;
	s11 =	sadd.s32 $0x80, s1  }
.Ltmp0:
0x13: {  	v0 =	vmul.u32 $0x208, v0;
	[dreg:$0xb] =	wrdreg s0;
	s0 =	sshrl.u32 @!p0 s2, $0x3;
	(pc) =	sbr.rel .LBB2_1-.Ltmp0, $4  }
0x14: {  	v1 =	vimm.s32 $0x0;
	vm0 =	vcmask $0x300;
	s12 =	sadd.s32 $0x100, s1;
	s5 =	sadd.s32 s5, s26;
	[dreg:$0xc] =	wrdreg s0  }
0x15: {  	v1 =	vsel vm0, $0x3, v1;
	v2 =	vor.u32 $0x1, v0;
	s8 =	ssub.s32 s25, s7;
	s28 =	sadd.s32 s6, s26;
	[dreg:$0x9] =	wrdreg s5  }
0x16: {  	v3 =	vor.u32 $0x2, v0;
	v4 =	vor.u32 $0x3, v0;
	v5 =	vor.u32 $0x4, v0;
	s0 =	sshrl.u32 @!p0 s3, $0x3;
	s6 =	simm.s32 $0x3;
	[dreg:$0xa] =	wrdreg s28  }
0x17: {  	v6 =	vor.u32 $0x5, v0;
	v7 =	vor.u32 $0x6, v0;
	v8 =	vor.u32 $0x7, v0;
	[dreg:$0xd] =	wrdreg s0;
	s0 =	simm.s32 $0xF080;
	s5 =	simm.s32 $0x10E70  }
.LBB2_11:
0x18: {  	_ =	swait.ge [sflag:s6], $0x400  }
0x19: {  	[sflag:s6] =	ssyncset.done $0x0  }
0x1a: {  	[sflag:s6] =	ssyncadd.s32 $0xFFFFFC00  }
0x1b: {  	_ =	swait.ge [sflag:s6], $0x400  }
0x1c: {  	[sflag:s6] =	ssyncset.done $0x0  }
0x1d: {  	[sflag:s6] =	ssyncadd.s32 $0xFFFFFC00  }
0x1e: {  	_ =	swait.ge [sflag:s6], $0x400  }
0x1f: {  	[sflag:s6] =	ssyncset.done $0x0  }
0x20: {  	[sflag:s6] =	ssyncadd.s32 $0xFFFFFC00  }
0x21: {  	_ =	swait.ge [sflag:s6], $0x400  }
0x22: {  	[sflag:s6] =	ssyncset.done $0x0  }
0x23: {  	[sflag:s6] =	ssyncadd.s32 $0xFFFFFC00  }
0x24: {  	_ =	swait.ge [sflag:s6], $0x400  }
0x25: {  	[sflag:s6] =	ssyncset.done $0x0  }
0x26: {  	[sflag:s6] =	ssyncadd.s32 $0xFFFFFC00  }
0x27: {  	_ =	swait.ge [sflag:s6], $0x400  }
0x28: {  	[sflag:s6] =	ssyncset.done $0x0  }
0x29: {  	[sflag:s6] =	ssyncadd.s32 $0xFFFFFC00  }
0x2a: {  	_ =	swait.ge [sflag:s6], $0x400  }
0x2b: {  	[sflag:s6] =	ssyncset.done $0x0  }
0x2c: {  	[sflag:s6] =	ssyncadd.s32 $0xFFFFFC00  }
0x2d: {  	_ =	swait.ge [sflag:s6], $0x400  }
0x2e: {  	[sflag:s6] =	ssyncset.done $0x0  }
0x2f: {  	[sflag:s6] =	ssyncadd.s32 $0xFFFFFC00  }
0x30: {  	_ =	swait.ge [sflag:s9], $0x400  }
0x31: {  	[sflag:s9] =	ssyncset.done $0x0  }
0x32: {  	[sflag:s9] =	ssyncadd.s32 $0xFFFFFC00  }
0x33: {  	_ =	swait.ge [sflag:s9], $0x400  }
0x34: {  	[sflag:s9] =	ssyncset.done $0x0  }
0x35: {  	[sflag:s9] =	ssyncadd.s32 $0xFFFFFC00  }
0x36: {  	_ =	swait.ge [sflag:s9], $0x400  }
0x37: {  	[sflag:s9] =	ssyncset.done $0x0  }
0x38: {  	[sflag:s9] =	ssyncadd.s32 $0xFFFFFC00  }
0x39: {  	_ =	swait.ge [sflag:s9], $0x400  }
0x3a: {  	[sflag:s9] =	ssyncset.done $0x0  }
0x3b: {  	[sflag:s9] =	ssyncadd.s32 $0xFFFFFC00  }
0x3c: {  	_ =	swait.ge [sflag:s9], $0x400  }
0x3d: {  	[sflag:s9] =	ssyncset.done $0x0  }
0x3e: {  	[sflag:s9] =	ssyncadd.s32 $0xFFFFFC00  }
0x3f: {  	_ =	swait.ge [sflag:s9], $0x400  }
0x40: {  	[sflag:s9] =	ssyncset.done $0x0  }
0x41: {  	[sflag:s9] =	ssyncadd.s32 $0xFFFFFC00  }
0x42: {  	_ =	swait.ge [sflag:s9], $0x400  }
0x43: {  	[sflag:s9] =	ssyncset.done $0x0  }
0x44: {  	[sflag:s9] =	ssyncadd.s32 $0xFFFFFC00  }
0x45: {  	_ =	swait.ge [sflag:s9], $0x400  }
0x46: {  	s18 =	rddreg [dreg:$0xe]  }
0x47: {  	s10 =	rddreg [dreg:$0xb];
	s18 =	sadd.s32 $0x1, s18  }
0x48: {  	p1 =	sne.s32 s18, s10  }
.Ltmp1:
0x49: {  	_ = 	snop;
	(pc) =	sbr.rel @!p1 .LBB2_12-.Ltmp1, $3  }
0x4a: {  	_ =	sdelay $0x1  }
0x4b: {  	[sflag:s9] =	ssyncset.done $0x0  }
0x4c: {  	[sflag:s9] =	ssyncadd.s32 $0xFFFFFC00  }
.LBB2_1:
0x4d: {  	[dreg:$0xe] =	wrdreg s18  }
0x4e: {  	s18 =	rddreg [dreg:$0x7]  }
0x4f: {  	s10 =	simm.s32 @!p0 $0x1C05;
	s19 =	rddreg [dreg:$0xc]  }
0x50: {  	[spmem:s19], [sflag:s10] =	dma.local @!p0 [hbm:s18], $0x4E20  }
0x51: {  	s18 =	rddreg [dreg:$0x8]  }
0x52: {  	s19 =	rddreg [dreg:$0xd]  }
0x53: {  	[spmem:s19], [sflag:s10] =	dma.local @!p0 [hbm:s18], $0x4E20  }
0x54: {  	s25 =	simm.s32 $0x6;
	s10 =	rddreg [dreg:$0x9]  }
0x55: {  	[tilespmem:s4], [sflag:$0x6] =	stream.linear.gather [hbm4b:s10+s4], $0x2800, $0x38;
	[tilespmem:$0x15F20] =	vst v63  }
0x56: {  	_ =	swait.ge [sflag:s25], $0x2800  }
0x57: {  	[sflag:s25] =	ssyncset.done $0x0  }
0x58: {  	s28 =	simm.s32 $0x2800;
	s26 =	rddreg [dreg:$0xa];
	[sflag:s25] =	ssyncadd.s32 $0xFFFFD800  }
0x59: {  	[tilespmem:s28], [sflag:$0x6] =	stream.linear.gather [hbm4b:s26+s4], $0x2800, $0x38;
	[tilespmem:$0x15F20] =	vst v63  }
0x5a: {  	_ =	swait.ge [sflag:s25], $0x2800  }
0x5b: {  	[sflag:s25] =	ssyncset.done $0x0  }
0x5c: {  	s10 =	simm.s32 @!p0 $0x5;
	[sflag:s25] =	ssyncadd.s32 $0xFFFFD800  }
0x5d: {  	_ =	swait.ge @!p0 [sflag:s10], $0x4E20  }
0x5e: {  	[sflag:s10] =	ssyncset.done @!p0 $0x0  }
0x5f: {  	[sflag:s10] =	ssyncadd.s32 @!p0 $0xFFFFB1E0  }
0x60: {  	_ =	swait.ge @!p0 [sflag:s10], $0x4E20  }
0x61: {  	[sflag:s10] =	ssyncset.done @!p0 $0x0  }
0x62: {  	[sflag:s10] =	ssyncadd.s32 @!p0 $0xFFFFB1E0  }
0x63: {  	s20 =	simm.s32 $0x200;
	s23 =	simm.s32 $0x5000;
	[bflag:$0x0] =	sbarrier.arrive $0xFFFF  }
0x64: {  	[tilespmem:s23], [sflag:$0x1] =	stream.indirect.gather [spmem:s2], $0x10, s4, s20, $0xb8;
	[tilespmem:$0x15F20] =	vst v63  }
0x65: {  	s24 =	simm.s32 $0x9000  }
0x66: {  	[tilespmem:s24], [sflag:$0x1] =	stream.indirect.gather [spmem:s3], $0x10, s28, s20, $0xb8;
	[tilespmem:$0x15F20] =	vst v63  }
.Ltmp2:
0x67: {  	_ = 	snop;
	(pc) =	sbr.rel .LBB2_2-.Ltmp2, $4  }
0x68: {  	s25 =	simm.s32 $0x7000  }
0x69: {  	[tilespmem:s25], [sflag:$0x2] =	stream.indirect.gather [spmem:s2], $0x10, s20, s20, $0xb8;
	[tilespmem:$0x15F20] =	vst v63  }
0x6a: {  	s26 =	simm.s32 $0x2A00;
	s10 =	simm.s32 $0x0;
	s28 =	simm.s32 $0xB000  }
0x6b: {  	[tilespmem:s28], [sflag:$0x2] =	stream.indirect.gather [spmem:s3], $0x10, s26, s20, $0xb8;
	[tilespmem:$0x15F20] =	vst v63  }
.LBB2_10:
0x6c: {  	s10 =	sadd.s32 $0x1, s10  }
0x6d: {  	p1 =	sne.s32 s10, $0xA  }
.Ltmp3:
0x6e: {  	_ = 	snop;
	(pc) =	sbr.rel @!p1 .LBB2_11-.Ltmp3, $1  }
0x6f: {  	_ =	sdelay $0x3  }
.LBB2_2:
0x70: {  	s18 =	sshll.u32 s10, $0x1  }
0x71: {  	p1 =	sge.s32 s18, s8  }
.Ltmp4:
0x72: {  	_ = 	snop;
	(pc) =	sbr.rel @p1 .LBB2_6-.Ltmp4, $1  }
0x73: {  	_ =	sdelay $0x3  }
0x74: {  	_ =	swait.ge [sflag:s30], $0x2000  }
0x75: {  	[sflag:s30] =	ssyncset.done $0x0  }
0x76: {  	[sflag:s30] =	ssyncadd.s32 $0xFFFFE000  }
0x77: {  	_ =	swait.ge [sflag:s30], $0x2000  }
0x78: {  	p1 =	seq.s32 s10, $0x0;
	[sflag:s30] =	ssyncset.done $0x0  }
0x79: {  	s19 =	simm.s32 @!p1 $0x3;
	[sflag:s30] =	ssyncadd.s32 $0xFFFFE000  }
0x7a: {  	_ =	swait.ge @!p1 [sflag:s19], $0x400  }
0x7b: {  	[sflag:s19] =	ssyncset.done @!p1 $0x0  }
0x7c: {  	[sflag:s19] =	ssyncadd.s32 @!p1 $0xFFFFFC00  }
0x7d: {  	_ =	swait.ge @!p1 [sflag:s19], $0x400  }
0x7e: {  	[sflag:s19] =	ssyncset.done @!p1 $0x0  }
0x7f: {  	[sflag:s19] =	ssyncadd.s32 @!p1 $0xFFFFFC00  }
0x80: {  	_ =	swait.ge @!p1 [sflag:s19], $0x400  }
0x81: {  	[sflag:s19] =	ssyncset.done @!p1 $0x0  }
0x82: {  	[sflag:s19] =	ssyncadd.s32 @!p1 $0xFFFFFC00  }
0x83: {  	_ =	swait.ge @!p1 [sflag:s19], $0x400  }
0x84: {  	[sflag:s19] =	ssyncset.done @!p1 $0x0  }
0x85: {  	[sflag:s19] =	ssyncadd.s32 @!p1 $0xFFFFFC00  }
0x86: {  	_ =	swait.ge @!p1 [sflag:s19], $0x400  }
0x87: {  	[sflag:s19] =	ssyncset.done @!p1 $0x0  }
0x88: {  	[sflag:s19] =	ssyncadd.s32 @!p1 $0xFFFFFC00  }
0x89: {  	_ =	swait.ge @!p1 [sflag:s19], $0x400  }
0x8a: {  	[sflag:s19] =	ssyncset.done @!p1 $0x0  }
0x8b: {  	[sflag:s19] =	ssyncadd.s32 @!p1 $0xFFFFFC00  }
0x8c: {  	_ =	swait.ge @!p1 [sflag:s19], $0x400  }
0x8d: {  	[sflag:s19] =	ssyncset.done @!p1 $0x0  }
0x8e: {  	[sflag:s19] =	ssyncadd.s32 @!p1 $0xFFFFFC00  }
0x8f: {  	_ =	swait.ge @!p1 [sflag:s19], $0x400  }
0x90: {  	[sflag:s19] =	ssyncset.done @!p1 $0x0  }
0x91: {  	s24 =	simm.s32 $0x5040;
	[sflag:s19] =	ssyncadd.s32 @!p1 $0xFFFFFC00  }
0x92: {  	s20 =	simm.s32 $0x9040;
	v9 =	vld [tilespmem:s24+$0x30]  }
0x93: {  	v10 =	vld [tilespmem:s20+$0x30]  }
0x94: {  	v12 =	vld [tilespmem:s24+$0xFFFFFFD0]  }
0x95: {  	v13 =	vld [tilespmem:s20+$0xFFFFFFD0]  }
0x96: {  	v14 =	vld [tilespmem:s24+$0xFFFFFFE0]  }
0x97: {  	v15 =	vld [tilespmem:s20+$0xFFFFFFE0]  }
0x98: {  	v16 =	vld [tilespmem:s20+$0xFFFFFFF0]  }
0x99: {  	v17 =	vld [tilespmem:s20+$0x0];
	v9 =	vadd.f32 v10, v9  }
0x9a: {  	v10 =	vld [tilespmem:s24+$0xFFFFFFF0]  }
0x9b: {  	v12 =	vadd.f32 v13, v12;
	v13 =	vld [tilespmem:s24+$0x0];
	v9 =	vmul.f32 $1.442695020e+00, v9  }
0x9c: {  	v11 =	vld [tilespmem:s20+$0xFFFFFFC0]  }
0x9d: {  	v18 =	vld [tilespmem:s24+$0xFFFFFFC0];
	(erf) = vpow2.f32 v9;
	v9 =	vmul.f32 $1.442695020e+00, v12;
	v12 =	vadd.f32 v15, v14  }
0x9e: {  	v14 =	vld [tilespmem:s24+$0x10]  }
0x9f: {  	v15 =	vld [tilespmem:s20+$0x10];
	v12 =	vmul.f32 $1.442695020e+00, v12;
	(erf) = vpow2.f32 v9  }
0xa0: {  	v10 =	vadd.f32 v16, v10;
	v16 =	vld [tilespmem:s24+$0x20];
	v13 =	vadd.f32 v17, v13  }
0xa1: {  	v9 =	vld [tilespmem:s20+$0x20];
	(erf) = vpow2.f32 v12  }
0xa2: {  	v10 =	vmul.f32 $1.442695020e+00, v10;
	v13 =	vmul.f32 $1.442695020e+00, v13  }
0xa3: {  	v11 =	vadd.f32 v11, v18  }
0xa4: {  	s25 =	simm.s32 $0x0;
	s24 =	simm.s32 $0x4;
	v14 =	vadd.f32 v15, v14;
	(erf) = vpow2.f32 v10  }
0xa5: {  	v11 =	vmul.f32 $1.442695020e+00, v11;
	v17 =	vmov s24;
	v12 =	vmov s25  }
0xa6: {  	s26 =	simm.s32 $0x1;
	(erf) = vpow2.f32 v13;
	v14 =	vmul.f32 $1.442695020e+00, v14;
	v9 =	vadd.f32 v9, v16;
	v13 =	vpop (erf)  }
0xa7: {  	s28 =	simm.s32 $0x2;
	v10 =	vshrl.u32 v12, $0x3;
	v12 =	vmov s26;
	v13 =	vadd.f32 $1.000000000e+00, v13  }
0xa8: {  	v15 =	vmov s28;
	v9 =	vmul.f32 $1.442695020e+00, v9;
	(erf) = vpow2.f32 v14;
	v18 =	vpop (erf)  }
0xa9: {  	v19 =	vshrl.u32 v12, $0x3;
	(erf) = vrcp.f32 v13;
	v13 =	vadd.f32 $1.000000000e+00, v18  }
0xaa: {  	s28 =	simm.s32 $0x7;
	v12 =	vshrl.u32 v17, $0x3;
	(erf) = vpow2.f32 v9;
	v9 =	vshll.u32 v10, v1;
	v10 =	vpop (erf)  }
0xab: {  	s25 =	simm.s32 $0x5;
	(erf) = vpow2.f32 v11;
	v10 =	vadd.f32 $1.000000000e+00, v10;
	v11 =	vmov s28  }
0xac: {  	s23 =	simm.s32 $0x3;
	v14 =	vmov s25;
	(erf) = vrcp.f32 v13;
	v17 =	vshrl.u32 v11, $0x3  }
0xad: {  	v16 =	vmov s23;
	v13 =	vpop (erf);
	(erf) = vrcp.f32 v10;
	v10 =	vshll.u32 v17, v1  }
0xae: {  	s26 =	simm.s32 $0x6;
	v20 =	vshrl.u32 v16, $0x3;
	v16 =	vadd.f32 $1.000000000e+00, v13;
	v17 =	vbroadcast v10, $0x0  }
0xaf: {  	v15 =	vshrl.u32 v15, $0x3;
	v18 =	vmov s26;
	v13 =	vshrl.u32 v14, $0x3;
	v14 =	vpop (erf)  }
0xb0: {  	v11 =	vshrl.u32 v18, $0x3;
	v14 =	vadd.f32 $1.000000000e+00, v14;
	(erf) = vrcp.f32 v16  }
0xb1: {  	v18 =	vshll.u32 v15, v1;
	v10 =	vbroadcast v9, $0x0;
	v9 =	vpop (erf);
	v16 =	vshll.u32 v19, v1  }
0xb2: {  	s20 =	simm.s32 $0x50C0;
	v22 =	vadd.f32 $1.000000000e+00, v9;
	v9 =	vadd.s32 v8, v17;
	(erf) = vrcp.f32 v14;
	v17 =	vpop (erf)  }
0xb3: {  	s23 =	simm.s32 $0x90C0;
	v15 =	vld [tilespmem:s20+$0x30];
	v16 =	vbroadcast v16, $0x0;
	v14 =	vshll.u32 v20, v1;
	v17 =	vadd.f32 v17, v17;
	v20 =	vpop (erf)  }
0xb4: {  	s19 =	simm.s32 $0x8;
	s24 =	simm.s32 $0x10;
	v18 =	vbroadcast v18, $0x0;
	v19 =	vld [tilespmem:s23+$0x30];
	(erf) = vrcp.f32 v22;
	v20 =	vadd.f32 $1.000000000e+00, v20;
	v21 =	vpop (erf)  }
.LBB2_4:
0xb5: {  	p1 =	slt.u32 s24, $0x1F8;
	v22 =	vld [tilespmem:s23+$0xFFFFFFC0];
	v21 =	vadd.f32 $1.000000000e+00, v21;
	v16 =	vadd.s32 v2, v16;
	v17 =	vsub.f32 $1.000000000e+00, v17;
	v23 =	vpop (erf)  }
0xb6: {  	v12 =	vshll.u32 v12, v1;
	v24 =	vld [tilespmem:s20+$0xFFFFFFD0];
	v23 =	vadd.f32 v23, v23;
	(erf) = vrcp.f32 v20  }
0xb7: {  	v13 =	vshll.u32 v13, v1;
	v18 =	vadd.s32 v3, v18;
	v20 =	vld [tilespmem:s23+$0xFFFFFFD0];
	[tilespmem:v9+s31+$0x0] =	vst.idx.msk $0xffff, v17;
	(erf) = vrcp.f32 v21;
	v9 =	vpop (erf)  }
0xb8: {  	v14 =	vbroadcast v14, $0x0;
	v17 =	vld [tilespmem:s20+$0xFFFFFFE0];
	v26 =	vsub.f32 $1.000000000e+00, v23;
	v9 =	vadd.f32 v9, v9  }
0xb9: {  	v11 =	vshll.u32 v11, v1;
	v12 =	vbroadcast v12, $0x0;
	v23 =	vld [tilespmem:s23+$0xFFFFFFE0];
	v15 =	vadd.f32 v19, v15;
	v19 =	vpop (erf)  }
0xba: {  	v14 =	vadd.s32 v4, v14;
	v25 =	vld [tilespmem:s20+$0xFFFFFFF0];
	[tilespmem:v16+s31+$0x0] =	vst.idx.msk $0xffff, v26;
	v9 =	vsub.f32 $1.000000000e+00, v9;
	v26 =	vadd.f32 v19, v19  }
0xbb: {  	v13 =	vbroadcast v13, $0x0;
	v12 =	vadd.s32 v5, v12;
	v19 =	vld [tilespmem:s23+$0xFFFFFFF0];
	v15 =	vmul.f32 $1.442695020e+00, v15;
	v21 =	vpop (erf)  }
0xbc: {  	v11 =	vbroadcast v11, $0x0;
	v20 =	vadd.f32 v20, v24;
	v24 =	vld [tilespmem:s20+$0x0];
	[tilespmem:v18+s31+$0x0] =	vst.idx.msk $0xffff, v9;
	v9 =	vadd.f32 v21, v21  }
0xbd: {  	v10 =	vadd.s32 v0, v10;
	v18 =	vld [tilespmem:s23+$0x0];
	(erf) = vpow2.f32 v15;
	v15 =	vsub.f32 $1.000000000e+00, v26;
	v16 =	vpop (erf)  }
0xbe: {  	v26 =	vmul.f32 $1.442695020e+00, v20;
	v17 =	vadd.f32 v23, v17;
	v21 =	vld [tilespmem:s20+$0x10];
	v16 =	vadd.f32 v16, v16  }
0xbf: {  	v13 =	vadd.s32 v6, v13;
	v11 =	vadd.s32 v7, v11;
	v9 =	vsub.f32 $1.000000000e+00, v9;
	v23 =	vld [tilespmem:s23+$0x10];
	[tilespmem:v14+s31+$0x0] =	vst.idx.msk $0xffff, v15;
	v14 =	vpop (erf)  }
0xc0: {  	v15 =	vmul.f32 $1.442695020e+00, v17;
	v17 =	vadd.f32 v19, v25;
	v19 =	vld [tilespmem:s20+$0x20];
	(erf) = vpow2.f32 v26;
	v20 =	vpop (erf)  }
0xc1: {  	v25 =	vmov s19;
	v26 =	vld [tilespmem:s23+$0x20];
	v20 =	vadd.f32 v20, v20;
	[tilespmem:v12+s31+$0x0] =	vst.idx.msk $0xffff, v9;
	v9 =	vadd.f32 v14, v14  }
0xc2: {  	v12 =	vld [tilespmem:s20+$0xFFFFFFC0];
	v14 =	vmul.f32 $1.442695020e+00, v17;
	v17 =	vadd.f32 v18, v24;
	(erf) = vpow2.f32 v15  }
0xc3: {  	v16 =	vsub.f32 $1.000000000e+00, v16;
	v15 =	vshrl.u32 v25, $0x3;
	v18 =	vsub.f32 $1.000000000e+00, v20  }
0xc4: {  	s25 =	sadd.s32 $0x1, s19;
	s26 =	sadd.s32 $0x2, s19;
	v24 =	vmul.f32 $1.442695020e+00, v17;
	v20 =	vadd.f32 v23, v21;
	(erf) = vpow2.f32 v14  }
0xc5: {  	v9 =	vsub.f32 $1.000000000e+00, v9;
	v14 =	vmov s25;
	v21 =	vmov s26;
	[tilespmem:v10+s31+$0x0] =	vst.idx.msk $0xffff, v18  }
0xc6: {  	s25 =	sadd.s32 $0x3, s19;
	v10 =	vmul.f32 $1.442695020e+00, v20;
	v18 =	vadd.f32 v26, v19;
	(erf) = vpow2.f32 v24;
	v17 =	vpop (erf);
	[tilespmem:v13+s31+$0x0] =	vst.idx.msk $0xffff, v16  }
0xc7: {  	v13 =	vmov s25;
	s25 =	sadd.s32 $0x4, s19;
	v19 =	vadd.f32 v22, v12;
	v16 =	vadd.f32 $1.000000000e+00, v17;
	[tilespmem:v11+s31+$0x0] =	vst.idx.msk $0xffff, v9  }
0xc8: {  	v9 =	vmov s25;
	s25 =	sadd.s32 $0x5, s19;
	v11 =	vmul.f32 $1.442695020e+00, v18;
	(erf) = vpow2.f32 v10  }
0xc9: {  	v17 =	vmov s25;
	s25 =	sadd.s32 $0x6, s19;
	v18 =	vmul.f32 $1.442695020e+00, v19;
	v12 =	vpop (erf);
	(erf) = vrcp.f32 v16  }
0xca: {  	v16 =	vmov s25;
	v12 =	vadd.f32 $1.000000000e+00, v12;
	(erf) = vpow2.f32 v11  }
0xcb: {  	v15 =	vshll.u32 v15, v1;
	v14 =	vshrl.u32 v14, $0x3;
	(erf) = vpow2.f32 v18;
	v10 =	vpop (erf)  }
0xcc: {  	s25 =	sadd.s32 $0x7, s19;
	s19 =	smov.u32 s24;
	v18 =	vshrl.u32 v21, $0x3;
	v22 =	vadd.f32 $1.000000000e+00, v10;
	(erf) = vrcp.f32 v12  }
0xcd: {  	v19 =	vshrl.u32 v13, $0x3;
	v12 =	vshrl.u32 v9, $0x3;
	v9 =	vmov s25;
	v11 =	vpop (erf)  }
0xce: {  	v9 =	vshrl.u32 v9, $0x3;
	v20 =	vadd.f32 $1.000000000e+00, v11;
	(erf) = vrcp.f32 v22  }
0xcf: {  	v13 =	vshrl.u32 v17, $0x3;
	v11 =	vshrl.u32 v16, $0x3;
	v9 =	vshll.u32 v9, v1;
	v10 =	vpop (erf)  }
.Ltmp5:
0xd0: {  	v9 =	vbroadcast v9, $0x0;
	v16 =	vadd.f32 $1.000000000e+00, v10;
	(erf) = vrcp.f32 v20;
	(pc) =	sbr.rel @p1 .LBB2_4-.Ltmp5, $4  }
0xd1: {  	v14 =	vshll.u32 v14, v1;
	v18 =	vshll.u32 v18, v1;
	v10 =	vbroadcast v15, $0x0;
	v15 =	vpop (erf)  }
0xd2: {  	s20 =	sadd.s32 $0x80, s20;
	v9 =	vadd.s32 v8, v9;
	v22 =	vadd.f32 $1.000000000e+00, v15;
	(erf) = vrcp.f32 v16;
	v17 =	vpop (erf)  }
0xd3: {  	s23 =	sadd.s32 $0x80, s23;
	v16 =	vbroadcast v14, $0x0;
	v14 =	vshll.u32 v19, v1;
	v15 =	vld [tilespmem:s20+$0x30];
	v17 =	vadd.f32 v17, v17;
	v20 =	vpop (erf)  }
0xd4: {  	s24 =	sadd.s32 $0x8, s24;
	v18 =	vbroadcast v18, $0x0;
	v19 =	vld [tilespmem:s23+$0x30];
	v20 =	vadd.f32 $1.000000000e+00, v20;
	v21 =	vpop (erf);
	(erf) = vrcp.f32 v22  }
0xd5: {  	v22 =	vld [tilespmem:s23+$0xFFFFFFC0]  }
0xd6: {  	v23 =	vld [tilespmem:s20+$0xFFFFFFD0]  }
0xd7: {  	v24 =	vld [tilespmem:s23+$0xFFFFFFD0]  }
0xd8: {  	v25 =	vld [tilespmem:s20+$0xFFFFFFE0]  }
0xd9: {  	v26 =	vld [tilespmem:s23+$0xFFFFFFE0]  }
0xda: {  	v56 =	vld [tilespmem:s20+$0xFFFFFFF0]  }
0xdb: {  	v55 =	vadd.f32 $1.000000000e+00, v21;
	v57 =	vld [tilespmem:s23+$0xFFFFFFF0]  }
0xdc: {  	v58 =	vld [tilespmem:s20+$0x0];
	v16 =	vadd.s32 v2, v16;
	v17 =	vsub.f32 $1.000000000e+00, v17;
	v12 =	vshll.u32 v12, v1  }
0xdd: {  	v28 =	vld [tilespmem:s23+$0x0];
	v13 =	vshll.u32 v13, v1;
	v14 =	vbroadcast v14, $0x0;
	v15 =	vadd.f32 v19, v15  }
0xde: {  	v60 =	vld [tilespmem:s20+$0x10];
	v11 =	vshll.u32 v11, v1;
	v10 =	vadd.s32 v0, v10;
	(erf) = vrcp.f32 v20  }
0xdf: {  	v27 =	vpop (erf);
	v29 =	vld [tilespmem:s23+$0x10];
	v49 =	vmov s19;
	v12 =	vbroadcast v12, $0x0;
	v15 =	vmul.f32 $1.442695020e+00, v15  }
0xe0: {  	v61 =	vld [tilespmem:s20+$0x20];
	v59 =	vadd.f32 v27, v27;
	v13 =	vbroadcast v13, $0x0;
	(erf) = vrcp.f32 v55  }
0xe1: {  	v62 =	vld [tilespmem:s23+$0x20];
	s24 =	sadd.s32 $0x1, s19;
	v18 =	vadd.s32 v3, v18;
	v11 =	vbroadcast v11, $0x0;
	(erf) = vpow2.f32 v15  }
0xe2: {  	v63 =	vld [tilespmem:s20+$0xFFFFFFC0];
	s25 =	sadd.s32 $0x2, s19;
	v27 =	vshrl.u32 v49, $0x3;
	v52 =	vmov s24;
	v30 =	vpop (erf);
	v14 =	vadd.s32 v4, v14  }
0xe3: {  	v55 =	vmov s25;
	v27 =	vshll.u32 v27, v1;
	v30 =	vadd.f32 v30, v30  }
0xe4: {  	v12 =	vadd.s32 v5, v12;
	v13 =	vadd.s32 v6, v13;
	v23 =	vadd.f32 v24, v23  }
0xe5: {  	v11 =	vadd.s32 v7, v11;
	v31 =	vpop (erf);
	v25 =	vadd.f32 v26, v25;
	v20 =	vadd.f32 v57, v56  }
0xe6: {  	v19 =	vadd.f32 v28, v58;
	v35 =	vadd.f32 v29, v60;
	v32 =	vpop (erf);
	v23 =	vmul.f32 $1.442695020e+00, v23  }
0xe7: {  	v38 =	vadd.f32 v62, v61;
	v40 =	vadd.f32 v22, v63;
	v25 =	vmul.f32 $1.442695020e+00, v25;
	v33 =	vpop (erf)  }
0xe8: {  	v22 =	vsub.f32 $1.000000000e+00, v30;
	v20 =	vmul.f32 $1.442695020e+00, v20;
	(erf) = vpow2.f32 v23;
	v34 =	vpop (erf)  }
0xe9: {  	s26 =	sadd.s32 $0x3, s19;
	v42 =	vadd.f32 v31, v31;
	v19 =	vmul.f32 $1.442695020e+00, v19;
	(erf) = vpow2.f32 v25;
	v36 =	vpop (erf)  }
0xea: {  	s28 =	sadd.s32 $0x4, s19;
	v60 =	vmov s26;
	v37 =	vmul.f32 $1.442695020e+00, v35;
	(erf) = vpow2.f32 v20;
	v39 =	vpop (erf)  }
0xeb: {  	v63 =	vmov s28;
	(erf) = vpow2.f32 v19;
	v41 =	vadd.f32 $1.000000000e+00, v39  }
0xec: {  	v30 =	vshrl.u32 v52, $0x3;
	v23 =	vmul.f32 $1.442695020e+00, v38;
	(erf) = vpow2.f32 v37  }
0xed: {  	v31 =	vshrl.u32 v55, $0x3;
	v19 =	vmul.f32 $1.442695020e+00, v40;
	(erf) = vrcp.f32 v41  }
0xee: {  	v43 =	vadd.f32 v32, v32;
	v32 =	vshrl.u32 v60, $0x3;
	(erf) = vpow2.f32 v23  }
0xef: {  	s25 =	sadd.s32 $0x7, s19;
	v15 =	vsub.f32 $1.000000000e+00, v59;
	v44 =	vadd.f32 v33, v33;
	(erf) = vpow2.f32 v19  }
0xf0: {  	v21 =	vsub.f32 $1.000000000e+00, v43;
	v38 =	vmov s25;
	v33 =	vshrl.u32 v63, $0x3  }
0xf1: {  	s23 =	sadd.s32 $0x5, s19;
	v43 =	vshll.u32 v31, v1;
	v47 =	vadd.f32 v34, v34;
	v20 =	vsub.f32 $1.000000000e+00, v44;
	v45 =	vpop (erf)  }
0xf2: {  	v46 =	vadd.f32 v36, v36;
	v36 =	vmov s23;
	v48 =	vpop (erf);
	v23 =	vadd.f32 $1.000000000e+00, v45  }
0xf3: {  	s24 =	sadd.s32 $0x6, s19;
	v40 =	vshll.u32 v30, v1;
	v25 =	vsub.f32 $1.000000000e+00, v47;
	v50 =	vpop (erf);
	v26 =	vadd.f32 $1.000000000e+00, v48  }
0xf4: {  	v37 =	vmov s24;
	v51 =	vpop (erf);
	v53 =	vadd.f32 $1.000000000e+00, v50;
	(erf) = vrcp.f32 v23  }
0xf5: {  	[tilespmem:v9+s31+$0x0] =	vst.idx.msk $0xffff, v17;
	v9 =	vshrl.u32 v36, $0x3;
	v24 =	vsub.f32 $1.000000000e+00, v46;
	v54 =	vpop (erf);
	(erf) = vrcp.f32 v26  }
0xf6: {  	v9 =	vshll.u32 v9, v1;
	v56 =	vadd.f32 $1.000000000e+00, v51;
	(erf) = vrcp.f32 v53;
	v57 =	vpop (erf)  }
0xf7: {  	v46 =	vbroadcast v43, $0x0;
	v9 =	vbroadcast v9, $0x0;
	v58 =	vadd.f32 $1.000000000e+00, v54;
	v59 =	vpop (erf)  }
0xf8: {  	v23 =	vshrl.u32 v38, $0x3;
	(erf) = vrcp.f32 v56;
	v61 =	vadd.f32 $1.000000000e+00, v59;
	v62 =	vpop (erf)  }
0xf9: {  	v23 =	vshll.u32 v23, v1;
	(erf) = vrcp.f32 v58;
	v35 =	vadd.f32 $1.000000000e+00, v62  }
0xfa: {  	[tilespmem:v18+s31+$0x0] =	vst.idx.msk $0xffff, v22;
	v52 =	vadd.s32 v3, v46;
	v39 =	vbroadcast v23, $0x0;
	(erf) = vrcp.f32 v61  }
0xfb: {  	[tilespmem:v16+s31+$0x0] =	vst.idx.msk $0xffff, v15;
	v9 =	vadd.s32 v6, v9;
	v23 =	vbroadcast v40, $0x0;
	(erf) = vrcp.f32 v35  }
0xfc: {  	[tilespmem:v12+s31+$0x0] =	vst.idx.msk $0xffff, v21;
	v45 =	vshll.u32 v32, v1;
	v50 =	vshll.u32 v33, v1;
	v19 =	vsub.f32 $1.000000000e+00, v42  }
0xfd: {  	[tilespmem:v11+s31+$0x0] =	vst.idx.msk $0xffff, v25;
	v18 =	vbroadcast v45, $0x0;
	v55 =	vbroadcast v50, $0x0;
	v23 =	vadd.s32 v2, v23;
	v47 =	vpop (erf)  }
0xfe: {  	v41 =	vshrl.u32 v37, $0x3;
	[tilespmem:v14+s31+$0x0] =	vst.idx.msk $0xffff, v19;
	v17 =	vadd.s32 v8, v39;
	v49 =	vadd.f32 v47, v47;
	v51 =	vpop (erf)  }
0xff: {  	v18 =	vadd.s32 v4, v18;
	v19 =	vadd.s32 v5, v55;
	v44 =	vadd.f32 v57, v57;
	v54 =	vpop (erf)  }
0x100: {  	[tilespmem:v10+s31+$0x0] =	vst.idx.msk $0xffff, v24;
	v57 =	vshll.u32 v41, v1;
	v10 =	vsub.f32 $1.000000000e+00, v49;
	v11 =	vadd.f32 v54, v54  }
0x101: {  	[tilespmem:v13+s31+$0x0] =	vst.idx.msk $0xffff, v20;
	v13 =	vbroadcast v57, $0x0;
	v48 =	vsub.f32 $1.000000000e+00, v44;
	v53 =	vadd.f32 v51, v51;
	v56 =	vpop (erf)  }
0x102: {  	v42 =	vbroadcast v27, $0x0;
	v61 =	vadd.f32 v56, v56;
	[tilespmem:v23+s31+$0x0] =	vst.idx.msk $0xffff, v10;
	v10 =	vsub.f32 $1.000000000e+00, v11;
	v59 =	vpop (erf)  }
0x103: {  	v13 =	vadd.s32 v7, v13;
	[tilespmem:v17+s31+$0x0] =	vst.idx.msk $0xffff, v48;
	v58 =	vsub.f32 $1.000000000e+00, v53;
	v63 =	vadd.f32 v59, v59;
	v60 =	vpop (erf)  }
0x104: {  	v16 =	vadd.s32 v0, v42;
	v14 =	vsub.f32 $1.000000000e+00, v61;
	[tilespmem:v18+s31+$0x0] =	vst.idx.msk $0xffff, v10;
	v62 =	vpop (erf);
	v10 =	vadd.f32 v60, v60  }
0x105: {  	[tilespmem:v52+s31+$0x0] =	vst.idx.msk $0xffff, v58;
	v12 =	vsub.f32 $1.000000000e+00, v63;
	v11 =	vadd.f32 v62, v62  }
0x106: {  	[tilespmem:v19+s31+$0x0] =	vst.idx.msk $0xffff, v14;
	v10 =	vsub.f32 $1.000000000e+00, v10  }
0x107: {  	s26 =	sadd.s32 s7, s18;
	[tilespmem:v9+s31+$0x0] =	vst.idx.msk $0xffff, v12;
	v11 =	vsub.f32 $1.000000000e+00, v11  }
0x108: {  	s19 =	sshll.u32 s26, $0x9;
	[tilespmem:v13+s31+$0x0] =	vst.idx.msk $0xffff, v10  }
0x109: {  	s20 =	sadd.s32 s1, s19;
	[tilespmem:v16+s31+$0x0] =	vst.idx.msk $0xffff, v11  }
0x10a: {  	[hbm4b:s20+s4] =	stream.linear.scatter [tilespmem:s31], [sflag:$0x3], $0x80, $0x38;
	[tilespmem:$0x15F20] =	vst v63  }
0x10b: {  	s28 =	sadd.s32 $0x10, s20;
	s24 =	simm.s32 $0xD208  }
0x10c: {  	[hbm4b:s28+s4] =	stream.linear.scatter [tilespmem:s24], [sflag:$0x3], $0x80, $0x38;
	[tilespmem:$0x15F20] =	vst v63  }
0x10d: {  	s25 =	simm.s32 $0xD410;
	s24 =	sadd.s32 $0x20, s20  }
0x10e: {  	[hbm4b:s24+s4] =	stream.linear.scatter [tilespmem:s25], [sflag:$0x3], $0x80, $0x38;
	[tilespmem:$0x15F20] =	vst v63  }
0x10f: {  	s26 =	sadd.s32 $0x30, s20;
	s28 =	simm.s32 $0xD618  }
0x110: {  	[hbm4b:s26+s4] =	stream.linear.scatter [tilespmem:s28], [sflag:$0x3], $0x80, $0x38;
	[tilespmem:$0x15F20] =	vst v63  }
0x111: {  	s24 =	sadd.s32 $0x40, s20;
	s25 =	simm.s32 $0xD820  }
0x112: {  	[hbm4b:s24+s4] =	stream.linear.scatter [tilespmem:s25], [sflag:$0x3], $0x80, $0x38;
	[tilespmem:$0x15F20] =	vst v63  }
0x113: {  	s26 =	sadd.s32 $0x50, s20;
	s28 =	simm.s32 $0xDA28  }
0x114: {  	[hbm4b:s26+s4] =	stream.linear.scatter [tilespmem:s28], [sflag:$0x3], $0x80, $0x38;
	[tilespmem:$0x15F20] =	vst v63  }
0x115: {  	s24 =	sadd.s32 $0x60, s20;
	s25 =	simm.s32 $0xDC30  }
0x116: {  	[hbm4b:s24+s4] =	stream.linear.scatter [tilespmem:s25], [sflag:$0x3], $0x80, $0x38;
	[tilespmem:$0x15F20] =	vst v63  }
0x117: {  	s20 =	sadd.s32 $0x70, s20;
	s26 =	simm.s32 $0xDE38  }
0x118: {  	[hbm4b:s20+s4] =	stream.linear.scatter [tilespmem:s26], [sflag:$0x3], $0x80, $0x38;
	[tilespmem:$0x15F20] =	vst v63  }
0x119: {  	s28 =	simm.s32 $0xD080;
	s20 =	sadd.s32 s19, s11  }
0x11a: {  	[hbm4b:s20+s4] =	stream.linear.scatter [tilespmem:s28], [sflag:$0x3], $0x80, $0x38;
	[tilespmem:$0x15F20] =	vst v63  }
0x11b: {  	s25 =	simm.s32 $0xD288;
	s24 =	sadd.s32 $0x10, s20  }
0x11c: {  	[hbm4b:s24+s4] =	stream.linear.scatter [tilespmem:s25], [sflag:$0x3], $0x80, $0x38;
	[tilespmem:$0x15F20] =	vst v63  }
0x11d: {  	s26 =	sadd.s32 $0x20, s20;
	s28 =	simm.s32 $0xD490  }
0x11e: {  	[hbm4b:s26+s4] =	stream.linear.scatter [tilespmem:s28], [sflag:$0x3], $0x80, $0x38;
	[tilespmem:$0x15F20] =	vst v63  }
0x11f: {  	s24 =	sadd.s32 $0x30, s20;
	s25 =	simm.s32 $0xD698  }
0x120: {  	[hbm4b:s24+s4] =	stream.linear.scatter [tilespmem:s25], [sflag:$0x3], $0x80, $0x38;
	[tilespmem:$0x15F20] =	vst v63  }
0x121: {  	s26 =	sadd.s32 $0x40, s20;
	s28 =	simm.s32 $0xD8A0  }
0x122: {  	[hbm4b:s26+s4] =	stream.linear.scatter [tilespmem:s28], [sflag:$0x3], $0x80, $0x38;
	[tilespmem:$0x15F20] =	vst v63  }
0x123: {  	s24 =	sadd.s32 $0x50, s20;
	s25 =	simm.s32 $0xDAA8  }
0x124: {  	[hbm4b:s24+s4] =	stream.linear.scatter [tilespmem:s25], [sflag:$0x3], $0x80, $0x38;
	[tilespmem:$0x15F20] =	vst v63  }
0x125: {  	s26 =	sadd.s32 $0x60, s20;
	s28 =	simm.s32 $0xDCB0  }
0x126: {  	[hbm4b:s26+s4] =	stream.linear.scatter [tilespmem:s28], [sflag:$0x3], $0x80, $0x38;
	[tilespmem:$0x15F20] =	vst v63  }
0x127: {  	s20 =	sadd.s32 $0x70, s20;
	s24 =	simm.s32 $0xDEB8  }
0x128: {  	[hbm4b:s20+s4] =	stream.linear.scatter [tilespmem:s24], [sflag:$0x3], $0x80, $0x38;
	[tilespmem:$0x15F20] =	vst v63  }
0x129: {  	s25 =	simm.s32 $0xD100;
	s20 =	sadd.s32 s19, s12  }
0x12a: {  	[hbm4b:s20+s4] =	stream.linear.scatter [tilespmem:s25], [sflag:$0x3], $0x80, $0x38;
	[tilespmem:$0x15F20] =	vst v63  }
0x12b: {  	s28 =	simm.s32 $0xD308;
	s26 =	sadd.s32 $0x10, s20  }
0x12c: {  	[hbm4b:s26+s4] =	stream.linear.scatter [tilespmem:s28], [sflag:$0x3], $0x80, $0x38;
	[tilespmem:$0x15F20] =	vst v63  }
0x12d: {  	s24 =	sadd.s32 $0x20, s20;
	s25 =	simm.s32 $0xD510  }
0x12e: {  	[hbm4b:s24+s4] =	stream.linear.scatter [tilespmem:s25], [sflag:$0x3], $0x80, $0x38;
	[tilespmem:$0x15F20] =	vst v63  }
0x12f: {  	s26 =	sadd.s32 $0x30, s20;
	s28 =	simm.s32 $0xD718  }
0x130: {  	[hbm4b:s26+s4] =	stream.linear.scatter [tilespmem:s28], [sflag:$0x3], $0x80, $0x38;
	[tilespmem:$0x15F20] =	vst v63  }
0x131: {  	s24 =	sadd.s32 $0x40, s20;
	s25 =	simm.s32 $0xD920  }
0x132: {  	[hbm4b:s24+s4] =	stream.linear.scatter [tilespmem:s25], [sflag:$0x3], $0x80, $0x38;
	[tilespmem:$0x15F20] =	vst v63  }
0x133: {  	s26 =	sadd.s32 $0x50, s20;
	s28 =	simm.s32 $0xDB28  }
0x134: {  	[hbm4b:s26+s4] =	stream.linear.scatter [tilespmem:s28], [sflag:$0x3], $0x80, $0x38;
	[tilespmem:$0x15F20] =	vst v63  }
0x135: {  	s24 =	sadd.s32 $0x60, s20;
	s25 =	simm.s32 $0xDD30  }
0x136: {  	[hbm4b:s24+s4] =	stream.linear.scatter [tilespmem:s25], [sflag:$0x3], $0x80, $0x38;
	[tilespmem:$0x15F20] =	vst v63  }
0x137: {  	s20 =	sadd.s32 $0x70, s20;
	s26 =	simm.s32 $0xDF38  }
0x138: {  	[hbm4b:s20+s4] =	stream.linear.scatter [tilespmem:s26], [sflag:$0x3], $0x80, $0x38;
	[tilespmem:$0x15F20] =	vst v63  }
0x139: {  	s28 =	simm.s32 $0xD180;
	s20 =	sadd.s32 s19, s13  }
0x13a: {  	[hbm4b:s20+s4] =	stream.linear.scatter [tilespmem:s28], [sflag:$0x3], $0x80, $0x38;
	[tilespmem:$0x15F20] =	vst v63  }
0x13b: {  	s25 =	simm.s32 $0xD388;
	s24 =	sadd.s32 $0x10, s20  }
0x13c: {  	[hbm4b:s24+s4] =	stream.linear.scatter [tilespmem:s25], [sflag:$0x3], $0x80, $0x38;
	[tilespmem:$0x15F20] =	vst v63  }
0x13d: {  	s26 =	sadd.s32 $0x20, s20;
	s28 =	simm.s32 $0xD590  }
0x13e: {  	[hbm4b:s26+s4] =	stream.linear.scatter [tilespmem:s28], [sflag:$0x3], $0x80, $0x38;
	[tilespmem:$0x15F20] =	vst v63  }
0x13f: {  	s24 =	sadd.s32 $0x30, s20;
	s25 =	simm.s32 $0xD798  }
0x140: {  	[hbm4b:s24+s4] =	stream.linear.scatter [tilespmem:s25], [sflag:$0x3], $0x80, $0x38;
	[tilespmem:$0x15F20] =	vst v63  }
0x141: {  	s26 =	sadd.s32 $0x40, s20;
	s28 =	simm.s32 $0xD9A0  }
0x142: {  	[hbm4b:s26+s4] =	stream.linear.scatter [tilespmem:s28], [sflag:$0x3], $0x80, $0x38;
	[tilespmem:$0x15F20] =	vst v63  }
0x143: {  	s24 =	sadd.s32 $0x50, s20;
	s25 =	simm.s32 $0xDBA8  }
0x144: {  	[hbm4b:s24+s4] =	stream.linear.scatter [tilespmem:s25], [sflag:$0x3], $0x80, $0x38;
	[tilespmem:$0x15F20] =	vst v63  }
0x145: {  	s26 =	sadd.s32 $0x60, s20;
	s28 =	simm.s32 $0xDDB0  }
0x146: {  	[hbm4b:s26+s4] =	stream.linear.scatter [tilespmem:s28], [sflag:$0x3], $0x80, $0x38;
	[tilespmem:$0x15F20] =	vst v63  }
0x147: {  	s20 =	sadd.s32 $0x70, s20;
	s24 =	simm.s32 $0xDFB8  }
0x148: {  	[hbm4b:s20+s4] =	stream.linear.scatter [tilespmem:s24], [sflag:$0x3], $0x80, $0x38;
	[tilespmem:$0x15F20] =	vst v63  }
0x149: {  	s25 =	simm.s32 $0xE040;
	s20 =	sadd.s32 s19, s14  }
0x14a: {  	[hbm4b:s20+s4] =	stream.linear.scatter [tilespmem:s25], [sflag:$0x3], $0x80, $0x38;
	[tilespmem:$0x15F20] =	vst v63  }
0x14b: {  	s28 =	simm.s32 $0xE248;
	s26 =	sadd.s32 $0x10, s20  }
0x14c: {  	[hbm4b:s26+s4] =	stream.linear.scatter [tilespmem:s28], [sflag:$0x3], $0x80, $0x38;
	[tilespmem:$0x15F20] =	vst v63  }
0x14d: {  	s24 =	sadd.s32 $0x20, s20;
	s25 =	simm.s32 $0xE450  }
0x14e: {  	[hbm4b:s24+s4] =	stream.linear.scatter [tilespmem:s25], [sflag:$0x3], $0x80, $0x38;
	[tilespmem:$0x15F20] =	vst v63  }
0x14f: {  	s26 =	sadd.s32 $0x30, s20;
	s28 =	simm.s32 $0xE658  }
0x150: {  	[hbm4b:s26+s4] =	stream.linear.scatter [tilespmem:s28], [sflag:$0x3], $0x80, $0x38;
	[tilespmem:$0x15F20] =	vst v63  }
0x151: {  	s24 =	sadd.s32 $0x40, s20;
	s25 =	simm.s32 $0xE860  }
0x152: {  	[hbm4b:s24+s4] =	stream.linear.scatter [tilespmem:s25], [sflag:$0x3], $0x80, $0x38;
	[tilespmem:$0x15F20] =	vst v63  }
0x153: {  	s26 =	sadd.s32 $0x50, s20;
	s28 =	simm.s32 $0xEA68  }
0x154: {  	[hbm4b:s26+s4] =	stream.linear.scatter [tilespmem:s28], [sflag:$0x3], $0x80, $0x38;
	[tilespmem:$0x15F20] =	vst v63  }
0x155: {  	s24 =	sadd.s32 $0x60, s20;
	s25 =	simm.s32 $0xEC70  }
0x156: {  	[hbm4b:s24+s4] =	stream.linear.scatter [tilespmem:s25], [sflag:$0x3], $0x80, $0x38;
	[tilespmem:$0x15F20] =	vst v63  }
0x157: {  	s20 =	sadd.s32 $0x70, s20;
	s26 =	simm.s32 $0xEE78  }
0x158: {  	[hbm4b:s20+s4] =	stream.linear.scatter [tilespmem:s26], [sflag:$0x3], $0x80, $0x38;
	[tilespmem:$0x15F20] =	vst v63  }
0x159: {  	s28 =	simm.s32 $0xE0C0;
	s20 =	sadd.s32 s19, s15  }
0x15a: {  	[hbm4b:s20+s4] =	stream.linear.scatter [tilespmem:s28], [sflag:$0x3], $0x80, $0x38;
	[tilespmem:$0x15F20] =	vst v63  }
0x15b: {  	s25 =	simm.s32 $0xE2C8;
	s24 =	sadd.s32 $0x10, s20  }
0x15c: {  	[hbm4b:s24+s4] =	stream.linear.scatter [tilespmem:s25], [sflag:$0x3], $0x80, $0x38;
	[tilespmem:$0x15F20] =	vst v63  }
0x15d: {  	s26 =	sadd.s32 $0x20, s20;
	s28 =	simm.s32 $0xE4D0  }
0x15e: {  	[hbm4b:s26+s4] =	stream.linear.scatter [tilespmem:s28], [sflag:$0x3], $0x80, $0x38;
	[tilespmem:$0x15F20] =	vst v63  }
0x15f: {  	s24 =	sadd.s32 $0x30, s20;
	s25 =	simm.s32 $0xE6D8  }
0x160: {  	[hbm4b:s24+s4] =	stream.linear.scatter [tilespmem:s25], [sflag:$0x3], $0x80, $0x38;
	[tilespmem:$0x15F20] =	vst v63  }
0x161: {  	s26 =	sadd.s32 $0x40, s20;
	s28 =	simm.s32 $0xE8E0  }
0x162: {  	[hbm4b:s26+s4] =	stream.linear.scatter [tilespmem:s28], [sflag:$0x3], $0x80, $0x38;
	[tilespmem:$0x15F20] =	vst v63  }
0x163: {  	s24 =	sadd.s32 $0x50, s20;
	s25 =	simm.s32 $0xEAE8  }
0x164: {  	[hbm4b:s24+s4] =	stream.linear.scatter [tilespmem:s25], [sflag:$0x3], $0x80, $0x38;
	[tilespmem:$0x15F20] =	vst v63  }
0x165: {  	s26 =	sadd.s32 $0x60, s20;
	s28 =	simm.s32 $0xECF0  }
0x166: {  	[hbm4b:s26+s4] =	stream.linear.scatter [tilespmem:s28], [sflag:$0x3], $0x80, $0x38;
	[tilespmem:$0x15F20] =	vst v63  }
0x167: {  	s20 =	sadd.s32 $0x70, s20;
	s24 =	simm.s32 $0xEEF8  }
0x168: {  	[hbm4b:s20+s4] =	stream.linear.scatter [tilespmem:s24], [sflag:$0x3], $0x80, $0x38;
	[tilespmem:$0x15F20] =	vst v63  }
0x169: {  	s25 =	simm.s32 $0xE140;
	s20 =	sadd.s32 s19, s16  }
0x16a: {  	[hbm4b:s20+s4] =	stream.linear.scatter [tilespmem:s25], [sflag:$0x3], $0x80, $0x38;
	[tilespmem:$0x15F20] =	vst v63  }
0x16b: {  	s28 =	simm.s32 $0xE348;
	s26 =	sadd.s32 $0x10, s20  }
0x16c: {  	[hbm4b:s26+s4] =	stream.linear.scatter [tilespmem:s28], [sflag:$0x3], $0x80, $0x38;
	[tilespmem:$0x15F20] =	vst v63  }
0x16d: {  	s24 =	sadd.s32 $0x20, s20;
	s25 =	simm.s32 $0xE550  }
0x16e: {  	[hbm4b:s24+s4] =	stream.linear.scatter [tilespmem:s25], [sflag:$0x3], $0x80, $0x38;
	[tilespmem:$0x15F20] =	vst v63  }
0x16f: {  	s26 =	sadd.s32 $0x30, s20;
	s28 =	simm.s32 $0xE758  }
0x170: {  	[hbm4b:s26+s4] =	stream.linear.scatter [tilespmem:s28], [sflag:$0x3], $0x80, $0x38;
	[tilespmem:$0x15F20] =	vst v63  }
0x171: {  	s24 =	sadd.s32 $0x40, s20;
	s25 =	simm.s32 $0xE960  }
0x172: {  	[hbm4b:s24+s4] =	stream.linear.scatter [tilespmem:s25], [sflag:$0x3], $0x80, $0x38;
	[tilespmem:$0x15F20] =	vst v63  }
0x173: {  	s26 =	sadd.s32 $0x50, s20;
	s28 =	simm.s32 $0xEB68  }
0x174: {  	[hbm4b:s26+s4] =	stream.linear.scatter [tilespmem:s28], [sflag:$0x3], $0x80, $0x38;
	[tilespmem:$0x15F20] =	vst v63  }
0x175: {  	s25 =	sadd.s32 $0x60, s20;
	s26 =	simm.s32 $0xED70  }
0x176: {  	[hbm4b:s25+s4] =	stream.linear.scatter [tilespmem:s26], [sflag:$0x3], $0x80, $0x38;
	[tilespmem:$0x15F20] =	vst v63  }
0x177: {  	s20 =	sadd.s32 $0x70, s20;
	s28 =	simm.s32 $0xEF78  }
0x178: {  	[hbm4b:s20+s4] =	stream.linear.scatter [tilespmem:s28], [sflag:$0x3], $0x80, $0x38;
	[tilespmem:$0x15F20] =	vst v63  }
0x179: {  	s23 =	simm.s32 $0xE1C0;
	s19 =	sadd.s32 s19, s17  }
0x17a: {  	[hbm4b:s19+s4] =	stream.linear.scatter [tilespmem:s23], [sflag:$0x3], $0x80, $0x38;
	[tilespmem:$0x15F20] =	vst v63  }
0x17b: {  	s24 =	sadd.s32 $0x10, s19;
	s25 =	simm.s32 $0xE3C8  }
0x17c: {  	[hbm4b:s24+s4] =	stream.linear.scatter [tilespmem:s25], [sflag:$0x3], $0x80, $0x38;
	[tilespmem:$0x15F20] =	vst v63  }
0x17d: {  	s26 =	sadd.s32 $0x20, s19;
	s28 =	simm.s32 $0xE5D0  }
0x17e: {  	[hbm4b:s26+s4] =	stream.linear.scatter [tilespmem:s28], [sflag:$0x3], $0x80, $0x38;
	[tilespmem:$0x15F20] =	vst v63  }
0x17f: {  	s24 =	sadd.s32 $0x30, s19;
	s25 =	simm.s32 $0xE7D8  }
0x180: {  	[hbm4b:s24+s4] =	stream.linear.scatter [tilespmem:s25], [sflag:$0x3], $0x80, $0x38;
	[tilespmem:$0x15F20] =	vst v63  }
0x181: {  	s26 =	sadd.s32 $0x40, s19;
	s28 =	simm.s32 $0xE9E0  }
0x182: {  	[hbm4b:s26+s4] =	stream.linear.scatter [tilespmem:s28], [sflag:$0x3], $0x80, $0x38;
	[tilespmem:$0x15F20] =	vst v63  }
0x183: {  	s23 =	sadd.s32 $0x50, s19;
	s24 =	simm.s32 $0xEBE8  }
0x184: {  	[hbm4b:s23+s4] =	stream.linear.scatter [tilespmem:s24], [sflag:$0x3], $0x80, $0x38;
	[tilespmem:$0x15F20] =	vst v63  }
0x185: {  	s25 =	sadd.s32 $0x60, s19;
	s26 =	simm.s32 $0xEDF0  }
0x186: {  	[hbm4b:s25+s4] =	stream.linear.scatter [tilespmem:s26], [sflag:$0x3], $0x80, $0x38;
	[tilespmem:$0x15F20] =	vst v63  }
0x187: {  	s19 =	sadd.s32 $0x70, s19;
	s28 =	simm.s32 $0xEFF8  }
0x188: {  	[hbm4b:s19+s4] =	stream.linear.scatter [tilespmem:s28], [sflag:$0x3], $0x80, $0x38;
	[tilespmem:$0x15F20] =	vst v63  }
0x189: {  	s19 =	sadd.s32 $0x2, s18  }
0x18a: {  	p1 =	sge.s32 s19, s8  }
0x18b: {  	s19 =	sshll.u32 @!p1 s19, $0x9;
	s20 =	simm.s32 @!p1 $0x200;
	s23 =	simm.s32 @!p1 $0x5000  }
0x18c: {  	[tilespmem:s23], [sflag:$0x1] =	stream.indirect.gather @!p1 [spmem:s2], $0x10, s19, s20, $0xb8;
	[tilespmem:$0x15F20] =	vst v63  }
0x18d: {  	s19 =	sadd.s32 @!p1 $0x2800, s19;
	s23 =	simm.s32 @!p1 $0x9000  }
0x18e: {  	[tilespmem:s23], [sflag:$0x1] =	stream.indirect.gather @!p1 [spmem:s3], $0x10, s19, s20, $0xb8;
	[tilespmem:$0x15F20] =	vst v63  }
.LBB2_6:
0x18f: {  	s19 =	sor.u32 $0x1, s18  }
0x190: {  	p1 =	sge.s32 s19, s8  }
.Ltmp6:
0x191: {  	_ = 	snop;
	(pc) =	sbr.rel @p1 .LBB2_10-.Ltmp6, $1  }
0x192: {  	_ =	sdelay $0x3  }
0x193: {  	_ =	swait.ge [sflag:s21], $0x2000  }
0x194: {  	[sflag:s21] =	ssyncset.done $0x0  }
0x195: {  	[sflag:s21] =	ssyncadd.s32 $0xFFFFE000  }
0x196: {  	_ =	swait.ge [sflag:s21], $0x2000  }
0x197: {  	p1 =	seq.s32 s10, $0x0;
	[sflag:s21] =	ssyncset.done $0x0  }
0x198: {  	s20 =	simm.s32 @!p1 $0x4;
	[sflag:s21] =	ssyncadd.s32 $0xFFFFE000  }
0x199: {  	_ =	swait.ge @!p1 [sflag:s20], $0x400  }
0x19a: {  	[sflag:s20] =	ssyncset.done @!p1 $0x0  }
0x19b: {  	[sflag:s20] =	ssyncadd.s32 @!p1 $0xFFFFFC00  }
0x19c: {  	_ =	swait.ge @!p1 [sflag:s20], $0x400  }
0x19d: {  	[sflag:s20] =	ssyncset.done @!p1 $0x0  }
0x19e: {  	[sflag:s20] =	ssyncadd.s32 @!p1 $0xFFFFFC00  }
0x19f: {  	_ =	swait.ge @!p1 [sflag:s20], $0x400  }
0x1a0: {  	[sflag:s20] =	ssyncset.done @!p1 $0x0  }
0x1a1: {  	[sflag:s20] =	ssyncadd.s32 @!p1 $0xFFFFFC00  }
0x1a2: {  	_ =	swait.ge @!p1 [sflag:s20], $0x400  }
0x1a3: {  	[sflag:s20] =	ssyncset.done @!p1 $0x0  }
0x1a4: {  	[sflag:s20] =	ssyncadd.s32 @!p1 $0xFFFFFC00  }
0x1a5: {  	_ =	swait.ge @!p1 [sflag:s20], $0x400  }
0x1a6: {  	[sflag:s20] =	ssyncset.done @!p1 $0x0  }
0x1a7: {  	[sflag:s20] =	ssyncadd.s32 @!p1 $0xFFFFFC00  }
0x1a8: {  	_ =	swait.ge @!p1 [sflag:s20], $0x400  }
0x1a9: {  	[sflag:s20] =	ssyncset.done @!p1 $0x0  }
0x1aa: {  	[sflag:s20] =	ssyncadd.s32 @!p1 $0xFFFFFC00  }
0x1ab: {  	_ =	swait.ge @!p1 [sflag:s20], $0x400  }
0x1ac: {  	[sflag:s20] =	ssyncset.done @!p1 $0x0  }
0x1ad: {  	[sflag:s20] =	ssyncadd.s32 @!p1 $0xFFFFFC00  }
0x1ae: {  	_ =	swait.ge @!p1 [sflag:s20], $0x400  }
0x1af: {  	[sflag:s20] =	ssyncset.done @!p1 $0x0  }
0x1b0: {  	s24 =	simm.s32 $0x7040;
	[sflag:s20] =	ssyncadd.s32 @!p1 $0xFFFFFC00  }
0x1b1: {  	s23 =	simm.s32 $0xB040;
	v9 =	vld [tilespmem:s24+$0x30]  }
0x1b2: {  	v10 =	vld [tilespmem:s23+$0x30]  }
0x1b3: {  	v12 =	vld [tilespmem:s24+$0xFFFFFFD0]  }
0x1b4: {  	v13 =	vld [tilespmem:s23+$0xFFFFFFD0]  }
0x1b5: {  	v14 =	vld [tilespmem:s24+$0xFFFFFFE0]  }
0x1b6: {  	v15 =	vld [tilespmem:s23+$0xFFFFFFE0]  }
0x1b7: {  	v16 =	vld [tilespmem:s23+$0xFFFFFFF0]  }
0x1b8: {  	v17 =	vld [tilespmem:s23+$0x0];
	v9 =	vadd.f32 v10, v9  }
0x1b9: {  	v10 =	vld [tilespmem:s24+$0xFFFFFFF0]  }
0x1ba: {  	v12 =	vadd.f32 v13, v12;
	v13 =	vld [tilespmem:s24+$0x0];
	v9 =	vmul.f32 $1.442695020e+00, v9  }
0x1bb: {  	v11 =	vld [tilespmem:s23+$0xFFFFFFC0]  }
0x1bc: {  	v18 =	vld [tilespmem:s24+$0xFFFFFFC0];
	(erf) = vpow2.f32 v9;
	v9 =	vmul.f32 $1.442695020e+00, v12;
	v12 =	vadd.f32 v15, v14  }
0x1bd: {  	v14 =	vld [tilespmem:s24+$0x10]  }
0x1be: {  	v15 =	vld [tilespmem:s23+$0x10];
	v12 =	vmul.f32 $1.442695020e+00, v12;
	(erf) = vpow2.f32 v9  }
0x1bf: {  	v10 =	vadd.f32 v16, v10;
	v16 =	vld [tilespmem:s24+$0x20];
	v13 =	vadd.f32 v17, v13  }
0x1c0: {  	v9 =	vld [tilespmem:s23+$0x20];
	(erf) = vpow2.f32 v12  }
0x1c1: {  	v10 =	vmul.f32 $1.442695020e+00, v10;
	v13 =	vmul.f32 $1.442695020e+00, v13  }
0x1c2: {  	s25 =	simm.s32 $0x0;
	v11 =	vadd.f32 v11, v18  }
0x1c3: {  	s24 =	simm.s32 $0x4;
	v12 =	vmov s25;
	v14 =	vadd.f32 v15, v14;
	(erf) = vpow2.f32 v10  }
0x1c4: {  	v11 =	vmul.f32 $1.442695020e+00, v11;
	v17 =	vmov s24;
	v10 =	vshrl.u32 v12, $0x3  }
0x1c5: {  	s26 =	simm.s32 $0x1;
	s28 =	simm.s32 $0x2;
	(erf) = vpow2.f32 v13;
	v14 =	vmul.f32 $1.442695020e+00, v14;
	v9 =	vadd.f32 v9, v16;
	v13 =	vpop (erf)  }
0x1c6: {  	v12 =	vmov s26;
	v15 =	vmov s28;
	v13 =	vadd.f32 $1.000000000e+00, v13  }
0x1c7: {  	v19 =	vshrl.u32 v12, $0x3;
	v9 =	vmul.f32 $1.442695020e+00, v9;
	(erf) = vpow2.f32 v14;
	v18 =	vpop (erf)  }
0x1c8: {  	v15 =	vshrl.u32 v15, $0x3;
	(erf) = vrcp.f32 v13;
	v13 =	vadd.f32 $1.000000000e+00, v18  }
0x1c9: {  	s28 =	simm.s32 $0x7;
	v12 =	vshrl.u32 v17, $0x3;
	(erf) = vpow2.f32 v9;
	v9 =	vshll.u32 v10, v1;
	v10 =	vpop (erf)  }
0x1ca: {  	s25 =	simm.s32 $0x5;
	(erf) = vpow2.f32 v11;
	v10 =	vadd.f32 $1.000000000e+00, v10;
	v11 =	vmov s28  }
0x1cb: {  	s23 =	simm.s32 $0x3;
	v14 =	vmov s25;
	(erf) = vrcp.f32 v13;
	v17 =	vshrl.u32 v11, $0x3  }
0x1cc: {  	v16 =	vmov s23;
	v13 =	vpop (erf);
	(erf) = vrcp.f32 v10;
	v10 =	vshll.u32 v17, v1  }
0x1cd: {  	v20 =	vshrl.u32 v16, $0x3;
	v16 =	vadd.f32 $1.000000000e+00, v13;
	v17 =	vbroadcast v10, $0x0  }
0x1ce: {  	s26 =	simm.s32 $0x6;
	v21 =	vshll.u32 v15, v1;
	v13 =	vshrl.u32 v14, $0x3;
	v14 =	vpop (erf)  }
0x1cf: {  	v18 =	vmov s26;
	v14 =	vadd.f32 $1.000000000e+00, v14;
	(erf) = vrcp.f32 v16  }
0x1d0: {  	v11 =	vshrl.u32 v18, $0x3;
	v10 =	vbroadcast v9, $0x0;
	v9 =	vpop (erf);
	v16 =	vshll.u32 v19, v1  }
0x1d1: {  	s23 =	simm.s32 $0x70C0;
	v22 =	vadd.f32 $1.000000000e+00, v9;
	v9 =	vadd.s32 v8, v17;
	(erf) = vrcp.f32 v14;
	v17 =	vpop (erf)  }
0x1d2: {  	s24 =	simm.s32 $0xB0C0;
	v15 =	vld [tilespmem:s23+$0x30];
	v16 =	vbroadcast v16, $0x0;
	v14 =	vshll.u32 v20, v1;
	v18 =	vadd.f32 v17, v17;
	v20 =	vpop (erf)  }
0x1d3: {  	s20 =	simm.s32 $0x8;
	s25 =	simm.s32 $0x10;
	v19 =	vld [tilespmem:s24+$0x30];
	(erf) = vrcp.f32 v22;
	v17 =	vbroadcast v21, $0x0;
	v20 =	vadd.f32 $1.000000000e+00, v20;
	v21 =	vpop (erf)  }
.LBB2_8:
0x1d4: {  	p1 =	slt.u32 s25, $0x1F8;
	v22 =	vld [tilespmem:s24+$0xFFFFFFC0];
	v21 =	vadd.f32 $1.000000000e+00, v21;
	v16 =	vadd.s32 v2, v16;
	v18 =	vsub.f32 $1.000000000e+00, v18;
	v23 =	vpop (erf)  }
0x1d5: {  	v12 =	vshll.u32 v12, v1;
	v24 =	vld [tilespmem:s23+$0xFFFFFFD0];
	v23 =	vadd.f32 v23, v23;
	(erf) = vrcp.f32 v20  }
0x1d6: {  	v13 =	vshll.u32 v13, v1;
	v17 =	vadd.s32 v3, v17;
	v20 =	vld [tilespmem:s24+$0xFFFFFFD0];
	[tilespmem:v9+s0+$0x0] =	vst.idx.msk $0xffff, v18;
	(erf) = vrcp.f32 v21;
	v9 =	vpop (erf)  }
0x1d7: {  	v14 =	vbroadcast v14, $0x0;
	v18 =	vld [tilespmem:s23+$0xFFFFFFE0];
	v26 =	vsub.f32 $1.000000000e+00, v23;
	v9 =	vadd.f32 v9, v9  }
0x1d8: {  	v11 =	vshll.u32 v11, v1;
	v12 =	vbroadcast v12, $0x0;
	v23 =	vld [tilespmem:s24+$0xFFFFFFE0];
	v15 =	vadd.f32 v19, v15;
	v19 =	vpop (erf)  }
0x1d9: {  	v14 =	vadd.s32 v4, v14;
	v25 =	vld [tilespmem:s23+$0xFFFFFFF0];
	[tilespmem:v16+s0+$0x0] =	vst.idx.msk $0xffff, v26;
	v9 =	vsub.f32 $1.000000000e+00, v9;
	v26 =	vadd.f32 v19, v19  }
0x1da: {  	v13 =	vbroadcast v13, $0x0;
	v12 =	vadd.s32 v5, v12;
	v19 =	vld [tilespmem:s24+$0xFFFFFFF0];
	v15 =	vmul.f32 $1.442695020e+00, v15;
	v21 =	vpop (erf)  }
0x1db: {  	v11 =	vbroadcast v11, $0x0;
	v20 =	vadd.f32 v20, v24;
	v24 =	vld [tilespmem:s23+$0x0];
	[tilespmem:v17+s0+$0x0] =	vst.idx.msk $0xffff, v9;
	v9 =	vadd.f32 v21, v21  }
0x1dc: {  	v10 =	vadd.s32 v0, v10;
	v17 =	vld [tilespmem:s24+$0x0];
	(erf) = vpow2.f32 v15;
	v15 =	vsub.f32 $1.000000000e+00, v26;
	v16 =	vpop (erf)  }
0x1dd: {  	v26 =	vmul.f32 $1.442695020e+00, v20;
	v18 =	vadd.f32 v23, v18;
	v21 =	vld [tilespmem:s23+$0x10];
	v16 =	vadd.f32 v16, v16  }
0x1de: {  	v13 =	vadd.s32 v6, v13;
	v11 =	vadd.s32 v7, v11;
	v9 =	vsub.f32 $1.000000000e+00, v9;
	v23 =	vld [tilespmem:s24+$0x10];
	[tilespmem:v14+s0+$0x0] =	vst.idx.msk $0xffff, v15;
	v14 =	vpop (erf)  }
0x1df: {  	v15 =	vmul.f32 $1.442695020e+00, v18;
	v18 =	vadd.f32 v19, v25;
	v19 =	vld [tilespmem:s23+$0x20];
	(erf) = vpow2.f32 v26;
	v20 =	vpop (erf)  }
0x1e0: {  	v25 =	vmov s20;
	v26 =	vld [tilespmem:s24+$0x20];
	v20 =	vadd.f32 v20, v20;
	[tilespmem:v12+s0+$0x0] =	vst.idx.msk $0xffff, v9;
	v9 =	vadd.f32 v14, v14  }
0x1e1: {  	v12 =	vld [tilespmem:s23+$0xFFFFFFC0];
	v14 =	vmul.f32 $1.442695020e+00, v18;
	v17 =	vadd.f32 v17, v24;
	(erf) = vpow2.f32 v15  }
0x1e2: {  	v16 =	vsub.f32 $1.000000000e+00, v16;
	v15 =	vshrl.u32 v25, $0x3;
	v18 =	vsub.f32 $1.000000000e+00, v20  }
0x1e3: {  	s26 =	sadd.s32 $0x1, s20;
	s28 =	sadd.s32 $0x2, s20;
	v24 =	vmul.f32 $1.442695020e+00, v17;
	v20 =	vadd.f32 v23, v21;
	(erf) = vpow2.f32 v14  }
0x1e4: {  	v9 =	vsub.f32 $1.000000000e+00, v9;
	v14 =	vmov s26;
	v21 =	vmov s28;
	[tilespmem:v10+s0+$0x0] =	vst.idx.msk $0xffff, v18  }
0x1e5: {  	s26 =	sadd.s32 $0x3, s20;
	v10 =	vmul.f32 $1.442695020e+00, v20;
	v18 =	vadd.f32 v26, v19;
	(erf) = vpow2.f32 v24;
	v17 =	vpop (erf);
	[tilespmem:v13+s0+$0x0] =	vst.idx.msk $0xffff, v16  }
0x1e6: {  	v13 =	vmov s26;
	s26 =	sadd.s32 $0x4, s20;
	v19 =	vadd.f32 v22, v12;
	v16 =	vadd.f32 $1.000000000e+00, v17;
	[tilespmem:v11+s0+$0x0] =	vst.idx.msk $0xffff, v9  }
0x1e7: {  	v9 =	vmov s26;
	s26 =	sadd.s32 $0x5, s20;
	v11 =	vmul.f32 $1.442695020e+00, v18;
	(erf) = vpow2.f32 v10  }
0x1e8: {  	v17 =	vmov s26;
	s26 =	sadd.s32 $0x6, s20;
	v18 =	vmul.f32 $1.442695020e+00, v19;
	v12 =	vpop (erf);
	(erf) = vrcp.f32 v16  }
0x1e9: {  	v16 =	vmov s26;
	v12 =	vadd.f32 $1.000000000e+00, v12;
	(erf) = vpow2.f32 v11  }
0x1ea: {  	v15 =	vshll.u32 v15, v1;
	v14 =	vshrl.u32 v14, $0x3;
	(erf) = vpow2.f32 v18;
	v10 =	vpop (erf)  }
0x1eb: {  	s26 =	sadd.s32 $0x7, s20;
	s20 =	smov.u32 s25;
	v18 =	vshrl.u32 v21, $0x3;
	v22 =	vadd.f32 $1.000000000e+00, v10;
	(erf) = vrcp.f32 v12  }
0x1ec: {  	v19 =	vshrl.u32 v13, $0x3;
	v12 =	vshrl.u32 v9, $0x3;
	v9 =	vmov s26;
	v11 =	vpop (erf)  }
0x1ed: {  	v9 =	vshrl.u32 v9, $0x3;
	v20 =	vadd.f32 $1.000000000e+00, v11;
	(erf) = vrcp.f32 v22  }
0x1ee: {  	v13 =	vshrl.u32 v17, $0x3;
	v11 =	vshrl.u32 v16, $0x3;
	v9 =	vshll.u32 v9, v1;
	v10 =	vpop (erf)  }
.Ltmp7:
0x1ef: {  	v9 =	vbroadcast v9, $0x0;
	v16 =	vadd.f32 $1.000000000e+00, v10;
	(erf) = vrcp.f32 v20;
	(pc) =	sbr.rel @p1 .LBB2_8-.Ltmp7, $4  }
0x1f0: {  	v14 =	vshll.u32 v14, v1;
	v17 =	vshll.u32 v18, v1;
	v10 =	vbroadcast v15, $0x0;
	v15 =	vpop (erf)  }
0x1f1: {  	s23 =	sadd.s32 $0x80, s23;
	v9 =	vadd.s32 v8, v9;
	v22 =	vadd.f32 $1.000000000e+00, v15;
	(erf) = vrcp.f32 v16;
	v18 =	vpop (erf)  }
0x1f2: {  	s24 =	sadd.s32 $0x80, s24;
	v16 =	vbroadcast v14, $0x0;
	v14 =	vshll.u32 v19, v1;
	v15 =	vld [tilespmem:s23+$0x30];
	v18 =	vadd.f32 v18, v18;
	v20 =	vpop (erf)  }
0x1f3: {  	s25 =	sadd.s32 $0x8, s25;
	v17 =	vbroadcast v17, $0x0;
	v19 =	vld [tilespmem:s24+$0x30];
	v20 =	vadd.f32 $1.000000000e+00, v20;
	v21 =	vpop (erf);
	(erf) = vrcp.f32 v22  }
0x1f4: {  	v22 =	vld [tilespmem:s24+$0xFFFFFFC0]  }
0x1f5: {  	v23 =	vld [tilespmem:s23+$0xFFFFFFD0]  }
0x1f6: {  	v24 =	vld [tilespmem:s24+$0xFFFFFFD0]  }
0x1f7: {  	v25 =	vld [tilespmem:s23+$0xFFFFFFE0]  }
0x1f8: {  	v26 =	vld [tilespmem:s24+$0xFFFFFFE0]  }
0x1f9: {  	v55 =	vld [tilespmem:s23+$0xFFFFFFF0]  }
0x1fa: {  	v54 =	vadd.f32 $1.000000000e+00, v21;
	v56 =	vld [tilespmem:s24+$0xFFFFFFF0]  }
0x1fb: {  	v57 =	vld [tilespmem:s23+$0x0];
	v16 =	vadd.s32 v2, v16;
	v18 =	vsub.f32 $1.000000000e+00, v18;
	v12 =	vshll.u32 v12, v1  }
0x1fc: {  	v28 =	vld [tilespmem:s24+$0x0];
	v13 =	vshll.u32 v13, v1;
	v14 =	vbroadcast v14, $0x0;
	v15 =	vadd.f32 v19, v15  }
0x1fd: {  	v59 =	vld [tilespmem:s23+$0x10];
	v11 =	vshll.u32 v11, v1;
	v10 =	vadd.s32 v0, v10;
	(erf) = vrcp.f32 v20  }
0x1fe: {  	v27 =	vpop (erf);
	v29 =	vld [tilespmem:s24+$0x10];
	v51 =	vmov s20;
	v12 =	vbroadcast v12, $0x0;
	v15 =	vmul.f32 $1.442695020e+00, v15  }
0x1ff: {  	v30 =	vld [tilespmem:s24+$0x20];
	v58 =	vadd.f32 v27, v27;
	v13 =	vbroadcast v13, $0x0;
	(erf) = vrcp.f32 v54  }
0x200: {  	v62 =	vld [tilespmem:s23+$0x20];
	s26 =	sadd.s32 $0x1, s20;
	v17 =	vadd.s32 v3, v17;
	v11 =	vbroadcast v11, $0x0;
	(erf) = vpow2.f32 v15  }
0x201: {  	v63 =	vld [tilespmem:s23+$0xFFFFFFC0];
	v27 =	vshrl.u32 v51, $0x3;
	v31 =	vpop (erf);
	v14 =	vadd.s32 v4, v14;
	v54 =	vmov s26  }
0x202: {  	v27 =	vshll.u32 v27, v1;
	v60 =	vadd.f32 v31, v31;
	v12 =	vadd.s32 v5, v12  }
0x203: {  	v13 =	vadd.s32 v6, v13;
	v23 =	vadd.f32 v24, v23;
	v25 =	vadd.f32 v26, v25  }
0x204: {  	v11 =	vadd.s32 v7, v11;
	v61 =	vpop (erf);
	v20 =	vadd.f32 v56, v55;
	v19 =	vadd.f32 v28, v57  }
0x205: {  	v37 =	vadd.f32 v29, v59;
	v40 =	vadd.f32 v30, v62;
	v32 =	vpop (erf);
	v23 =	vmul.f32 $1.442695020e+00, v23  }
0x206: {  	v42 =	vadd.f32 v22, v63;
	v22 =	vsub.f32 $1.000000000e+00, v60;
	v25 =	vmul.f32 $1.442695020e+00, v25;
	v33 =	vpop (erf)  }
0x207: {  	s28 =	sadd.s32 $0x2, s20;
	v44 =	vadd.f32 v61, v61;
	v20 =	vmul.f32 $1.442695020e+00, v20;
	(erf) = vpow2.f32 v23;
	v36 =	vpop (erf)  }
0x208: {  	s24 =	sadd.s32 $0x3, s20;
	v57 =	vmov s28;
	v19 =	vmul.f32 $1.442695020e+00, v19;
	(erf) = vpow2.f32 v25;
	v38 =	vpop (erf)  }
0x209: {  	s25 =	sadd.s32 $0x4, s20;
	v60 =	vmov s24;
	v39 =	vmul.f32 $1.442695020e+00, v37;
	(erf) = vpow2.f32 v20;
	v41 =	vpop (erf)  }
0x20a: {  	v63 =	vmov s25;
	(erf) = vpow2.f32 v19;
	v43 =	vadd.f32 $1.000000000e+00, v41  }
0x20b: {  	v30 =	vshrl.u32 v54, $0x3;
	v23 =	vmul.f32 $1.442695020e+00, v40;
	(erf) = vpow2.f32 v39  }
0x20c: {  	s28 =	sadd.s32 $0x6, s20;
	v31 =	vshrl.u32 v57, $0x3;
	v19 =	vmul.f32 $1.442695020e+00, v42;
	(erf) = vrcp.f32 v43  }
0x20d: {  	v45 =	vadd.f32 v32, v32;
	v37 =	vmov s28;
	(erf) = vpow2.f32 v23  }
0x20e: {  	v32 =	vshrl.u32 v60, $0x3;
	v15 =	vsub.f32 $1.000000000e+00, v58;
	(erf) = vpow2.f32 v19  }
0x20f: {  	v46 =	vadd.f32 v33, v33;
	v21 =	vsub.f32 $1.000000000e+00, v45;
	v33 =	vshrl.u32 v63, $0x3  }
0x210: {  	v40 =	vshll.u32 v30, v1;
	v45 =	vshll.u32 v32, v1;
	v49 =	vadd.f32 v36, v36;
	v47 =	vpop (erf)  }
0x211: {  	s26 =	sadd.s32 $0x5, s20;
	[tilespmem:v17+s0+$0x0] =	vst.idx.msk $0xffff, v22;
	v17 =	vbroadcast v45, $0x0;
	v20 =	vsub.f32 $1.000000000e+00, v46;
	v50 =	vpop (erf);
	v23 =	vadd.f32 $1.000000000e+00, v47  }
0x212: {  	s23 =	sadd.s32 $0x7, s20;
	v36 =	vmov s26;
	v48 =	vadd.f32 v38, v38;
	v52 =	vpop (erf);
	v26 =	vadd.f32 $1.000000000e+00, v50  }
0x213: {  	v38 =	vmov s23;
	v53 =	vpop (erf);
	v55 =	vadd.f32 $1.000000000e+00, v52;
	(erf) = vrcp.f32 v23  }
0x214: {  	[tilespmem:v9+s0+$0x0] =	vst.idx.msk $0xffff, v18;
	v9 =	vshrl.u32 v36, $0x3;
	v42 =	vbroadcast v27, $0x0;
	v56 =	vpop (erf);
	(erf) = vrcp.f32 v26  }
0x215: {  	v17 =	vadd.s32 v4, v17;
	v58 =	vadd.f32 $1.000000000e+00, v53;
	v59 =	vpop (erf);
	(erf) = vrcp.f32 v55  }
0x216: {  	v25 =	vsub.f32 $1.000000000e+00, v49;
	v9 =	vshll.u32 v9, v1;
	v61 =	vadd.f32 $1.000000000e+00, v56;
	v62 =	vpop (erf)  }
0x217: {  	v24 =	vsub.f32 $1.000000000e+00, v48;
	(erf) = vrcp.f32 v58;
	v34 =	vadd.f32 $1.000000000e+00, v62;
	v35 =	vpop (erf)  }
0x218: {  	v41 =	vshrl.u32 v37, $0x3;
	(erf) = vrcp.f32 v61;
	v28 =	vadd.f32 $1.000000000e+00, v35  }
0x219: {  	v9 =	vbroadcast v9, $0x0;
	v57 =	vshll.u32 v41, v1;
	(erf) = vrcp.f32 v34  }
0x21a: {  	v43 =	vshll.u32 v31, v1;
	v23 =	vbroadcast v40, $0x0;
	(erf) = vrcp.f32 v28  }
0x21b: {  	[tilespmem:v16+s0+$0x0] =	vst.idx.msk $0xffff, v15;
	v50 =	vshll.u32 v33, v1;
	v46 =	vbroadcast v43, $0x0;
	v28 =	vshrl.u32 v38, $0x3  }
0x21c: {  	[tilespmem:v13+s0+$0x0] =	vst.idx.msk $0xffff, v20;
	v13 =	vbroadcast v57, $0x0;
	v23 =	vadd.s32 v2, v23;
	v47 =	vpop (erf);
	v28 =	vshll.u32 v28, v1  }
0x21d: {  	[tilespmem:v12+s0+$0x0] =	vst.idx.msk $0xffff, v21;
	v52 =	vadd.s32 v3, v46;
	v49 =	vadd.f32 v47, v47;
	v51 =	vpop (erf);
	v39 =	vbroadcast v28, $0x0  }
0x21e: {  	[tilespmem:v11+s0+$0x0] =	vst.idx.msk $0xffff, v25;
	v19 =	vsub.f32 $1.000000000e+00, v44;
	v55 =	vbroadcast v50, $0x0;
	v53 =	vadd.f32 v51, v51;
	v54 =	vpop (erf)  }
0x21f: {  	[tilespmem:v10+s0+$0x0] =	vst.idx.msk $0xffff, v24;
	v10 =	vsub.f32 $1.000000000e+00, v49;
	v18 =	vadd.s32 v8, v39;
	v11 =	vadd.f32 v54, v54  }
0x220: {  	[tilespmem:v14+s0+$0x0] =	vst.idx.msk $0xffff, v19;
	v44 =	vadd.f32 v59, v59;
	v19 =	vadd.s32 v5, v55;
	v58 =	vsub.f32 $1.000000000e+00, v53;
	v56 =	vpop (erf)  }
0x221: {  	v9 =	vadd.s32 v6, v9;
	[tilespmem:v23+s0+$0x0] =	vst.idx.msk $0xffff, v10;
	v59 =	vpop (erf);
	v61 =	vadd.f32 v56, v56;
	v10 =	vsub.f32 $1.000000000e+00, v11  }
0x222: {  	v13 =	vadd.s32 v7, v13;
	v48 =	vsub.f32 $1.000000000e+00, v44;
	[tilespmem:v52+s0+$0x0] =	vst.idx.msk $0xffff, v58;
	v63 =	vadd.f32 v59, v59;
	v60 =	vpop (erf)  }
0x223: {  	v16 =	vadd.s32 v0, v42;
	v14 =	vsub.f32 $1.000000000e+00, v61;
	v62 =	vpop (erf);
	[tilespmem:v17+s0+$0x0] =	vst.idx.msk $0xffff, v10;
	v10 =	vadd.f32 v60, v60  }
0x224: {  	[tilespmem:v18+s0+$0x0] =	vst.idx.msk $0xffff, v48;
	v12 =	vsub.f32 $1.000000000e+00, v63;
	v11 =	vadd.f32 v62, v62  }
0x225: {  	[tilespmem:v19+s0+$0x0] =	vst.idx.msk $0xffff, v14;
	v10 =	vsub.f32 $1.000000000e+00, v10  }
0x226: {  	s19 =	sadd.s32 s7, s19;
	[tilespmem:v9+s0+$0x0] =	vst.idx.msk $0xffff, v12;
	v11 =	vsub.f32 $1.000000000e+00, v11  }
0x227: {  	s19 =	sshll.u32 s19, $0x9;
	[tilespmem:v13+s0+$0x0] =	vst.idx.msk $0xffff, v10  }
0x228: {  	s20 =	sadd.s32 s1, s19;
	[tilespmem:v16+s0+$0x0] =	vst.idx.msk $0xffff, v11  }
0x229: {  	[hbm4b:s20+s4] =	stream.linear.scatter [tilespmem:s0], [sflag:$0x4], $0x80, $0x38;
	[tilespmem:$0x15F20] =	vst v63  }
0x22a: {  	s25 =	simm.s32 $0xF288;
	s24 =	sadd.s32 $0x10, s20  }
0x22b: {  	[hbm4b:s24+s4] =	stream.linear.scatter [tilespmem:s25], [sflag:$0x4], $0x80, $0x38;
	[tilespmem:$0x15F20] =	vst v63  }
0x22c: {  	s28 =	simm.s32 $0xF490;
	s26 =	sadd.s32 $0x20, s20  }
0x22d: {  	[hbm4b:s26+s4] =	stream.linear.scatter [tilespmem:s28], [sflag:$0x4], $0x80, $0x38;
	[tilespmem:$0x15F20] =	vst v63  }
0x22e: {  	s24 =	sadd.s32 $0x30, s20;
	s25 =	simm.s32 $0xF698  }
0x22f: {  	[hbm4b:s24+s4] =	stream.linear.scatter [tilespmem:s25], [sflag:$0x4], $0x80, $0x38;
	[tilespmem:$0x15F20] =	vst v63  }
0x230: {  	s26 =	sadd.s32 $0x40, s20;
	s28 =	simm.s32 $0xF8A0  }
0x231: {  	[hbm4b:s26+s4] =	stream.linear.scatter [tilespmem:s28], [sflag:$0x4], $0x80, $0x38;
	[tilespmem:$0x15F20] =	vst v63  }
0x232: {  	s24 =	sadd.s32 $0x50, s20;
	s25 =	simm.s32 $0xFAA8  }
0x233: {  	[hbm4b:s24+s4] =	stream.linear.scatter [tilespmem:s25], [sflag:$0x4], $0x80, $0x38;
	[tilespmem:$0x15F20] =	vst v63  }
0x234: {  	s26 =	sadd.s32 $0x60, s20;
	s28 =	simm.s32 $0xFCB0  }
0x235: {  	[hbm4b:s26+s4] =	stream.linear.scatter [tilespmem:s28], [sflag:$0x4], $0x80, $0x38;
	[tilespmem:$0x15F20] =	vst v63  }
0x236: {  	s20 =	sadd.s32 $0x70, s20;
	s24 =	simm.s32 $0xFEB8  }
0x237: {  	[hbm4b:s20+s4] =	stream.linear.scatter [tilespmem:s24], [sflag:$0x4], $0x80, $0x38;
	[tilespmem:$0x15F20] =	vst v63  }
0x238: {  	s25 =	simm.s32 $0xF100;
	s20 =	sadd.s32 s19, s11  }
0x239: {  	[hbm4b:s20+s4] =	stream.linear.scatter [tilespmem:s25], [sflag:$0x4], $0x80, $0x38;
	[tilespmem:$0x15F20] =	vst v63  }
0x23a: {  	s28 =	simm.s32 $0xF308;
	s26 =	sadd.s32 $0x10, s20  }
0x23b: {  	[hbm4b:s26+s4] =	stream.linear.scatter [tilespmem:s28], [sflag:$0x4], $0x80, $0x38;
	[tilespmem:$0x15F20] =	vst v63  }
0x23c: {  	s24 =	sadd.s32 $0x20, s20;
	s25 =	simm.s32 $0xF510  }
0x23d: {  	[hbm4b:s24+s4] =	stream.linear.scatter [tilespmem:s25], [sflag:$0x4], $0x80, $0x38;
	[tilespmem:$0x15F20] =	vst v63  }
0x23e: {  	s26 =	sadd.s32 $0x30, s20;
	s28 =	simm.s32 $0xF718  }
0x23f: {  	[hbm4b:s26+s4] =	stream.linear.scatter [tilespmem:s28], [sflag:$0x4], $0x80, $0x38;
	[tilespmem:$0x15F20] =	vst v63  }
0x240: {  	s24 =	sadd.s32 $0x40, s20;
	s25 =	simm.s32 $0xF920  }
0x241: {  	[hbm4b:s24+s4] =	stream.linear.scatter [tilespmem:s25], [sflag:$0x4], $0x80, $0x38;
	[tilespmem:$0x15F20] =	vst v63  }
0x242: {  	s26 =	sadd.s32 $0x50, s20;
	s28 =	simm.s32 $0xFB28  }
0x243: {  	[hbm4b:s26+s4] =	stream.linear.scatter [tilespmem:s28], [sflag:$0x4], $0x80, $0x38;
	[tilespmem:$0x15F20] =	vst v63  }
0x244: {  	s24 =	sadd.s32 $0x60, s20;
	s25 =	simm.s32 $0xFD30  }
0x245: {  	[hbm4b:s24+s4] =	stream.linear.scatter [tilespmem:s25], [sflag:$0x4], $0x80, $0x38;
	[tilespmem:$0x15F20] =	vst v63  }
0x246: {  	s20 =	sadd.s32 $0x70, s20;
	s26 =	simm.s32 $0xFF38  }
0x247: {  	[hbm4b:s20+s4] =	stream.linear.scatter [tilespmem:s26], [sflag:$0x4], $0x80, $0x38;
	[tilespmem:$0x15F20] =	vst v63  }
0x248: {  	s28 =	simm.s32 $0xF180;
	s20 =	sadd.s32 s19, s12  }
0x249: {  	[hbm4b:s20+s4] =	stream.linear.scatter [tilespmem:s28], [sflag:$0x4], $0x80, $0x38;
	[tilespmem:$0x15F20] =	vst v63  }
0x24a: {  	s25 =	simm.s32 $0xF388;
	s24 =	sadd.s32 $0x10, s20  }
0x24b: {  	[hbm4b:s24+s4] =	stream.linear.scatter [tilespmem:s25], [sflag:$0x4], $0x80, $0x38;
	[tilespmem:$0x15F20] =	vst v63  }
0x24c: {  	s26 =	sadd.s32 $0x20, s20;
	s28 =	simm.s32 $0xF590  }
0x24d: {  	[hbm4b:s26+s4] =	stream.linear.scatter [tilespmem:s28], [sflag:$0x4], $0x80, $0x38;
	[tilespmem:$0x15F20] =	vst v63  }
0x24e: {  	s24 =	sadd.s32 $0x30, s20;
	s25 =	simm.s32 $0xF798  }
0x24f: {  	[hbm4b:s24+s4] =	stream.linear.scatter [tilespmem:s25], [sflag:$0x4], $0x80, $0x38;
	[tilespmem:$0x15F20] =	vst v63  }
0x250: {  	s26 =	sadd.s32 $0x40, s20;
	s28 =	simm.s32 $0xF9A0  }
0x251: {  	[hbm4b:s26+s4] =	stream.linear.scatter [tilespmem:s28], [sflag:$0x4], $0x80, $0x38;
	[tilespmem:$0x15F20] =	vst v63  }
0x252: {  	s24 =	sadd.s32 $0x50, s20;
	s25 =	simm.s32 $0xFBA8  }
0x253: {  	[hbm4b:s24+s4] =	stream.linear.scatter [tilespmem:s25], [sflag:$0x4], $0x80, $0x38;
	[tilespmem:$0x15F20] =	vst v63  }
0x254: {  	s26 =	sadd.s32 $0x60, s20;
	s28 =	simm.s32 $0xFDB0  }
0x255: {  	[hbm4b:s26+s4] =	stream.linear.scatter [tilespmem:s28], [sflag:$0x4], $0x80, $0x38;
	[tilespmem:$0x15F20] =	vst v63  }
0x256: {  	s20 =	sadd.s32 $0x70, s20;
	s24 =	simm.s32 $0xFFB8  }
0x257: {  	[hbm4b:s20+s4] =	stream.linear.scatter [tilespmem:s24], [sflag:$0x4], $0x80, $0x38;
	[tilespmem:$0x15F20] =	vst v63  }
0x258: {  	s25 =	simm.s32 $0xF200;
	s20 =	sadd.s32 s19, s13  }
0x259: {  	[hbm4b:s20+s4] =	stream.linear.scatter [tilespmem:s25], [sflag:$0x4], $0x80, $0x38;
	[tilespmem:$0x15F20] =	vst v63  }
0x25a: {  	s28 =	simm.s32 $0xF408;
	s26 =	sadd.s32 $0x10, s20  }
0x25b: {  	[hbm4b:s26+s4] =	stream.linear.scatter [tilespmem:s28], [sflag:$0x4], $0x80, $0x38;
	[tilespmem:$0x15F20] =	vst v63  }
0x25c: {  	s24 =	sadd.s32 $0x20, s20;
	s25 =	simm.s32 $0xF610  }
0x25d: {  	[hbm4b:s24+s4] =	stream.linear.scatter [tilespmem:s25], [sflag:$0x4], $0x80, $0x38;
	[tilespmem:$0x15F20] =	vst v63  }
0x25e: {  	s26 =	sadd.s32 $0x30, s20;
	s28 =	simm.s32 $0xF818  }
0x25f: {  	[hbm4b:s26+s4] =	stream.linear.scatter [tilespmem:s28], [sflag:$0x4], $0x80, $0x38;
	[tilespmem:$0x15F20] =	vst v63  }
0x260: {  	s24 =	sadd.s32 $0x40, s20;
	s25 =	simm.s32 $0xFA20  }
0x261: {  	[hbm4b:s24+s4] =	stream.linear.scatter [tilespmem:s25], [sflag:$0x4], $0x80, $0x38;
	[tilespmem:$0x15F20] =	vst v63  }
0x262: {  	s26 =	sadd.s32 $0x50, s20;
	s28 =	simm.s32 $0xFC28  }
0x263: {  	[hbm4b:s26+s4] =	stream.linear.scatter [tilespmem:s28], [sflag:$0x4], $0x80, $0x38;
	[tilespmem:$0x15F20] =	vst v63  }
0x264: {  	s24 =	sadd.s32 $0x60, s20;
	s25 =	simm.s32 $0xFE30  }
0x265: {  	[hbm4b:s24+s4] =	stream.linear.scatter [tilespmem:s25], [sflag:$0x4], $0x80, $0x38;
	[tilespmem:$0x15F20] =	vst v63  }
0x266: {  	s20 =	sadd.s32 $0x70, s20;
	s26 =	simm.s32 $0x10038  }
0x267: {  	[hbm4b:s20+s4] =	stream.linear.scatter [tilespmem:s26], [sflag:$0x4], $0x80, $0x38;
	[tilespmem:$0x15F20] =	vst v63  }
0x268: {  	s28 =	simm.s32 $0x100C0;
	s20 =	sadd.s32 s19, s14  }
0x269: {  	[hbm4b:s20+s4] =	stream.linear.scatter [tilespmem:s28], [sflag:$0x4], $0x80, $0x38;
	[tilespmem:$0x15F20] =	vst v63  }
0x26a: {  	s25 =	simm.s32 $0x102C8;
	s24 =	sadd.s32 $0x10, s20  }
0x26b: {  	[hbm4b:s24+s4] =	stream.linear.scatter [tilespmem:s25], [sflag:$0x4], $0x80, $0x38;
	[tilespmem:$0x15F20] =	vst v63  }
0x26c: {  	s26 =	sadd.s32 $0x20, s20;
	s28 =	simm.s32 $0x104D0  }
0x26d: {  	[hbm4b:s26+s4] =	stream.linear.scatter [tilespmem:s28], [sflag:$0x4], $0x80, $0x38;
	[tilespmem:$0x15F20] =	vst v63  }
0x26e: {  	s24 =	sadd.s32 $0x30, s20;
	s25 =	simm.s32 $0x106D8  }
0x26f: {  	[hbm4b:s24+s4] =	stream.linear.scatter [tilespmem:s25], [sflag:$0x4], $0x80, $0x38;
	[tilespmem:$0x15F20] =	vst v63  }
0x270: {  	s26 =	sadd.s32 $0x40, s20;
	s28 =	simm.s32 $0x108E0  }
0x271: {  	[hbm4b:s26+s4] =	stream.linear.scatter [tilespmem:s28], [sflag:$0x4], $0x80, $0x38;
	[tilespmem:$0x15F20] =	vst v63  }
0x272: {  	s24 =	sadd.s32 $0x50, s20;
	s25 =	simm.s32 $0x10AE8  }
0x273: {  	[hbm4b:s24+s4] =	stream.linear.scatter [tilespmem:s25], [sflag:$0x4], $0x80, $0x38;
	[tilespmem:$0x15F20] =	vst v63  }
0x274: {  	s26 =	sadd.s32 $0x60, s20;
	s28 =	simm.s32 $0x10CF0  }
0x275: {  	[hbm4b:s26+s4] =	stream.linear.scatter [tilespmem:s28], [sflag:$0x4], $0x80, $0x38;
	[tilespmem:$0x15F20] =	vst v63  }
0x276: {  	s20 =	sadd.s32 $0x70, s20;
	s24 =	simm.s32 $0x10EF8  }
0x277: {  	[hbm4b:s20+s4] =	stream.linear.scatter [tilespmem:s24], [sflag:$0x4], $0x80, $0x38;
	[tilespmem:$0x15F20] =	vst v63  }
0x278: {  	s25 =	simm.s32 $0x10140;
	s20 =	sadd.s32 s19, s15  }
0x279: {  	[hbm4b:s20+s4] =	stream.linear.scatter [tilespmem:s25], [sflag:$0x4], $0x80, $0x38;
	[tilespmem:$0x15F20] =	vst v63  }
0x27a: {  	s28 =	simm.s32 $0x10348;
	s26 =	sadd.s32 $0x10, s20  }
0x27b: {  	[hbm4b:s26+s4] =	stream.linear.scatter [tilespmem:s28], [sflag:$0x4], $0x80, $0x38;
	[tilespmem:$0x15F20] =	vst v63  }
0x27c: {  	s24 =	sadd.s32 $0x20, s20;
	s25 =	simm.s32 $0x10550  }
0x27d: {  	[hbm4b:s24+s4] =	stream.linear.scatter [tilespmem:s25], [sflag:$0x4], $0x80, $0x38;
	[tilespmem:$0x15F20] =	vst v63  }
0x27e: {  	s26 =	sadd.s32 $0x30, s20;
	s28 =	simm.s32 $0x10758  }
0x27f: {  	[hbm4b:s26+s4] =	stream.linear.scatter [tilespmem:s28], [sflag:$0x4], $0x80, $0x38;
	[tilespmem:$0x15F20] =	vst v63  }
0x280: {  	s24 =	sadd.s32 $0x40, s20;
	s25 =	simm.s32 $0x10960  }
0x281: {  	[hbm4b:s24+s4] =	stream.linear.scatter [tilespmem:s25], [sflag:$0x4], $0x80, $0x38;
	[tilespmem:$0x15F20] =	vst v63  }
0x282: {  	s26 =	sadd.s32 $0x50, s20;
	s28 =	simm.s32 $0x10B68  }
0x283: {  	[hbm4b:s26+s4] =	stream.linear.scatter [tilespmem:s28], [sflag:$0x4], $0x80, $0x38;
	[tilespmem:$0x15F20] =	vst v63  }
0x284: {  	s24 =	sadd.s32 $0x60, s20;
	s25 =	simm.s32 $0x10D70  }
0x285: {  	[hbm4b:s24+s4] =	stream.linear.scatter [tilespmem:s25], [sflag:$0x4], $0x80, $0x38;
	[tilespmem:$0x15F20] =	vst v63  }
0x286: {  	s20 =	sadd.s32 $0x70, s20;
	s26 =	simm.s32 $0x10F78  }
0x287: {  	[hbm4b:s20+s4] =	stream.linear.scatter [tilespmem:s26], [sflag:$0x4], $0x80, $0x38;
	[tilespmem:$0x15F20] =	vst v63  }
0x288: {  	s28 =	simm.s32 $0x101C0;
	s20 =	sadd.s32 s19, s16  }
0x289: {  	[hbm4b:s20+s4] =	stream.linear.scatter [tilespmem:s28], [sflag:$0x4], $0x80, $0x38;
	[tilespmem:$0x15F20] =	vst v63  }
0x28a: {  	s25 =	simm.s32 $0x103C8;
	s24 =	sadd.s32 $0x10, s20  }
0x28b: {  	[hbm4b:s24+s4] =	stream.linear.scatter [tilespmem:s25], [sflag:$0x4], $0x80, $0x38;
	[tilespmem:$0x15F20] =	vst v63  }
0x28c: {  	s26 =	sadd.s32 $0x20, s20;
	s28 =	simm.s32 $0x105D0  }
0x28d: {  	[hbm4b:s26+s4] =	stream.linear.scatter [tilespmem:s28], [sflag:$0x4], $0x80, $0x38;
	[tilespmem:$0x15F20] =	vst v63  }
0x28e: {  	s24 =	sadd.s32 $0x30, s20;
	s25 =	simm.s32 $0x107D8  }
0x28f: {  	[hbm4b:s24+s4] =	stream.linear.scatter [tilespmem:s25], [sflag:$0x4], $0x80, $0x38;
	[tilespmem:$0x15F20] =	vst v63  }
0x290: {  	s26 =	sadd.s32 $0x40, s20;
	s28 =	simm.s32 $0x109E0  }
0x291: {  	[hbm4b:s26+s4] =	stream.linear.scatter [tilespmem:s28], [sflag:$0x4], $0x80, $0x38;
	[tilespmem:$0x15F20] =	vst v63  }
0x292: {  	s24 =	sadd.s32 $0x50, s20;
	s25 =	simm.s32 $0x10BE8  }
0x293: {  	[hbm4b:s24+s4] =	stream.linear.scatter [tilespmem:s25], [sflag:$0x4], $0x80, $0x38;
	[tilespmem:$0x15F20] =	vst v63  }
0x294: {  	s26 =	sadd.s32 $0x60, s20;
	s28 =	simm.s32 $0x10DF0  }
0x295: {  	[hbm4b:s26+s4] =	stream.linear.scatter [tilespmem:s28], [sflag:$0x4], $0x80, $0x38;
	[tilespmem:$0x15F20] =	vst v63  }
0x296: {  	s20 =	sadd.s32 $0x70, s20;
	s24 =	simm.s32 $0x10FF8  }
0x297: {  	[hbm4b:s20+s4] =	stream.linear.scatter [tilespmem:s24], [sflag:$0x4], $0x80, $0x38;
	[tilespmem:$0x15F20] =	vst v63  }
0x298: {  	s19 =	sadd.s32 s19, s17;
	s25 =	simm.s32 $0x10240  }
0x299: {  	[hbm4b:s19+s4] =	stream.linear.scatter [tilespmem:s25], [sflag:$0x4], $0x80, $0x38;
	[tilespmem:$0x15F20] =	vst v63  }
0x29a: {  	s26 =	sadd.s32 $0x10, s19;
	s28 =	simm.s32 $0x10448  }
0x29b: {  	[hbm4b:s26+s4] =	stream.linear.scatter [tilespmem:s28], [sflag:$0x4], $0x80, $0x38;
	[tilespmem:$0x15F20] =	vst v63  }
0x29c: {  	s24 =	sadd.s32 $0x20, s19;
	s25 =	simm.s32 $0x10650  }
0x29d: {  	[hbm4b:s24+s4] =	stream.linear.scatter [tilespmem:s25], [sflag:$0x4], $0x80, $0x38;
	[tilespmem:$0x15F20] =	vst v63  }
0x29e: {  	s26 =	sadd.s32 $0x30, s19;
	s28 =	simm.s32 $0x10858  }
0x29f: {  	[hbm4b:s26+s4] =	stream.linear.scatter [tilespmem:s28], [sflag:$0x4], $0x80, $0x38;
	[tilespmem:$0x15F20] =	vst v63  }
0x2a0: {  	s24 =	sadd.s32 $0x40, s19;
	s25 =	simm.s32 $0x10A60  }
0x2a1: {  	[hbm4b:s24+s4] =	stream.linear.scatter [tilespmem:s25], [sflag:$0x4], $0x80, $0x38;
	[tilespmem:$0x15F20] =	vst v63  }
0x2a2: {  	s26 =	sadd.s32 $0x50, s19  }
0x2a3: {  	[hbm4b:s26+s4] =	stream.linear.scatter [tilespmem:s29], [sflag:$0x4], $0x80, $0x38;
	[tilespmem:$0x15F20] =	vst v63  }
0x2a4: {  	s28 =	sadd.s32 $0x60, s19  }
0x2a5: {  	[hbm4b:s28+s4] =	stream.linear.scatter [tilespmem:s5], [sflag:$0x4], $0x80, $0x38;
	[tilespmem:$0x15F20] =	vst v63  }
0x2a6: {  	s18 =	sadd.s32 $0x3, s18;
	s19 =	sadd.s32 $0x70, s19  }
0x2a7: {  	[hbm4b:s19+s4] =	stream.linear.scatter [tilespmem:s22], [sflag:$0x4], $0x80, $0x38;
	[tilespmem:$0x15F20] =	vst v63  }
.Ltmp8:
0x2a8: {  	p1 =	sge.s32 s18, s8;
	(pc) =	sbr.rel .LBB2_10-.Ltmp8, $4  }
0x2a9: {  	s18 =	sshll.u32 @!p1 s18, $0x9;
	s20 =	simm.s32 @!p1 $0x7000;
	s19 =	simm.s32 @!p1 $0x200  }
0x2aa: {  	[tilespmem:s20], [sflag:$0x2] =	stream.indirect.gather @!p1 [spmem:s2], $0x10, s18, s19, $0xb8;
	[tilespmem:$0x15F20] =	vst v63  }
0x2ab: {  	s18 =	sadd.s32 @!p1 $0x2800, s18;
	s20 =	simm.s32 @!p1 $0xB000  }
0x2ac: {  	[tilespmem:s20], [sflag:$0x2] =	stream.indirect.gather @!p1 [spmem:s3], $0x10, s18, s19, $0xb8;
	[tilespmem:$0x15F20] =	vst v63  }
.LBB2_12:
0x2ad: {  	_ =	sfence.sel $0x180000  }
0x2ae: {  	[bflag:$0x0] =	sbarrier.arrive $0xFFFF  }
0x2af: {  	_ =	strace $0x90000047  }
0x2b0: {  	[bflag:$0x2] =	sbarrier.arrive $0xFFFF  }
0x2b1: {  	s0 =	rddreg [dreg:$0x6]  }
0x2b2: {  	s0 =	sadd.s32 @!p0 $0x100000, s0  }
0x2b3: {  	[sflag:s0] =	ssyncadd.tile.s32 @!p0 $0x1;
	_ =	shalt  }
.Lfunc_end2:
_tile_overlayer_lowered:
.L_overlay_start_2:
0x2b4: {  	(tag) =	ssettag $0x2  }
0x2b5: {  	s0 =	rddreg [dreg:$0x0];
	s2 =	stileid.u32  }
0x2b6: {  	s1 =	rddreg [dreg:$0x1];
	p0 =	sne.s32 s2, $0x0  }
0x2b7: {  	s3 =	rddreg [dreg:$0x2];
	[bflag:$0x3] =	sbarrier.arrive $0xFFFF;
	s2 =	simm.s32 @!p0 $0x1C06  }
0x2b8: {  	[timem:s3], [sflag:s2] =	dma.local @!p0 [hbm:s0], s1  }
0x2b9: {  	s0 =	simm.s32 @!p0 $0x6  }
0x2ba: {  	_ =	swait.ge @!p0 [sflag:s0], s1  }
0x2bb: {  	s1 =	ssub.s32 @!p0 $0x0, s1;
	[sflag:s0] =	ssyncset.done @!p0 $0x0  }
0x2bc: {  	[sflag:s0] =	ssyncadd.s32 @!p0 s1  }
0x2bd: {  	[bflag:$0x3] =	sbarrier.arrive $0xFFFF  }
0x2be: {  	_ =	shalt  }

</sc_bundles>
